<compile_context>
chip_gen: v7x
topology: tpu7x:2x2x1
jax: 0.10.2.dev20260603
libtpu: 0.0.44.dev20260713+nightly
codegen_flags: <defaults>
</compile_context>

<pallas_src>
import functools

import jax
import jax.numpy as jnp
from jax import lax
from jax.experimental import pallas as pl
from jax.experimental.pallas import tpu as pltpu
from jax.experimental.pallas import tpu_sc as plsc

N = 10000
E = 320000
D = 128
K = 125
SH = 14
L = 16


@functools.lru_cache(maxsize=None)
def _build_sc_agg():
    info = plsc.get_sparse_core_info()
    nc, ns = info.num_cores, info.num_subcores
    nw = nc * ns
    e_per_w = E // nw
    ch = e_per_w // K
    assert ch * K == e_per_w and ch % 2 == 0
    rps = (N // ns) & ~7
    tail = N - ns * rps
    offs = list(range(0, K - L, L)) + [K - L]

    mesh = plsc.VectorSubcoreMesh(core_axis_name="c", subcore_axis_name="s")

    @functools.partial(
        pl.kernel,
        mesh=mesh,
        out_type=jax.ShapeDtypeStruct((nc, N, D), jnp.float32),
        scratch_types=[
            pltpu.VMEM((ch, K), jnp.int32),
            pltpu.VMEM((2, K), jnp.int32),
            pltpu.VMEM((2, K), jnp.int32),
            pltpu.VMEM((K, D), jnp.float32),
            pltpu.VMEM((K, D), jnp.float32),
            pltpu.SemaphoreType.DMA,
            pltpu.SemaphoreType.DMA,
            pltpu.VMEM_SHARED((N, D), jnp.float32),
        ],
    )
    def sc_agg(h_hbm, combo_hbm, zeros_hbm, out_hbm,
               combo_v, src_dec, dst_dec, b0, b1, sem0, sem1, acc_shared):
        cid = lax.axis_index("c")
        sid = lax.axis_index("s")
        wid = sid * nc + cid

        def decode(j, p):
            for o in offs:
                w = combo_v[j, pl.ds(o, L)]
                src_dec[p, pl.ds(o, L)] = w >> SH
                dst_dec[p, pl.ds(o, L)] = w & ((1 << SH) - 1)

        pltpu.sync_copy(zeros_hbm.at[pl.ds(sid * rps, rps)],
                        acc_shared.at[pl.ds(sid * rps, rps)])

        @pl.when(sid == ns - 1)
        def _():
            pltpu.sync_copy(zeros_hbm.at[pl.ds(ns * rps, tail)],
                            acc_shared.at[pl.ds(ns * rps, tail)])

        pltpu.sync_copy(combo_hbm.at[wid], combo_v)
        plsc.subcore_barrier()

        decode(0, 0)
        pltpu.async_copy(h_hbm.at[src_dec.at[0]], b0, sem0)

        def body(j2, carry):
            j = 2 * j2
            decode(j + 1, 1)
            pltpu.async_copy(h_hbm.at[src_dec.at[1]], b1, sem1)
            pltpu.make_async_copy(h_hbm.at[src_dec.at[0]], b0, sem0).wait()
            pltpu.sync_copy(b0, acc_shared.at[dst_dec.at[0]], add=True)

            @pl.when(j + 2 < ch)
            def _():
                decode(j + 2, 0)
                pltpu.async_copy(h_hbm.at[src_dec.at[0]], b0, sem0)

            pltpu.make_async_copy(h_hbm.at[src_dec.at[1]], b1, sem1).wait()
            pltpu.sync_copy(b1, acc_shared.at[dst_dec.at[1]], add=True)
            return carry

        lax.fori_loop(0, ch // 2, body, 0)
        plsc.subcore_barrier()

        pltpu.sync_copy(acc_shared.at[pl.ds(sid * rps, rps)],
                        out_hbm.at[cid, pl.ds(sid * rps, rps)])

        @pl.when(sid == ns - 1)
        def _():
            pltpu.sync_copy(acc_shared.at[pl.ds(ns * rps, tail)],
                            out_hbm.at[cid, pl.ds(ns * rps, tail)])

    return sc_agg, nc, nw, ch


def _mlp(h, agg, eps, W1, b1, W2, b2, nc):
    blk = 2000

    def body(h_ref, a_ref, eps_ref, w1_ref, b1_ref, w2_ref, b2_ref, o_ref):
        z = (1.0 + eps_ref[0, 0]) * h_ref[...]
        for c in range(nc):
            z = z + a_ref[c]
        z = jnp.maximum(
            jnp.dot(z, w1_ref[...], preferred_element_type=jnp.float32)
            + b1_ref[...], 0.0)
        z = jnp.dot(z, w2_ref[...], preferred_element_type=jnp.float32) + b2_ref[...]
        o_ref[...] = jnp.maximum(z, 0.0)

    return pl.pallas_call(
        body,
        grid=(N // blk,),
        in_specs=[
            pl.BlockSpec((blk, D), lambda i: (i, 0)),
            pl.BlockSpec((nc, blk, D), lambda i: (0, i, 0)),
            pl.BlockSpec((1, 1), lambda i: (0, 0)),
            pl.BlockSpec((D, D), lambda i: (0, 0)),
            pl.BlockSpec((1, D), lambda i: (0, 0)),
            pl.BlockSpec((D, D), lambda i: (0, 0)),
            pl.BlockSpec((1, D), lambda i: (0, 0)),
        ],
        out_specs=pl.BlockSpec((blk, D), lambda i: (i, 0)),
        out_shape=jax.ShapeDtypeStruct((N, D), jnp.float32),
    )(h, agg, eps.reshape(1, 1), W1, b1.reshape(1, D), W2, b2.reshape(1, D))


def kernel(x, edge_index, eps0, W1_0, b1_0, W2_0, b2_0,
           eps1, W1_1, b1_1, W2_1, b2_1):
    sc_agg, nc, nw, ch = _build_sc_agg()
    combo = ((edge_index[0] << SH) | edge_index[1]).reshape(nw, ch, K)
    zeros = jnp.zeros((N, D), jnp.float32)

    agg0 = sc_agg(x, combo, zeros)
    h = _mlp(x, agg0, eps0, W1_0, b1_0, W2_0, b2_0, nc)
    agg1 = sc_agg(h, combo, zeros)
    h = _mlp(h, agg1, eps1, W1_1, b1_1, W2_1, b2_1, nc)
    return h

# --- scband reference (transcript-rebuilt; emitter-appended) ---
"""Pipeline reference for scband-gnnmodel-13202729468198 (READ-ONLY COPY).

The authoritative reference and input builder live on the scoring server;
editing this copy changes nothing except your own understanding.
"""

import jax, jax.numpy as jnp
import numpy as np

N_NODES = 10000
N_EDGES = 320000
D_IN = 128
HIDDEN = 128


def setup_inputs(seed: int = 0) -> dict:
    key = jax.random.key(seed)
    ks = jax.random.split(key, 12)
    x = jax.random.normal(ks[0], (N_NODES, D_IN), dtype=jnp.float32)
    edge_index = jax.random.randint(ks[1], (2, N_EDGES), 0, N_NODES, dtype=jnp.int32)
    # GIN layer 0 params (MLP: Linear(128->128), ReLU, Linear(128->128)) + learnable eps
    eps0 = jnp.zeros((), dtype=jnp.float32)
    W1_0 = jax.random.normal(ks[2], (D_IN, HIDDEN), dtype=jnp.float32) * 0.05
    b1_0 = jnp.zeros((HIDDEN,), dtype=jnp.float32)
    W2_0 = jax.random.normal(ks[3], (HIDDEN, HIDDEN), dtype=jnp.float32) * 0.05
    b2_0 = jnp.zeros((HIDDEN,), dtype=jnp.float32)
    # GIN layer 1 params
    eps1 = jnp.zeros((), dtype=jnp.float32)
    W1_1 = jax.random.normal(ks[4], (HIDDEN, HIDDEN), dtype=jnp.float32) * 0.05
    b1_1 = jnp.zeros((HIDDEN,), dtype=jnp.float32)
    W2_1 = jax.random.normal(ks[5], (HIDDEN, HIDDEN), dtype=jnp.float32) * 0.05
    b2_1 = jnp.zeros((HIDDEN,), dtype=jnp.float32)
    return {
        "x": x, "edge_index": edge_index,
        "eps0": eps0, "W1_0": W1_0, "b1_0": b1_0, "W2_0": W2_0, "b2_0": b2_0,
        "eps1": eps1, "W1_1": W1_1, "b1_1": b1_1, "W2_1": W2_1, "b2_1": b2_1,
    }


def reference(x, edge_index, eps0, W1_0, b1_0, W2_0, b2_0, eps1, W1_1, b1_1, W2_1, b2_1):
    # GINConv (train_eps=True): out = MLP((1+eps)*x_i + sum_{j in N(i)} x_j)
    # PyG convention: edge_index[0]=source, edge_index[1]=target; messages aggregated at target.
    src = edge_index[0]
    dst = edge_index[1]

    def gin_layer(h, eps, W1, b1, W2, b2):
        msgs = jnp.take(h, src, axis=0)                       # gather: [E, d]
        agg = jax.ops.segment_sum(msgs, dst, num_segments=N_NODES)  # scatter-add: [N, d]
        z = (1.0 + eps) * h + agg
        z = jnp.maximum(jnp.dot(z, W1) + b1, 0.0)
        z = jnp.dot(z, W2) + b2
        return z

    h = gin_layer(x, eps0, W1_0, b1_0, W2_0, b2_0)
    h = jnp.maximum(h, 0.0)  # F.relu; dropout is identity in eval mode
    h = gin_layer(h, eps1, W1_1, b1_1, W2_1, b2_1)
    h = jnp.maximum(h, 0.0)
    return h

if __name__ == "__main__":
    import jax
    _d = setup_inputs()
    print(jax.jit(kernel)(*tuple(_d.values())))

</pallas_src>

<mosaic_0001>
#map = affine_map<(d0, d1) -> (0, 0)>
#map1 = affine_map<(d0, d1) -> (0, 0, 0)>
module attributes {stable_mosaic.version = 14 : i64} {
  func.func @sc_agg(%arg0: i32, %arg1: i32, %arg2: memref<10000x128xf32, #tpu.memory_space<hbm>>, %arg3: memref<32x80x125xi32, #tpu.memory_space<hbm>>, %arg4: memref<10000x128xf32, #tpu.memory_space<hbm>>, %arg5: memref<2x10000x128xf32, #tpu.memory_space<hbm>>, %arg6: memref<80x125xi32, #tpu.memory_space<vmem>>, %arg7: memref<2x125xi32, #tpu.memory_space<vmem>>, %arg8: memref<2x125xi32, #tpu.memory_space<vmem>>, %arg9: memref<125x128xf32, #tpu.memory_space<vmem>>, %arg10: memref<125x128xf32, #tpu.memory_space<vmem>>, %arg11: memref<!tpu.dma_semaphore, #tpu.memory_space<semaphore_mem>>, %arg12: memref<!tpu.dma_semaphore, #tpu.memory_space<semaphore_mem>>, %arg13: memref<10000x128xf32, #tpu.memory_space<vmem_shared>>) attributes {dimension_semantics = [#tpu.dimension_semantics<core_parallel>, #tpu.dimension_semantics<subcore_parallel>], iteration_bounds = array<i64: 2, 16>, scalar_prefetch = 0 : i64, scratch_operands = 8 : i64, tpu.core_type = #tpu.core_type<sc_vector_subcore>, window_params = [{transform_indices = #map}, {transform_indices = #map1}, {transform_indices = #map}, {transform_indices = #map1}]} {
    %mul3A = arith.constant 2 : i32
    %mul3A_0 = arith.muli %arg1, %mul3A : i32
    %add3A = arith.addi %mul3A_0, %arg0 : i32
    %mul3A_1 = arith.constant 624 : i32
    %mul3A_2 = arith.muli %arg1, %mul3A_1 : i32
    %mul3A_3 = arith.constant 624 : i32
    %mul3A_4 = arith.muli %arg1, %mul3A_3 : i32
    "tpu.region"() ({
      %run_scoped3A = tpu.sem_alloc : memref<!tpu.dma_semaphore, #tpu.memory_space<semaphore_mem>>
      %dma_start3A_208 = arith.constant 0 : i32
      %dma_start3A_209 = tpu.memref_slice %arg13[%mul3A_4, %dma_start3A_208] : memref<10000x128xf32, #tpu.memory_space<vmem_shared>> -> memref<624x128xf32, #tpu.memory_space<vmem_shared>>
      %dma_start3A_210 = arith.constant 0 : i32
      %dma_start3A_211 = tpu.memref_slice %arg4[%mul3A_2, %dma_start3A_210] : memref<10000x128xf32, #tpu.memory_space<hbm>> -> memref<624x128xf32, #tpu.memory_space<hbm>>
      tpu.enqueue_dma source(%dma_start3A_211 : memref<624x128xf32, #tpu.memory_space<hbm>>) target(%dma_start3A_209 : memref<624x128xf32, #tpu.memory_space<vmem_shared>>) target_semaphore(%run_scoped3A : memref<!tpu.dma_semaphore, #tpu.memory_space<semaphore_mem>>)
      %dma_wait3A = arith.constant 0 : i32
      %dma_wait3A_212 = tpu.memref_slice %arg13[%mul3A_4, %dma_wait3A] : memref<10000x128xf32, #tpu.memory_space<vmem_shared>> -> memref<624x128xf32, #tpu.memory_space<vmem_shared>>
      %dma_wait3A_213 = arith.constant 0 : i32
      %dma_wait3A_214 = tpu.memref_slice %arg4[%mul3A_2, %dma_wait3A_213] : memref<10000x128xf32, #tpu.memory_space<hbm>> -> memref<624x128xf32, #tpu.memory_space<hbm>>
      tpu.wait_dma2 semaphore(%run_scoped3A : memref<!tpu.dma_semaphore, #tpu.memory_space<semaphore_mem>>) src(%dma_wait3A_214 : memref<624x128xf32, #tpu.memory_space<hbm>>) dst(%dma_wait3A_212 : memref<624x128xf32, #tpu.memory_space<vmem_shared>>)
      tpu.yield
    }) : () -> ()
    %eq3A = arith.constant 15 : i32
    %eq3A_5 = arith.cmpi eq, %arg1, %eq3A : i32
    %convert_element_type3A = arith.extui %eq3A_5 : i1 to i32
    %cond3A = arith.constant 0 : i32
    %cond3A_6 = arith.cmpi ne, %convert_element_type3A, %cond3A : i32
    scf.if %cond3A_6 {
      "tpu.region"() ({
        %run_scoped3A = tpu.sem_alloc : memref<!tpu.dma_semaphore, #tpu.memory_space<semaphore_mem>>
        %dma_start3A_208 = arith.constant 9984 : i32
        %dma_start3A_209 = arith.constant 0 : i32
        %dma_start3A_210 = tpu.memref_slice %arg13[%dma_start3A_208, %dma_start3A_209] : memref<10000x128xf32, #tpu.memory_space<vmem_shared>> -> memref<16x128xf32, #tpu.memory_space<vmem_shared>>
        %dma_start3A_211 = arith.constant 9984 : i32
        %dma_start3A_212 = arith.constant 0 : i32
        %dma_start3A_213 = tpu.memref_slice %arg4[%dma_start3A_211, %dma_start3A_212] : memref<10000x128xf32, #tpu.memory_space<hbm>> -> memref<16x128xf32, #tpu.memory_space<hbm>>
        tpu.enqueue_dma source(%dma_start3A_213 : memref<16x128xf32, #tpu.memory_space<hbm>>) target(%dma_start3A_210 : memref<16x128xf32, #tpu.memory_space<vmem_shared>>) target_semaphore(%run_scoped3A : memref<!tpu.dma_semaphore, #tpu.memory_space<semaphore_mem>>)
        %dma_wait3A = arith.constant 9984 : i32
        %dma_wait3A_214 = arith.constant 0 : i32
        %dma_wait3A_215 = tpu.memref_slice %arg13[%dma_wait3A, %dma_wait3A_214] : memref<10000x128xf32, #tpu.memory_space<vmem_shared>> -> memref<16x128xf32, #tpu.memory_space<vmem_shared>>
        %dma_wait3A_216 = arith.constant 9984 : i32
        %dma_wait3A_217 = arith.constant 0 : i32
        %dma_wait3A_218 = tpu.memref_slice %arg4[%dma_wait3A_216, %dma_wait3A_217] : memref<10000x128xf32, #tpu.memory_space<hbm>> -> memref<16x128xf32, #tpu.memory_space<hbm>>
        tpu.wait_dma2 semaphore(%run_scoped3A : memref<!tpu.dma_semaphore, #tpu.memory_space<semaphore_mem>>) src(%dma_wait3A_218 : memref<16x128xf32, #tpu.memory_space<hbm>>) dst(%dma_wait3A_215 : memref<16x128xf32, #tpu.memory_space<vmem_shared>>)
        tpu.yield
      }) : () -> ()
    } else {
    }
    "tpu.region"() ({
      %run_scoped3A = tpu.sem_alloc : memref<!tpu.dma_semaphore, #tpu.memory_space<semaphore_mem>>
      %dma_start3A_208 = arith.constant 0 : i32
      %dma_start3A_209 = arith.constant 0 : i32
      %dma_start3A_210 = tpu.memref_slice %arg3[%add3A, %dma_start3A_208, %dma_start3A_209] : memref<32x80x125xi32, #tpu.memory_space<hbm>> -> memref<1x80x125xi32, #tpu.memory_space<hbm>>
      %dma_start3A_211 = tpu.memref_squeeze %dma_start3A_210 : memref<1x80x125xi32, #tpu.memory_space<hbm>> -> memref<80x125xi32, #tpu.memory_space<hbm>>
      %dma_start3A_212 = arith.constant 0 : i32
      %dma_start3A_213 = arith.constant 0 : i32
      %dma_start3A_214 = tpu.memref_slice %arg3[%add3A, %dma_start3A_212, %dma_start3A_213] : memref<32x80x125xi32, #tpu.memory_space<hbm>> -> memref<1x80x125xi32, #tpu.memory_space<hbm>>
      %dma_start3A_215 = tpu.memref_squeeze %dma_start3A_214 : memref<1x80x125xi32, #tpu.memory_space<hbm>> -> memref<80x125xi32, #tpu.memory_space<hbm>>
      tpu.enqueue_dma source(%dma_start3A_215 : memref<80x125xi32, #tpu.memory_space<hbm>>) target(%arg6 : memref<80x125xi32, #tpu.memory_space<vmem>>) target_semaphore(%run_scoped3A : memref<!tpu.dma_semaphore, #tpu.memory_space<semaphore_mem>>)
      %dma_wait3A = arith.constant 0 : i32
      %dma_wait3A_216 = arith.constant 0 : i32
      %dma_wait3A_217 = tpu.memref_slice %arg3[%add3A, %dma_wait3A, %dma_wait3A_216] : memref<32x80x125xi32, #tpu.memory_space<hbm>> -> memref<1x80x125xi32, #tpu.memory_space<hbm>>
      %dma_wait3A_218 = tpu.memref_squeeze %dma_wait3A_217 : memref<1x80x125xi32, #tpu.memory_space<hbm>> -> memref<80x125xi32, #tpu.memory_space<hbm>>
      %dma_wait3A_219 = arith.constant 0 : i32
      %dma_wait3A_220 = arith.constant 0 : i32
      %dma_wait3A_221 = tpu.memref_slice %arg3[%add3A, %dma_wait3A_219, %dma_wait3A_220] : memref<32x80x125xi32, #tpu.memory_space<hbm>> -> memref<1x80x125xi32, #tpu.memory_space<hbm>>
      %dma_wait3A_222 = tpu.memref_squeeze %dma_wait3A_221 : memref<1x80x125xi32, #tpu.memory_space<hbm>> -> memref<80x125xi32, #tpu.memory_space<hbm>>
      tpu.wait_dma2 semaphore(%run_scoped3A : memref<!tpu.dma_semaphore, #tpu.memory_space<semaphore_mem>>) src(%dma_wait3A_222 : memref<80x125xi32, #tpu.memory_space<hbm>>) dst(%arg6 : memref<80x125xi32, #tpu.memory_space<vmem>>)
      tpu.yield
    }) : () -> ()
    %barrier3A = arith.constant 0 : index
    tpu.barrier barrier_id(%barrier3A)
    %get3A = arith.constant 0 : i32
    %get3A_7 = arith.index_cast %get3A : i32 to index
    %get3A_8 = arith.constant 0 : index
    %get3A_9 = tpu.vector_load %arg6[%get3A_7, %get3A_8] {strides = array<i32>} : memref<80x125xi32, #tpu.memory_space<vmem>>, vector<1x16xi32>,
    %get3A_10 = vector.shape_cast %get3A_9 : vector<1x16xi32> to vector<16xi32>
    %shift_right_arithmetic3A = arith.constant 14 : i32
    %shift_right_arithmetic3A_11 = vector.broadcast %shift_right_arithmetic3A : i32 to vector<16xi32>
    %shift_right_arithmetic3A_12 = arith.shrsi %get3A_10, %shift_right_arithmetic3A_11 : vector<16xi32>
    %swap3A = arith.constant 0 : i32
    %swap3A_13 = arith.index_cast %swap3A : i32 to index
    %swap3A_14 = arith.constant 0 : index
    %swap3A_15 = tpu.vector_load %arg7[%swap3A_13, %swap3A_14] {strides = array<i32>} : memref<2x125xi32, #tpu.memory_space<vmem>>, vector<1x16xi32>,
    %swap3A_16 = vector.shape_cast %swap3A_15 : vector<1x16xi32> to vector<16xi32>
    %swap3A_17 = vector.shape_cast %shift_right_arithmetic3A_12 : vector<16xi32> to vector<1x16xi32>
    tpu.vector_store %arg7[%swap3A_13, %swap3A_14], %swap3A_17 {strides = array<i32>} : memref<2x125xi32, #tpu.memory_space<vmem>>, vector<1x16xi32>,
    %and3A = arith.constant 16383 : i32
    %and3A_18 = vector.broadcast %and3A : i32 to vector<16xi32>
    %and3A_19 = arith.andi %get3A_10, %and3A_18 : vector<16xi32>
    %swap3A_20 = arith.constant 0 : i32
    %swap3A_21 = arith.index_cast %swap3A_20 : i32 to index
    %swap3A_22 = arith.constant 0 : index
    %swap3A_23 = tpu.vector_load %arg8[%swap3A_21, %swap3A_22] {strides = array<i32>} : memref<2x125xi32, #tpu.memory_space<vmem>>, vector<1x16xi32>,
    %swap3A_24 = vector.shape_cast %swap3A_23 : vector<1x16xi32> to vector<16xi32>
    %swap3A_25 = vector.shape_cast %and3A_19 : vector<16xi32> to vector<1x16xi32>
    tpu.vector_store %arg8[%swap3A_21, %swap3A_22], %swap3A_25 {strides = array<i32>} : memref<2x125xi32, #tpu.memory_space<vmem>>, vector<1x16xi32>,
    %get3A_26 = arith.constant 0 : i32
    %get3A_27 = arith.index_cast %get3A_26 : i32 to index
    %get3A_28 = arith.constant 16 : index
    %get3A_29 = tpu.vector_load %arg6[%get3A_27, %get3A_28] {strides = array<i32>} : memref<80x125xi32, #tpu.memory_space<vmem>>, vector<1x16xi32>,
    %get3A_30 = vector.shape_cast %get3A_29 : vector<1x16xi32> to vector<16xi32>
    %shift_right_arithmetic3A_31 = arith.constant 14 : i32
    %shift_right_arithmetic3A_32 = vector.broadcast %shift_right_arithmetic3A_31 : i32 to vector<16xi32>
    %shift_right_arithmetic3A_33 = arith.shrsi %get3A_30, %shift_right_arithmetic3A_32 : vector<16xi32>
    %swap3A_34 = arith.constant 0 : i32
    %swap3A_35 = arith.index_cast %swap3A_34 : i32 to index
    %swap3A_36 = arith.constant 16 : index
    %swap3A_37 = tpu.vector_load %arg7[%swap3A_35, %swap3A_36] {strides = array<i32>} : memref<2x125xi32, #tpu.memory_space<vmem>>, vector<1x16xi32>,
    %swap3A_38 = vector.shape_cast %swap3A_37 : vector<1x16xi32> to vector<16xi32>
    %swap3A_39 = vector.shape_cast %shift_right_arithmetic3A_33 : vector<16xi32> to vector<1x16xi32>
    tpu.vector_store %arg7[%swap3A_35, %swap3A_36], %swap3A_39 {strides = array<i32>} : memref<2x125xi32, #tpu.memory_space<vmem>>, vector<1x16xi32>,
    %and3A_40 = arith.constant 16383 : i32
    %and3A_41 = vector.broadcast %and3A_40 : i32 to vector<16xi32>
    %and3A_42 = arith.andi %get3A_30, %and3A_41 : vector<16xi32>
    %swap3A_43 = arith.constant 0 : i32
    %swap3A_44 = arith.index_cast %swap3A_43 : i32 to index
    %swap3A_45 = arith.constant 16 : index
    %swap3A_46 = tpu.vector_load %arg8[%swap3A_44, %swap3A_45] {strides = array<i32>} : memref<2x125xi32, #tpu.memory_space<vmem>>, vector<1x16xi32>,
    %swap3A_47 = vector.shape_cast %swap3A_46 : vector<1x16xi32> to vector<16xi32>
    %swap3A_48 = vector.shape_cast %and3A_42 : vector<16xi32> to vector<1x16xi32>
    tpu.vector_store %arg8[%swap3A_44, %swap3A_45], %swap3A_48 {strides = array<i32>} : memref<2x125xi32, #tpu.memory_space<vmem>>, vector<1x16xi32>,
    %get3A_49 = arith.constant 0 : i32
    %get3A_50 = arith.index_cast %get3A_49 : i32 to index
    %get3A_51 = arith.constant 32 : index
    %get3A_52 = tpu.vector_load %arg6[%get3A_50, %get3A_51] {strides = array<i32>} : memref<80x125xi32, #tpu.memory_space<vmem>>, vector<1x16xi32>,
    %get3A_53 = vector.shape_cast %get3A_52 : vector<1x16xi32> to vector<16xi32>
    %shift_right_arithmetic3A_54 = arith.constant 14 : i32
    %shift_right_arithmetic3A_55 = vector.broadcast %shift_right_arithmetic3A_54 : i32 to vector<16xi32>
    %shift_right_arithmetic3A_56 = arith.shrsi %get3A_53, %shift_right_arithmetic3A_55 : vector<16xi32>
    %swap3A_57 = arith.constant 0 : i32
    %swap3A_58 = arith.index_cast %swap3A_57 : i32 to index
    %swap3A_59 = arith.constant 32 : index
    %swap3A_60 = tpu.vector_load %arg7[%swap3A_58, %swap3A_59] {strides = array<i32>} : memref<2x125xi32, #tpu.memory_space<vmem>>, vector<1x16xi32>,
    %swap3A_61 = vector.shape_cast %swap3A_60 : vector<1x16xi32> to vector<16xi32>
    %swap3A_62 = vector.shape_cast %shift_right_arithmetic3A_56 : vector<16xi32> to vector<1x16xi32>
    tpu.vector_store %arg7[%swap3A_58, %swap3A_59], %swap3A_62 {strides = array<i32>} : memref<2x125xi32, #tpu.memory_space<vmem>>, vector<1x16xi32>,
    %and3A_63 = arith.constant 16383 : i32
    %and3A_64 = vector.broadcast %and3A_63 : i32 to vector<16xi32>
    %and3A_65 = arith.andi %get3A_53, %and3A_64 : vector<16xi32>
    %swap3A_66 = arith.constant 0 : i32
    %swap3A_67 = arith.index_cast %swap3A_66 : i32 to index
    %swap3A_68 = arith.constant 32 : index
    %swap3A_69 = tpu.vector_load %arg8[%swap3A_67, %swap3A_68] {strides = array<i32>} : memref<2x125xi32, #tpu.memory_space<vmem>>, vector<1x16xi32>,
    %swap3A_70 = vector.shape_cast %swap3A_69 : vector<1x16xi32> to vector<16xi32>
    %swap3A_71 = vector.shape_cast %and3A_65 : vector<16xi32> to vector<1x16xi32>
    tpu.vector_store %arg8[%swap3A_67, %swap3A_68], %swap3A_71 {strides = array<i32>} : memref<2x125xi32, #tpu.memory_space<vmem>>, vector<1x16xi32>,
    %get3A_72 = arith.constant 0 : i32
    %get3A_73 = arith.index_cast %get3A_72 : i32 to index
    %get3A_74 = arith.constant 48 : index
    %get3A_75 = tpu.vector_load %arg6[%get3A_73, %get3A_74] {strides = array<i32>} : memref<80x125xi32, #tpu.memory_space<vmem>>, vector<1x16xi32>,
    %get3A_76 = vector.shape_cast %get3A_75 : vector<1x16xi32> to vector<16xi32>
    %shift_right_arithmetic3A_77 = arith.constant 14 : i32
    %shift_right_arithmetic3A_78 = vector.broadcast %shift_right_arithmetic3A_77 : i32 to vector<16xi32>
    %shift_right_arithmetic3A_79 = arith.shrsi %get3A_76, %shift_right_arithmetic3A_78 : vector<16xi32>
    %swap3A_80 = arith.constant 0 : i32
    %swap3A_81 = arith.index_cast %swap3A_80 : i32 to index
    %swap3A_82 = arith.constant 48 : index
    %swap3A_83 = tpu.vector_load %arg7[%swap3A_81, %swap3A_82] {strides = array<i32>} : memref<2x125xi32, #tpu.memory_space<vmem>>, vector<1x16xi32>,
    %swap3A_84 = vector.shape_cast %swap3A_83 : vector<1x16xi32> to vector<16xi32>
    %swap3A_85 = vector.shape_cast %shift_right_arithmetic3A_79 : vector<16xi32> to vector<1x16xi32>
    tpu.vector_store %arg7[%swap3A_81, %swap3A_82], %swap3A_85 {strides = array<i32>} : memref<2x125xi32, #tpu.memory_space<vmem>>, vector<1x16xi32>,
    %and3A_86 = arith.constant 16383 : i32
    %and3A_87 = vector.broadcast %and3A_86 : i32 to vector<16xi32>
    %and3A_88 = arith.andi %get3A_76, %and3A_87 : vector<16xi32>
    %swap3A_89 = arith.constant 0 : i32
    %swap3A_90 = arith.index_cast %swap3A_89 : i32 to index
    %swap3A_91 = arith.constant 48 : index
    %swap3A_92 = tpu.vector_load %arg8[%swap3A_90, %swap3A_91] {strides = array<i32>} : memref<2x125xi32, #tpu.memory_space<vmem>>, vector<1x16xi32>,
    %swap3A_93 = vector.shape_cast %swap3A_92 : vector<1x16xi32> to vector<16xi32>
    %swap3A_94 = vector.shape_cast %and3A_88 : vector<16xi32> to vector<1x16xi32>
    tpu.vector_store %arg8[%swap3A_90, %swap3A_91], %swap3A_94 {strides = array<i32>} : memref<2x125xi32, #tpu.memory_space<vmem>>, vector<1x16xi32>,
    %get3A_95 = arith.constant 0 : i32
    %get3A_96 = arith.index_cast %get3A_95 : i32 to index
    %get3A_97 = arith.constant 64 : index
    %get3A_98 = tpu.vector_load %arg6[%get3A_96, %get3A_97] {strides = array<i32>} : memref<80x125xi32, #tpu.memory_space<vmem>>, vector<1x16xi32>,
    %get3A_99 = vector.shape_cast %get3A_98 : vector<1x16xi32> to vector<16xi32>
    %shift_right_arithmetic3A_100 = arith.constant 14 : i32
    %shift_right_arithmetic3A_101 = vector.broadcast %shift_right_arithmetic3A_100 : i32 to vector<16xi32>
    %shift_right_arithmetic3A_102 = arith.shrsi %get3A_99, %shift_right_arithmetic3A_101 : vector<16xi32>
    %swap3A_103 = arith.constant 0 : i32
    %swap3A_104 = arith.index_cast %swap3A_103 : i32 to index
    %swap3A_105 = arith.constant 64 : index
    %swap3A_106 = tpu.vector_load %arg7[%swap3A_104, %swap3A_105] {strides = array<i32>} : memref<2x125xi32, #tpu.memory_space<vmem>>, vector<1x16xi32>,
    %swap3A_107 = vector.shape_cast %swap3A_106 : vector<1x16xi32> to vector<16xi32>
    %swap3A_108 = vector.shape_cast %shift_right_arithmetic3A_102 : vector<16xi32> to vector<1x16xi32>
    tpu.vector_store %arg7[%swap3A_104, %swap3A_105], %swap3A_108 {strides = array<i32>} : memref<2x125xi32, #tpu.memory_space<vmem>>, vector<1x16xi32>,
    %and3A_109 = arith.constant 16383 : i32
    %and3A_110 = vector.broadcast %and3A_109 : i32 to vector<16xi32>
    %and3A_111 = arith.andi %get3A_99, %and3A_110 : vector<16xi32>
    %swap3A_112 = arith.constant 0 : i32
    %swap3A_113 = arith.index_cast %swap3A_112 : i32 to index
    %swap3A_114 = arith.constant 64 : index
    %swap3A_115 = tpu.vector_load %arg8[%swap3A_113, %swap3A_114] {strides = array<i32>} : memref<2x125xi32, #tpu.memory_space<vmem>>, vector<1x16xi32>,
    %swap3A_116 = vector.shape_cast %swap3A_115 : vector<1x16xi32> to vector<16xi32>
    %swap3A_117 = vector.shape_cast %and3A_111 : vector<16xi32> to vector<1x16xi32>
    tpu.vector_store %arg8[%swap3A_113, %swap3A_114], %swap3A_117 {strides = array<i32>} : memref<2x125xi32, #tpu.memory_space<vmem>>, vector<1x16xi32>,
    %get3A_118 = arith.constant 0 : i32
    %get3A_119 = arith.index_cast %get3A_118 : i32 to index
    %get3A_120 = arith.constant 80 : index
    %get3A_121 = tpu.vector_load %arg6[%get3A_119, %get3A_120] {strides = array<i32>} : memref<80x125xi32, #tpu.memory_space<vmem>>, vector<1x16xi32>,
    %get3A_122 = vector.shape_cast %get3A_121 : vector<1x16xi32> to vector<16xi32>
    %shift_right_arithmetic3A_123 = arith.constant 14 : i32
    %shift_right_arithmetic3A_124 = vector.broadcast %shift_right_arithmetic3A_123 : i32 to vector<16xi32>
    %shift_right_arithmetic3A_125 = arith.shrsi %get3A_122, %shift_right_arithmetic3A_124 : vector<16xi32>
    %swap3A_126 = arith.constant 0 : i32
    %swap3A_127 = arith.index_cast %swap3A_126 : i32 to index
    %swap3A_128 = arith.constant 80 : index
    %swap3A_129 = tpu.vector_load %arg7[%swap3A_127, %swap3A_128] {strides = array<i32>} : memref<2x125xi32, #tpu.memory_space<vmem>>, vector<1x16xi32>,
    %swap3A_130 = vector.shape_cast %swap3A_129 : vector<1x16xi32> to vector<16xi32>
    %swap3A_131 = vector.shape_cast %shift_right_arithmetic3A_125 : vector<16xi32> to vector<1x16xi32>
    tpu.vector_store %arg7[%swap3A_127, %swap3A_128], %swap3A_131 {strides = array<i32>} : memref<2x125xi32, #tpu.memory_space<vmem>>, vector<1x16xi32>,
    %and3A_132 = arith.constant 16383 : i32
    %and3A_133 = vector.broadcast %and3A_132 : i32 to vector<16xi32>
    %and3A_134 = arith.andi %get3A_122, %and3A_133 : vector<16xi32>
    %swap3A_135 = arith.constant 0 : i32
    %swap3A_136 = arith.index_cast %swap3A_135 : i32 to index
    %swap3A_137 = arith.constant 80 : index
    %swap3A_138 = tpu.vector_load %arg8[%swap3A_136, %swap3A_137] {strides = array<i32>} : memref<2x125xi32, #tpu.memory_space<vmem>>, vector<1x16xi32>,
    %swap3A_139 = vector.shape_cast %swap3A_138 : vector<1x16xi32> to vector<16xi32>
    %swap3A_140 = vector.shape_cast %and3A_134 : vector<16xi32> to vector<1x16xi32>
    tpu.vector_store %arg8[%swap3A_136, %swap3A_137], %swap3A_140 {strides = array<i32>} : memref<2x125xi32, #tpu.memory_space<vmem>>, vector<1x16xi32>,
    %get3A_141 = arith.constant 0 : i32
    %get3A_142 = arith.index_cast %get3A_141 : i32 to index
    %get3A_143 = arith.constant 96 : index
    %get3A_144 = tpu.vector_load %arg6[%get3A_142, %get3A_143] {strides = array<i32>} : memref<80x125xi32, #tpu.memory_space<vmem>>, vector<1x16xi32>,
    %get3A_145 = vector.shape_cast %get3A_144 : vector<1x16xi32> to vector<16xi32>
    %shift_right_arithmetic3A_146 = arith.constant 14 : i32
    %shift_right_arithmetic3A_147 = vector.broadcast %shift_right_arithmetic3A_146 : i32 to vector<16xi32>
    %shift_right_arithmetic3A_148 = arith.shrsi %get3A_145, %shift_right_arithmetic3A_147 : vector<16xi32>
    %swap3A_149 = arith.constant 0 : i32
    %swap3A_150 = arith.index_cast %swap3A_149 : i32 to index
    %swap3A_151 = arith.constant 96 : index
    %swap3A_152 = tpu.vector_load %arg7[%swap3A_150, %swap3A_151] {strides = array<i32>} : memref<2x125xi32, #tpu.memory_space<vmem>>, vector<1x16xi32>,
    %swap3A_153 = vector.shape_cast %swap3A_152 : vector<1x16xi32> to vector<16xi32>
    %swap3A_154 = vector.shape_cast %shift_right_arithmetic3A_148 : vector<16xi32> to vector<1x16xi32>
    tpu.vector_store %arg7[%swap3A_150, %swap3A_151], %swap3A_154 {strides = array<i32>} : memref<2x125xi32, #tpu.memory_space<vmem>>, vector<1x16xi32>,
    %and3A_155 = arith.constant 16383 : i32
    %and3A_156 = vector.broadcast %and3A_155 : i32 to vector<16xi32>
    %and3A_157 = arith.andi %get3A_145, %and3A_156 : vector<16xi32>
    %swap3A_158 = arith.constant 0 : i32
    %swap3A_159 = arith.index_cast %swap3A_158 : i32 to index
    %swap3A_160 = arith.constant 96 : index
    %swap3A_161 = tpu.vector_load %arg8[%swap3A_159, %swap3A_160] {strides = array<i32>} : memref<2x125xi32, #tpu.memory_space<vmem>>, vector<1x16xi32>,
    %swap3A_162 = vector.shape_cast %swap3A_161 : vector<1x16xi32> to vector<16xi32>
    %swap3A_163 = vector.shape_cast %and3A_157 : vector<16xi32> to vector<1x16xi32>
    tpu.vector_store %arg8[%swap3A_159, %swap3A_160], %swap3A_163 {strides = array<i32>} : memref<2x125xi32, #tpu.memory_space<vmem>>, vector<1x16xi32>,
    %get3A_164 = arith.constant 0 : i32
    %get3A_165 = arith.index_cast %get3A_164 : i32 to index
    %get3A_166 = arith.constant 109 : index
    %get3A_167 = tpu.vector_load %arg6[%get3A_165, %get3A_166] {strides = array<i32>} : memref<80x125xi32, #tpu.memory_space<vmem>>, vector<1x16xi32>,
    %get3A_168 = vector.shape_cast %get3A_167 : vector<1x16xi32> to vector<16xi32>
    %shift_right_arithmetic3A_169 = arith.constant 14 : i32
    %shift_right_arithmetic3A_170 = vector.broadcast %shift_right_arithmetic3A_169 : i32 to vector<16xi32>
    %shift_right_arithmetic3A_171 = arith.shrsi %get3A_168, %shift_right_arithmetic3A_170 : vector<16xi32>
    %swap3A_172 = arith.constant 0 : i32
    %swap3A_173 = arith.index_cast %swap3A_172 : i32 to index
    %swap3A_174 = arith.constant 109 : index
    %swap3A_175 = tpu.vector_load %arg7[%swap3A_173, %swap3A_174] {strides = array<i32>} : memref<2x125xi32, #tpu.memory_space<vmem>>, vector<1x16xi32>,
    %swap3A_176 = vector.shape_cast %swap3A_175 : vector<1x16xi32> to vector<16xi32>
    %swap3A_177 = vector.shape_cast %shift_right_arithmetic3A_171 : vector<16xi32> to vector<1x16xi32>
    tpu.vector_store %arg7[%swap3A_173, %swap3A_174], %swap3A_177 {strides = array<i32>} : memref<2x125xi32, #tpu.memory_space<vmem>>, vector<1x16xi32>,
    %and3A_178 = arith.constant 16383 : i32
    %and3A_179 = vector.broadcast %and3A_178 : i32 to vector<16xi32>
    %and3A_180 = arith.andi %get3A_168, %and3A_179 : vector<16xi32>
    %swap3A_181 = arith.constant 0 : i32
    %swap3A_182 = arith.index_cast %swap3A_181 : i32 to index
    %swap3A_183 = arith.constant 109 : index
    %swap3A_184 = tpu.vector_load %arg8[%swap3A_182, %swap3A_183] {strides = array<i32>} : memref<2x125xi32, #tpu.memory_space<vmem>>, vector<1x16xi32>,
    %swap3A_185 = vector.shape_cast %swap3A_184 : vector<1x16xi32> to vector<16xi32>
    %swap3A_186 = vector.shape_cast %and3A_180 : vector<16xi32> to vector<1x16xi32>
    tpu.vector_store %arg8[%swap3A_182, %swap3A_183], %swap3A_186 {strides = array<i32>} : memref<2x125xi32, #tpu.memory_space<vmem>>, vector<1x16xi32>,
    %dma_start3A = arith.constant 0 : i32
    %dma_start3A_187 = arith.constant 0 : i32
    %dma_start3A_188 = tpu.memref_slice %arg7[%dma_start3A, %dma_start3A_187] : memref<2x125xi32, #tpu.memory_space<vmem>> -> memref<1x125xi32, #tpu.memory_space<vmem>>
    %dma_start3A_189 = tpu.memref_squeeze %dma_start3A_188 : memref<1x125xi32, #tpu.memory_space<vmem>> -> memref<125xi32, #tpu.memory_space<vmem>>
    %dma_start3A_190 = arith.constant 0 : i32
    %dma_start3A_191 = arith.constant 0 : i32
    %dma_start3A_192 = tpu.memref_slice %arg2[%dma_start3A_190, %dma_start3A_191] : memref<10000x128xf32, #tpu.memory_space<hbm>> -> memref<10000x128xf32, #tpu.memory_space<hbm>>
    tpu.enqueue_indirect_dma source(%dma_start3A_192 : memref<10000x128xf32, #tpu.memory_space<hbm>>) target(%arg9 : memref<125x128xf32, #tpu.memory_space<vmem>>) offsets(%dma_start3A_189 : memref<125xi32, #tpu.memory_space<vmem>>) semaphore(%arg11 : memref<!tpu.dma_semaphore, #tpu.memory_space<semaphore_mem>>)
    %scan3A = arith.constant 0 : i32
    %scan3A_193 = arith.constant 0 : i32
    %scan3A_194 = arith.constant 40 : i32
    %scan3A_195 = arith.addi %scan3A_193, %scan3A_194 : i32
    %scan3A_196 = arith.constant 1 : i32
    scf.for %scan3A_208 = %scan3A_193 to %scan3A_195 step %scan3A_196  : i32 {
      %mul3A_209 = arith.constant 2 : i32
      %mul3A_210 = arith.muli %mul3A_209, %scan3A_208 : i32
      %add3A_211 = arith.constant 1 : i32
      %add3A_212 = arith.addi %mul3A_210, %add3A_211 : i32
      %get3A_213 = arith.index_cast %add3A_212 : i32 to index
      %get3A_214 = arith.constant 0 : index
      %get3A_215 = tpu.vector_load %arg6[%get3A_213, %get3A_214] {strides = array<i32>} : memref<80x125xi32, #tpu.memory_space<vmem>>, vector<1x16xi32>,
      %get3A_216 = vector.shape_cast %get3A_215 : vector<1x16xi32> to vector<16xi32>
      %shift_right_arithmetic3A_217 = arith.constant 14 : i32
      %shift_right_arithmetic3A_218 = vector.broadcast %shift_right_arithmetic3A_217 : i32 to vector<16xi32>
      %shift_right_arithmetic3A_219 = arith.shrsi %get3A_216, %shift_right_arithmetic3A_218 : vector<16xi32>
      %swap3A_220 = arith.constant 1 : i32
      %swap3A_221 = arith.index_cast %swap3A_220 : i32 to index
      %swap3A_222 = arith.constant 0 : index
      %swap3A_223 = tpu.vector_load %arg7[%swap3A_221, %swap3A_222] {strides = array<i32>} : memref<2x125xi32, #tpu.memory_space<vmem>>, vector<1x16xi32>,
      %swap3A_224 = vector.shape_cast %swap3A_223 : vector<1x16xi32> to vector<16xi32>
      %swap3A_225 = vector.shape_cast %shift_right_arithmetic3A_219 : vector<16xi32> to vector<1x16xi32>
      tpu.vector_store %arg7[%swap3A_221, %swap3A_222], %swap3A_225 {strides = array<i32>} : memref<2x125xi32, #tpu.memory_space<vmem>>, vector<1x16xi32>,
      %and3A_226 = arith.constant 16383 : i32
      %and3A_227 = vector.broadcast %and3A_226 : i32 to vector<16xi32>
      %and3A_228 = arith.andi %get3A_216, %and3A_227 : vector<16xi32>
      %swap3A_229 = arith.constant 1 : i32
      %swap3A_230 = arith.index_cast %swap3A_229 : i32 to index
      %swap3A_231 = arith.constant 0 : index
      %swap3A_232 = tpu.vector_load %arg8[%swap3A_230, %swap3A_231] {strides = array<i32>} : memref<2x125xi32, #tpu.memory_space<vmem>>, vector<1x16xi32>,
      %swap3A_233 = vector.shape_cast %swap3A_232 : vector<1x16xi32> to vector<16xi32>
      %swap3A_234 = vector.shape_cast %and3A_228 : vector<16xi32> to vector<1x16xi32>
      tpu.vector_store %arg8[%swap3A_230, %swap3A_231], %swap3A_234 {strides = array<i32>} : memref<2x125xi32, #tpu.memory_space<vmem>>, vector<1x16xi32>,
      %get3A_235 = arith.index_cast %add3A_212 : i32 to index
      %get3A_236 = arith.constant 16 : index
      %get3A_237 = tpu.vector_load %arg6[%get3A_235, %get3A_236] {strides = array<i32>} : memref<80x125xi32, #tpu.memory_space<vmem>>, vector<1x16xi32>,
      %get3A_238 = vector.shape_cast %get3A_237 : vector<1x16xi32> to vector<16xi32>
      %shift_right_arithmetic3A_239 = arith.constant 14 : i32
      %shift_right_arithmetic3A_240 = vector.broadcast %shift_right_arithmetic3A_239 : i32 to vector<16xi32>
      %shift_right_arithmetic3A_241 = arith.shrsi %get3A_238, %shift_right_arithmetic3A_240 : vector<16xi32>
      %swap3A_242 = arith.constant 1 : i32
      %swap3A_243 = arith.index_cast %swap3A_242 : i32 to index
      %swap3A_244 = arith.constant 16 : index
      %swap3A_245 = tpu.vector_load %arg7[%swap3A_243, %swap3A_244] {strides = array<i32>} : memref<2x125xi32, #tpu.memory_space<vmem>>, vector<1x16xi32>,
      %swap3A_246 = vector.shape_cast %swap3A_245 : vector<1x16xi32> to vector<16xi32>
      %swap3A_247 = vector.shape_cast %shift_right_arithmetic3A_241 : vector<16xi32> to vector<1x16xi32>
      tpu.vector_store %arg7[%swap3A_243, %swap3A_244], %swap3A_247 {strides = array<i32>} : memref<2x125xi32, #tpu.memory_space<vmem>>, vector<1x16xi32>,
      %and3A_248 = arith.constant 16383 : i32
      %and3A_249 = vector.broadcast %and3A_248 : i32 to vector<16xi32>
      %and3A_250 = arith.andi %get3A_238, %and3A_249 : vector<16xi32>
      %swap3A_251 = arith.constant 1 : i32
      %swap3A_252 = arith.index_cast %swap3A_251 : i32 to index
      %swap3A_253 = arith.constant 16 : index
      %swap3A_254 = tpu.vector_load %arg8[%swap3A_252, %swap3A_253] {strides = array<i32>} : memref<2x125xi32, #tpu.memory_space<vmem>>, vector<1x16xi32>,
      %swap3A_255 = vector.shape_cast %swap3A_254 : vector<1x16xi32> to vector<16xi32>
      %swap3A_256 = vector.shape_cast %and3A_250 : vector<16xi32> to vector<1x16xi32>
      tpu.vector_store %arg8[%swap3A_252, %swap3A_253], %swap3A_256 {strides = array<i32>} : memref<2x125xi32, #tpu.memory_space<vmem>>, vector<1x16xi32>,
      %get3A_257 = arith.index_cast %add3A_212 : i32 to index
      %get3A_258 = arith.constant 32 : index
      %get3A_259 = tpu.vector_load %arg6[%get3A_257, %get3A_258] {strides = array<i32>} : memref<80x125xi32, #tpu.memory_space<vmem>>, vector<1x16xi32>,
      %get3A_260 = vector.shape_cast %get3A_259 : vector<1x16xi32> to vector<16xi32>
      %shift_right_arithmetic3A_261 = arith.constant 14 : i32
      %shift_right_arithmetic3A_262 = vector.broadcast %shift_right_arithmetic3A_261 : i32 to vector<16xi32>
      %shift_right_arithmetic3A_263 = arith.shrsi %get3A_260, %shift_right_arithmetic3A_262 : vector<16xi32>
      %swap3A_264 = arith.constant 1 : i32
      %swap3A_265 = arith.index_cast %swap3A_264 : i32 to index
      %swap3A_266 = arith.constant 32 : index
      %swap3A_267 = tpu.vector_load %arg7[%swap3A_265, %swap3A_266] {strides = array<i32>} : memref<2x125xi32, #tpu.memory_space<vmem>>, vector<1x16xi32>,
      %swap3A_268 = vector.shape_cast %swap3A_267 : vector<1x16xi32> to vector<16xi32>
      %swap3A_269 = vector.shape_cast %shift_right_arithmetic3A_263 : vector<16xi32> to vector<1x16xi32>
      tpu.vector_store %arg7[%swap3A_265, %swap3A_266], %swap3A_269 {strides = array<i32>} : memref<2x125xi32, #tpu.memory_space<vmem>>, vector<1x16xi32>,
      %and3A_270 = arith.constant 16383 : i32
      %and3A_271 = vector.broadcast %and3A_270 : i32 to vector<16xi32>
      %and3A_272 = arith.andi %get3A_260, %and3A_271 : vector<16xi32>
      %swap3A_273 = arith.constant 1 : i32
      %swap3A_274 = arith.index_cast %swap3A_273 : i32 to index
      %swap3A_275 = arith.constant 32 : index
      %swap3A_276 = tpu.vector_load %arg8[%swap3A_274, %swap3A_275] {strides = array<i32>} : memref<2x125xi32, #tpu.memory_space<vmem>>, vector<1x16xi32>,
      %swap3A_277 = vector.shape_cast %swap3A_276 : vector<1x16xi32> to vector<16xi32>
      %swap3A_278 = vector.shape_cast %and3A_272 : vector<16xi32> to vector<1x16xi32>
      tpu.vector_store %arg8[%swap3A_274, %swap3A_275], %swap3A_278 {strides = array<i32>} : memref<2x125xi32, #tpu.memory_space<vmem>>, vector<1x16xi32>,
      %get3A_279 = arith.index_cast %add3A_212 : i32 to index
      %get3A_280 = arith.constant 48 : index
      %get3A_281 = tpu.vector_load %arg6[%get3A_279, %get3A_280] {strides = array<i32>} : memref<80x125xi32, #tpu.memory_space<vmem>>, vector<1x16xi32>,
      %get3A_282 = vector.shape_cast %get3A_281 : vector<1x16xi32> to vector<16xi32>
      %shift_right_arithmetic3A_283 = arith.constant 14 : i32
      %shift_right_arithmetic3A_284 = vector.broadcast %shift_right_arithmetic3A_283 : i32 to vector<16xi32>
      %shift_right_arithmetic3A_285 = arith.shrsi %get3A_282, %shift_right_arithmetic3A_284 : vector<16xi32>
      %swap3A_286 = arith.constant 1 : i32
      %swap3A_287 = arith.index_cast %swap3A_286 : i32 to index
      %swap3A_288 = arith.constant 48 : index
      %swap3A_289 = tpu.vector_load %arg7[%swap3A_287, %swap3A_288] {strides = array<i32>} : memref<2x125xi32, #tpu.memory_space<vmem>>, vector<1x16xi32>,
      %swap3A_290 = vector.shape_cast %swap3A_289 : vector<1x16xi32> to vector<16xi32>
      %swap3A_291 = vector.shape_cast %shift_right_arithmetic3A_285 : vector<16xi32> to vector<1x16xi32>
      tpu.vector_store %arg7[%swap3A_287, %swap3A_288], %swap3A_291 {strides = array<i32>} : memref<2x125xi32, #tpu.memory_space<vmem>>, vector<1x16xi32>,
      %and3A_292 = arith.constant 16383 : i32
      %and3A_293 = vector.broadcast %and3A_292 : i32 to vector<16xi32>
      %and3A_294 = arith.andi %get3A_282, %and3A_293 : vector<16xi32>
      %swap3A_295 = arith.constant 1 : i32
      %swap3A_296 = arith.index_cast %swap3A_295 : i32 to index
      %swap3A_297 = arith.constant 48 : index
      %swap3A_298 = tpu.vector_load %arg8[%swap3A_296, %swap3A_297] {strides = array<i32>} : memref<2x125xi32, #tpu.memory_space<vmem>>, vector<1x16xi32>,
      %swap3A_299 = vector.shape_cast %swap3A_298 : vector<1x16xi32> to vector<16xi32>
      %swap3A_300 = vector.shape_cast %and3A_294 : vector<16xi32> to vector<1x16xi32>
      tpu.vector_store %arg8[%swap3A_296, %swap3A_297], %swap3A_300 {strides = array<i32>} : memref<2x125xi32, #tpu.memory_space<vmem>>, vector<1x16xi32>,
      %get3A_301 = arith.index_cast %add3A_212 : i32 to index
      %get3A_302 = arith.constant 64 : index
      %get3A_303 = tpu.vector_load %arg6[%get3A_301, %get3A_302] {strides = array<i32>} : memref<80x125xi32, #tpu.memory_space<vmem>>, vector<1x16xi32>,
      %get3A_304 = vector.shape_cast %get3A_303 : vector<1x16xi32> to vector<16xi32>
      %shift_right_arithmetic3A_305 = arith.constant 14 : i32
      %shift_right_arithmetic3A_306 = vector.broadcast %shift_right_arithmetic3A_305 : i32 to vector<16xi32>
      %shift_right_arithmetic3A_307 = arith.shrsi %get3A_304, %shift_right_arithmetic3A_306 : vector<16xi32>
      %swap3A_308 = arith.constant 1 : i32
      %swap3A_309 = arith.index_cast %swap3A_308 : i32 to index
      %swap3A_310 = arith.constant 64 : index
      %swap3A_311 = tpu.vector_load %arg7[%swap3A_309, %swap3A_310] {strides = array<i32>} : memref<2x125xi32, #tpu.memory_space<vmem>>, vector<1x16xi32>,
      %swap3A_312 = vector.shape_cast %swap3A_311 : vector<1x16xi32> to vector<16xi32>
      %swap3A_313 = vector.shape_cast %shift_right_arithmetic3A_307 : vector<16xi32> to vector<1x16xi32>
      tpu.vector_store %arg7[%swap3A_309, %swap3A_310], %swap3A_313 {strides = array<i32>} : memref<2x125xi32, #tpu.memory_space<vmem>>, vector<1x16xi32>,
      %and3A_314 = arith.constant 16383 : i32
      %and3A_315 = vector.broadcast %and3A_314 : i32 to vector<16xi32>
      %and3A_316 = arith.andi %get3A_304, %and3A_315 : vector<16xi32>
      %swap3A_317 = arith.constant 1 : i32
      %swap3A_318 = arith.index_cast %swap3A_317 : i32 to index
      %swap3A_319 = arith.constant 64 : index
      %swap3A_320 = tpu.vector_load %arg8[%swap3A_318, %swap3A_319] {strides = array<i32>} : memref<2x125xi32, #tpu.memory_space<vmem>>, vector<1x16xi32>,
      %swap3A_321 = vector.shape_cast %swap3A_320 : vector<1x16xi32> to vector<16xi32>
      %swap3A_322 = vector.shape_cast %and3A_316 : vector<16xi32> to vector<1x16xi32>
      tpu.vector_store %arg8[%swap3A_318, %swap3A_319], %swap3A_322 {strides = array<i32>} : memref<2x125xi32, #tpu.memory_space<vmem>>, vector<1x16xi32>,
      %get3A_323 = arith.index_cast %add3A_212 : i32 to index
      %get3A_324 = arith.constant 80 : index
      %get3A_325 = tpu.vector_load %arg6[%get3A_323, %get3A_324] {strides = array<i32>} : memref<80x125xi32, #tpu.memory_space<vmem>>, vector<1x16xi32>,
      %get3A_326 = vector.shape_cast %get3A_325 : vector<1x16xi32> to vector<16xi32>
      %shift_right_arithmetic3A_327 = arith.constant 14 : i32
      %shift_right_arithmetic3A_328 = vector.broadcast %shift_right_arithmetic3A_327 : i32 to vector<16xi32>
      %shift_right_arithmetic3A_329 = arith.shrsi %get3A_326, %shift_right_arithmetic3A_328 : vector<16xi32>
      %swap3A_330 = arith.constant 1 : i32
      %swap3A_331 = arith.index_cast %swap3A_330 : i32 to index
      %swap3A_332 = arith.constant 80 : index
      %swap3A_333 = tpu.vector_load %arg7[%swap3A_331, %swap3A_332] {strides = array<i32>} : memref<2x125xi32, #tpu.memory_space<vmem>>, vector<1x16xi32>,
      %swap3A_334 = vector.shape_cast %swap3A_333 : vector<1x16xi32> to vector<16xi32>
      %swap3A_335 = vector.shape_cast %shift_right_arithmetic3A_329 : vector<16xi32> to vector<1x16xi32>
      tpu.vector_store %arg7[%swap3A_331, %swap3A_332], %swap3A_335 {strides = array<i32>} : memref<2x125xi32, #tpu.memory_space<vmem>>, vector<1x16xi32>,
      %and3A_336 = arith.constant 16383 : i32
      %and3A_337 = vector.broadcast %and3A_336 : i32 to vector<16xi32>
      %and3A_338 = arith.andi %get3A_326, %and3A_337 : vector<16xi32>
      %swap3A_339 = arith.constant 1 : i32
      %swap3A_340 = arith.index_cast %swap3A_339 : i32 to index
      %swap3A_341 = arith.constant 80 : index
      %swap3A_342 = tpu.vector_load %arg8[%swap3A_340, %swap3A_341] {strides = array<i32>} : memref<2x125xi32, #tpu.memory_space<vmem>>, vector<1x16xi32>,
      %swap3A_343 = vector.shape_cast %swap3A_342 : vector<1x16xi32> to vector<16xi32>
      %swap3A_344 = vector.shape_cast %and3A_338 : vector<16xi32> to vector<1x16xi32>
      tpu.vector_store %arg8[%swap3A_340, %swap3A_341], %swap3A_344 {strides = array<i32>} : memref<2x125xi32, #tpu.memory_space<vmem>>, vector<1x16xi32>,
      %get3A_345 = arith.index_cast %add3A_212 : i32 to index
      %get3A_346 = arith.constant 96 : index
      %get3A_347 = tpu.vector_load %arg6[%get3A_345, %get3A_346] {strides = array<i32>} : memref<80x125xi32, #tpu.memory_space<vmem>>, vector<1x16xi32>,
      %get3A_348 = vector.shape_cast %get3A_347 : vector<1x16xi32> to vector<16xi32>
      %shift_right_arithmetic3A_349 = arith.constant 14 : i32
      %shift_right_arithmetic3A_350 = vector.broadcast %shift_right_arithmetic3A_349 : i32 to vector<16xi32>
      %shift_right_arithmetic3A_351 = arith.shrsi %get3A_348, %shift_right_arithmetic3A_350 : vector<16xi32>
      %swap3A_352 = arith.constant 1 : i32
      %swap3A_353 = arith.index_cast %swap3A_352 : i32 to index
      %swap3A_354 = arith.constant 96 : index
      %swap3A_355 = tpu.vector_load %arg7[%swap3A_353, %swap3A_354] {strides = array<i32>} : memref<2x125xi32, #tpu.memory_space<vmem>>, vector<1x16xi32>,
      %swap3A_356 = vector.shape_cast %swap3A_355 : vector<1x16xi32> to vector<16xi32>
      %swap3A_357 = vector.shape_cast %shift_right_arithmetic3A_351 : vector<16xi32> to vector<1x16xi32>
      tpu.vector_store %arg7[%swap3A_353, %swap3A_354], %swap3A_357 {strides = array<i32>} : memref<2x125xi32, #tpu.memory_space<vmem>>, vector<1x16xi32>,
      %and3A_358 = arith.constant 16383 : i32
      %and3A_359 = vector.broadcast %and3A_358 : i32 to vector<16xi32>
      %and3A_360 = arith.andi %get3A_348, %and3A_359 : vector<16xi32>
      %swap3A_361 = arith.constant 1 : i32
      %swap3A_362 = arith.index_cast %swap3A_361 : i32 to index
      %swap3A_363 = arith.constant 96 : index
      %swap3A_364 = tpu.vector_load %arg8[%swap3A_362, %swap3A_363] {strides = array<i32>} : memref<2x125xi32, #tpu.memory_space<vmem>>, vector<1x16xi32>,
      %swap3A_365 = vector.shape_cast %swap3A_364 : vector<1x16xi32> to vector<16xi32>
      %swap3A_366 = vector.shape_cast %and3A_360 : vector<16xi32> to vector<1x16xi32>
      tpu.vector_store %arg8[%swap3A_362, %swap3A_363], %swap3A_366 {strides = array<i32>} : memref<2x125xi32, #tpu.memory_space<vmem>>, vector<1x16xi32>,
      %get3A_367 = arith.index_cast %add3A_212 : i32 to index
      %get3A_368 = arith.constant 109 : index
      %get3A_369 = tpu.vector_load %arg6[%get3A_367, %get3A_368] {strides = array<i32>} : memref<80x125xi32, #tpu.memory_space<vmem>>, vector<1x16xi32>,
      %get3A_370 = vector.shape_cast %get3A_369 : vector<1x16xi32> to vector<16xi32>
      %shift_right_arithmetic3A_371 = arith.constant 14 : i32
      %shift_right_arithmetic3A_372 = vector.broadcast %shift_right_arithmetic3A_371 : i32 to vector<16xi32>
      %shift_right_arithmetic3A_373 = arith.shrsi %get3A_370, %shift_right_arithmetic3A_372 : vector<16xi32>
      %swap3A_374 = arith.constant 1 : i32
      %swap3A_375 = arith.index_cast %swap3A_374 : i32 to index
      %swap3A_376 = arith.constant 109 : index
      %swap3A_377 = tpu.vector_load %arg7[%swap3A_375, %swap3A_376] {strides = array<i32>} : memref<2x125xi32, #tpu.memory_space<vmem>>, vector<1x16xi32>,
      %swap3A_378 = vector.shape_cast %swap3A_377 : vector<1x16xi32> to vector<16xi32>
      %swap3A_379 = vector.shape_cast %shift_right_arithmetic3A_373 : vector<16xi32> to vector<1x16xi32>
      tpu.vector_store %arg7[%swap3A_375, %swap3A_376], %swap3A_379 {strides = array<i32>} : memref<2x125xi32, #tpu.memory_space<vmem>>, vector<1x16xi32>,
      %and3A_380 = arith.constant 16383 : i32
      %and3A_381 = vector.broadcast %and3A_380 : i32 to vector<16xi32>
      %and3A_382 = arith.andi %get3A_370, %and3A_381 : vector<16xi32>
      %swap3A_383 = arith.constant 1 : i32
      %swap3A_384 = arith.index_cast %swap3A_383 : i32 to index
      %swap3A_385 = arith.constant 109 : index
      %swap3A_386 = tpu.vector_load %arg8[%swap3A_384, %swap3A_385] {strides = array<i32>} : memref<2x125xi32, #tpu.memory_space<vmem>>, vector<1x16xi32>,
      %swap3A_387 = vector.shape_cast %swap3A_386 : vector<1x16xi32> to vector<16xi32>
      %swap3A_388 = vector.shape_cast %and3A_382 : vector<16xi32> to vector<1x16xi32>
      tpu.vector_store %arg8[%swap3A_384, %swap3A_385], %swap3A_388 {strides = array<i32>} : memref<2x125xi32, #tpu.memory_space<vmem>>, vector<1x16xi32>,
      %dma_start3A_389 = arith.constant 1 : i32
      %dma_start3A_390 = arith.constant 0 : i32
      %dma_start3A_391 = tpu.memref_slice %arg7[%dma_start3A_389, %dma_start3A_390] : memref<2x125xi32, #tpu.memory_space<vmem>> -> memref<1x125xi32, #tpu.memory_space<vmem>>
      %dma_start3A_392 = tpu.memref_squeeze %dma_start3A_391 : memref<1x125xi32, #tpu.memory_space<vmem>> -> memref<125xi32, #tpu.memory_space<vmem>>
      %dma_start3A_393 = arith.constant 0 : i32
      %dma_start3A_394 = arith.constant 0 : i32
      %dma_start3A_395 = tpu.memref_slice %arg2[%dma_start3A_393, %dma_start3A_394] : memref<10000x128xf32, #tpu.memory_space<hbm>> -> memref<10000x128xf32, #tpu.memory_space<hbm>>
      tpu.enqueue_indirect_dma source(%dma_start3A_395 : memref<10000x128xf32, #tpu.memory_space<hbm>>) target(%arg10 : memref<125x128xf32, #tpu.memory_space<vmem>>) offsets(%dma_start3A_392 : memref<125xi32, #tpu.memory_space<vmem>>) semaphore(%arg12 : memref<!tpu.dma_semaphore, #tpu.memory_space<semaphore_mem>>)
      %dma_wait3A = arith.constant 0 : i32
      %dma_wait3A_396 = arith.constant 0 : i32
      %dma_wait3A_397 = tpu.memref_slice %arg7[%dma_wait3A, %dma_wait3A_396] : memref<2x125xi32, #tpu.memory_space<vmem>> -> memref<1x125xi32, #tpu.memory_space<vmem>>
      %dma_wait3A_398 = tpu.memref_squeeze %dma_wait3A_397 : memref<1x125xi32, #tpu.memory_space<vmem>> -> memref<125xi32, #tpu.memory_space<vmem>>
      %dma_wait3A_399 = arith.constant 0 : i32
      %dma_wait3A_400 = arith.constant 0 : i32
      %dma_wait3A_401 = tpu.memref_slice %arg2[%dma_wait3A_399, %dma_wait3A_400] : memref<10000x128xf32, #tpu.memory_space<hbm>> -> memref<10000x128xf32, #tpu.memory_space<hbm>>
      tpu.wait_indirect_dma semaphore(%arg11 : memref<!tpu.dma_semaphore, #tpu.memory_space<semaphore_mem>>) src(%dma_wait3A_401 : memref<10000x128xf32, #tpu.memory_space<hbm>>) dst(%arg9 : memref<125x128xf32, #tpu.memory_space<vmem>>)
      %run_scoped3A = arith.constant 0 : i32
      "tpu.region"() ({
        %run_scoped3A_416 = tpu.sem_alloc : memref<!tpu.dma_semaphore, #tpu.memory_space<semaphore_mem>>
        %dma_start3A_417 = arith.constant 0 : i32
        %dma_start3A_418 = tpu.memref_slice %arg8[%run_scoped3A, %dma_start3A_417] : memref<2x125xi32, #tpu.memory_space<vmem>> -> memref<1x125xi32, #tpu.memory_space<vmem>>
        %dma_start3A_419 = tpu.memref_squeeze %dma_start3A_418 : memref<1x125xi32, #tpu.memory_space<vmem>> -> memref<125xi32, #tpu.memory_space<vmem>>
        %dma_start3A_420 = arith.constant 0 : i32
        %dma_start3A_421 = arith.constant 0 : i32
        %dma_start3A_422 = tpu.memref_slice %arg13[%dma_start3A_420, %dma_start3A_421] : memref<10000x128xf32, #tpu.memory_space<vmem_shared>> -> memref<10000x128xf32, #tpu.memory_space<vmem_shared>>
        tpu.enqueue_indirect_dma source(%arg9 : memref<125x128xf32, #tpu.memory_space<vmem>>) target(%dma_start3A_422 : memref<10000x128xf32, #tpu.memory_space<vmem_shared>>) offsets(%dma_start3A_419 : memref<125xi32, #tpu.memory_space<vmem>>) semaphore(%run_scoped3A_416 : memref<!tpu.dma_semaphore, #tpu.memory_space<semaphore_mem>>) {add = true}
        %dma_wait3A_423 = arith.constant 0 : i32
        %dma_wait3A_424 = tpu.memref_slice %arg8[%run_scoped3A, %dma_wait3A_423] : memref<2x125xi32, #tpu.memory_space<vmem>> -> memref<1x125xi32, #tpu.memory_space<vmem>>
        %dma_wait3A_425 = tpu.memref_squeeze %dma_wait3A_424 : memref<1x125xi32, #tpu.memory_space<vmem>> -> memref<125xi32, #tpu.memory_space<vmem>>
        %dma_wait3A_426 = arith.constant 0 : i32
        %dma_wait3A_427 = arith.constant 0 : i32
        %dma_wait3A_428 = tpu.memref_slice %arg13[%dma_wait3A_426, %dma_wait3A_427] : memref<10000x128xf32, #tpu.memory_space<vmem_shared>> -> memref<10000x128xf32, #tpu.memory_space<vmem_shared>>
        tpu.wait_indirect_dma semaphore(%run_scoped3A_416 : memref<!tpu.dma_semaphore, #tpu.memory_space<semaphore_mem>>) src(%arg9 : memref<125x128xf32, #tpu.memory_space<vmem>>) dst(%dma_wait3A_428 : memref<10000x128xf32, #tpu.memory_space<vmem_shared>>)
        tpu.yield
      }) : () -> ()
      %add3A_402 = arith.constant 2 : i32
      %add3A_403 = arith.addi %mul3A_210, %add3A_402 : i32
      %lt3A = arith.constant 80 : i32
      %lt3A_404 = arith.cmpi slt, %add3A_403, %lt3A : i32
      %convert_element_type3A_405 = arith.extui %lt3A_404 : i1 to i32
      %cond3A_406 = arith.constant 0 : i32
      %cond3A_407 = arith.cmpi ne, %convert_element_type3A_405, %cond3A_406 : i32
      scf.if %cond3A_407 {
        %add3A_416 = arith.constant 2 : i32
        %add3A_417 = arith.addi %mul3A_210, %add3A_416 : i32
        %get3A_418 = arith.index_cast %add3A_417 : i32 to index
        %get3A_419 = arith.constant 0 : index
        %get3A_420 = tpu.vector_load %arg6[%get3A_418, %get3A_419] {strides = array<i32>} : memref<80x125xi32, #tpu.memory_space<vmem>>, vector<1x16xi32>,
        %get3A_421 = vector.shape_cast %get3A_420 : vector<1x16xi32> to vector<16xi32>
        %shift_right_arithmetic3A_422 = arith.constant 14 : i32
        %shift_right_arithmetic3A_423 = vector.broadcast %shift_right_arithmetic3A_422 : i32 to vector<16xi32>
        %shift_right_arithmetic3A_424 = arith.shrsi %get3A_421, %shift_right_arithmetic3A_423 : vector<16xi32>
        %swap3A_425 = arith.constant 0 : i32
        %swap3A_426 = arith.index_cast %swap3A_425 : i32 to index
        %swap3A_427 = arith.constant 0 : index
        %swap3A_428 = tpu.vector_load %arg7[%swap3A_426, %swap3A_427] {strides = array<i32>} : memref<2x125xi32, #tpu.memory_space<vmem>>, vector<1x16xi32>,
        %swap3A_429 = vector.shape_cast %swap3A_428 : vector<1x16xi32> to vector<16xi32>
        %swap3A_430 = vector.shape_cast %shift_right_arithmetic3A_424 : vector<16xi32> to vector<1x16xi32>
        tpu.vector_store %arg7[%swap3A_426, %swap3A_427], %swap3A_430 {strides = array<i32>} : memref<2x125xi32, #tpu.memory_space<vmem>>, vector<1x16xi32>,
        %and3A_431 = arith.constant 16383 : i32
        %and3A_432 = vector.broadcast %and3A_431 : i32 to vector<16xi32>
        %and3A_433 = arith.andi %get3A_421, %and3A_432 : vector<16xi32>
        %swap3A_434 = arith.constant 0 : i32
        %swap3A_435 = arith.index_cast %swap3A_434 : i32 to index
        %swap3A_436 = arith.constant 0 : index
        %swap3A_437 = tpu.vector_load %arg8[%swap3A_435, %swap3A_436] {strides = array<i32>} : memref<2x125xi32, #tpu.memory_space<vmem>>, vector<1x16xi32>,
        %swap3A_438 = vector.shape_cast %swap3A_437 : vector<1x16xi32> to vector<16xi32>
        %swap3A_439 = vector.shape_cast %and3A_433 : vector<16xi32> to vector<1x16xi32>
        tpu.vector_store %arg8[%swap3A_435, %swap3A_436], %swap3A_439 {strides = array<i32>} : memref<2x125xi32, #tpu.memory_space<vmem>>, vector<1x16xi32>,
        %get3A_440 = arith.index_cast %add3A_417 : i32 to index
        %get3A_441 = arith.constant 16 : index
        %get3A_442 = tpu.vector_load %arg6[%get3A_440, %get3A_441] {strides = array<i32>} : memref<80x125xi32, #tpu.memory_space<vmem>>, vector<1x16xi32>,
        %get3A_443 = vector.shape_cast %get3A_442 : vector<1x16xi32> to vector<16xi32>
        %shift_right_arithmetic3A_444 = arith.constant 14 : i32
        %shift_right_arithmetic3A_445 = vector.broadcast %shift_right_arithmetic3A_444 : i32 to vector<16xi32>
        %shift_right_arithmetic3A_446 = arith.shrsi %get3A_443, %shift_right_arithmetic3A_445 : vector<16xi32>
        %swap3A_447 = arith.constant 0 : i32
        %swap3A_448 = arith.index_cast %swap3A_447 : i32 to index
        %swap3A_449 = arith.constant 16 : index
        %swap3A_450 = tpu.vector_load %arg7[%swap3A_448, %swap3A_449] {strides = array<i32>} : memref<2x125xi32, #tpu.memory_space<vmem>>, vector<1x16xi32>,
        %swap3A_451 = vector.shape_cast %swap3A_450 : vector<1x16xi32> to vector<16xi32>
        %swap3A_452 = vector.shape_cast %shift_right_arithmetic3A_446 : vector<16xi32> to vector<1x16xi32>
        tpu.vector_store %arg7[%swap3A_448, %swap3A_449], %swap3A_452 {strides = array<i32>} : memref<2x125xi32, #tpu.memory_space<vmem>>, vector<1x16xi32>,
        %and3A_453 = arith.constant 16383 : i32
        %and3A_454 = vector.broadcast %and3A_453 : i32 to vector<16xi32>
        %and3A_455 = arith.andi %get3A_443, %and3A_454 : vector<16xi32>
        %swap3A_456 = arith.constant 0 : i32
        %swap3A_457 = arith.index_cast %swap3A_456 : i32 to index
        %swap3A_458 = arith.constant 16 : index
        %swap3A_459 = tpu.vector_load %arg8[%swap3A_457, %swap3A_458] {strides = array<i32>} : memref<2x125xi32, #tpu.memory_space<vmem>>, vector<1x16xi32>,
        %swap3A_460 = vector.shape_cast %swap3A_459 : vector<1x16xi32> to vector<16xi32>
        %swap3A_461 = vector.shape_cast %and3A_455 : vector<16xi32> to vector<1x16xi32>
        tpu.vector_store %arg8[%swap3A_457, %swap3A_458], %swap3A_461 {strides = array<i32>} : memref<2x125xi32, #tpu.memory_space<vmem>>, vector<1x16xi32>,
        %get3A_462 = arith.index_cast %add3A_417 : i32 to index
        %get3A_463 = arith.constant 32 : index
        %get3A_464 = tpu.vector_load %arg6[%get3A_462, %get3A_463] {strides = array<i32>} : memref<80x125xi32, #tpu.memory_space<vmem>>, vector<1x16xi32>,
        %get3A_465 = vector.shape_cast %get3A_464 : vector<1x16xi32> to vector<16xi32>
        %shift_right_arithmetic3A_466 = arith.constant 14 : i32
        %shift_right_arithmetic3A_467 = vector.broadcast %shift_right_arithmetic3A_466 : i32 to vector<16xi32>
        %shift_right_arithmetic3A_468 = arith.shrsi %get3A_465, %shift_right_arithmetic3A_467 : vector<16xi32>
        %swap3A_469 = arith.constant 0 : i32
        %swap3A_470 = arith.index_cast %swap3A_469 : i32 to index
        %swap3A_471 = arith.constant 32 : index
        %swap3A_472 = tpu.vector_load %arg7[%swap3A_470, %swap3A_471] {strides = array<i32>} : memref<2x125xi32, #tpu.memory_space<vmem>>, vector<1x16xi32>,
        %swap3A_473 = vector.shape_cast %swap3A_472 : vector<1x16xi32> to vector<16xi32>
        %swap3A_474 = vector.shape_cast %shift_right_arithmetic3A_468 : vector<16xi32> to vector<1x16xi32>
        tpu.vector_store %arg7[%swap3A_470, %swap3A_471], %swap3A_474 {strides = array<i32>} : memref<2x125xi32, #tpu.memory_space<vmem>>, vector<1x16xi32>,
        %and3A_475 = arith.constant 16383 : i32
        %and3A_476 = vector.broadcast %and3A_475 : i32 to vector<16xi32>
        %and3A_477 = arith.andi %get3A_465, %and3A_476 : vector<16xi32>
        %swap3A_478 = arith.constant 0 : i32
        %swap3A_479 = arith.index_cast %swap3A_478 : i32 to index
        %swap3A_480 = arith.constant 32 : index
        %swap3A_481 = tpu.vector_load %arg8[%swap3A_479, %swap3A_480] {strides = array<i32>} : memref<2x125xi32, #tpu.memory_space<vmem>>, vector<1x16xi32>,
        %swap3A_482 = vector.shape_cast %swap3A_481 : vector<1x16xi32> to vector<16xi32>
        %swap3A_483 = vector.shape_cast %and3A_477 : vector<16xi32> to vector<1x16xi32>
        tpu.vector_store %arg8[%swap3A_479, %swap3A_480], %swap3A_483 {strides = array<i32>} : memref<2x125xi32, #tpu.memory_space<vmem>>, vector<1x16xi32>,
        %get3A_484 = arith.index_cast %add3A_417 : i32 to index
        %get3A_485 = arith.constant 48 : index
        %get3A_486 = tpu.vector_load %arg6[%get3A_484, %get3A_485] {strides = array<i32>} : memref<80x125xi32, #tpu.memory_space<vmem>>, vector<1x16xi32>,
        %get3A_487 = vector.shape_cast %get3A_486 : vector<1x16xi32> to vector<16xi32>
        %shift_right_arithmetic3A_488 = arith.constant 14 : i32
        %shift_right_arithmetic3A_489 = vector.broadcast %shift_right_arithmetic3A_488 : i32 to vector<16xi32>
        %shift_right_arithmetic3A_490 = arith.shrsi %get3A_487, %shift_right_arithmetic3A_489 : vector<16xi32>
        %swap3A_491 = arith.constant 0 : i32
        %swap3A_492 = arith.index_cast %swap3A_491 : i32 to index
        %swap3A_493 = arith.constant 48 : index
        %swap3A_494 = tpu.vector_load %arg7[%swap3A_492, %swap3A_493] {strides = array<i32>} : memref<2x125xi32, #tpu.memory_space<vmem>>, vector<1x16xi32>,
        %swap3A_495 = vector.shape_cast %swap3A_494 : vector<1x16xi32> to vector<16xi32>
        %swap3A_496 = vector.shape_cast %shift_right_arithmetic3A_490 : vector<16xi32> to vector<1x16xi32>
        tpu.vector_store %arg7[%swap3A_492, %swap3A_493], %swap3A_496 {strides = array<i32>} : memref<2x125xi32, #tpu.memory_space<vmem>>, vector<1x16xi32>,
        %and3A_497 = arith.constant 16383 : i32
        %and3A_498 = vector.broadcast %and3A_497 : i32 to vector<16xi32>
        %and3A_499 = arith.andi %get3A_487, %and3A_498 : vector<16xi32>
        %swap3A_500 = arith.constant 0 : i32
        %swap3A_501 = arith.index_cast %swap3A_500 : i32 to index
        %swap3A_502 = arith.constant 48 : index
        %swap3A_503 = tpu.vector_load %arg8[%swap3A_501, %swap3A_502] {strides = array<i32>} : memref<2x125xi32, #tpu.memory_space<vmem>>, vector<1x16xi32>,
        %swap3A_504 = vector.shape_cast %swap3A_503 : vector<1x16xi32> to vector<16xi32>
        %swap3A_505 = vector.shape_cast %and3A_499 : vector<16xi32> to vector<1x16xi32>
        tpu.vector_store %arg8[%swap3A_501, %swap3A_502], %swap3A_505 {strides = array<i32>} : memref<2x125xi32, #tpu.memory_space<vmem>>, vector<1x16xi32>,
        %get3A_506 = arith.index_cast %add3A_417 : i32 to index
        %get3A_507 = arith.constant 64 : index
        %get3A_508 = tpu.vector_load %arg6[%get3A_506, %get3A_507] {strides = array<i32>} : memref<80x125xi32, #tpu.memory_space<vmem>>, vector<1x16xi32>,
        %get3A_509 = vector.shape_cast %get3A_508 : vector<1x16xi32> to vector<16xi32>
        %shift_right_arithmetic3A_510 = arith.constant 14 : i32
        %shift_right_arithmetic3A_511 = vector.broadcast %shift_right_arithmetic3A_510 : i32 to vector<16xi32>
        %shift_right_arithmetic3A_512 = arith.shrsi %get3A_509, %shift_right_arithmetic3A_511 : vector<16xi32>
        %swap3A_513 = arith.constant 0 : i32
        %swap3A_514 = arith.index_cast %swap3A_513 : i32 to index
        %swap3A_515 = arith.constant 64 : index
        %swap3A_516 = tpu.vector_load %arg7[%swap3A_514, %swap3A_515] {strides = array<i32>} : memref<2x125xi32, #tpu.memory_space<vmem>>, vector<1x16xi32>,
        %swap3A_517 = vector.shape_cast %swap3A_516 : vector<1x16xi32> to vector<16xi32>
        %swap3A_518 = vector.shape_cast %shift_right_arithmetic3A_512 : vector<16xi32> to vector<1x16xi32>
        tpu.vector_store %arg7[%swap3A_514, %swap3A_515], %swap3A_518 {strides = array<i32>} : memref<2x125xi32, #tpu.memory_space<vmem>>, vector<1x16xi32>,
        %and3A_519 = arith.constant 16383 : i32
        %and3A_520 = vector.broadcast %and3A_519 : i32 to vector<16xi32>
        %and3A_521 = arith.andi %get3A_509, %and3A_520 : vector<16xi32>
        %swap3A_522 = arith.constant 0 : i32
        %swap3A_523 = arith.index_cast %swap3A_522 : i32 to index
        %swap3A_524 = arith.constant 64 : index
        %swap3A_525 = tpu.vector_load %arg8[%swap3A_523, %swap3A_524] {strides = array<i32>} : memref<2x125xi32, #tpu.memory_space<vmem>>, vector<1x16xi32>,
        %swap3A_526 = vector.shape_cast %swap3A_525 : vector<1x16xi32> to vector<16xi32>
        %swap3A_527 = vector.shape_cast %and3A_521 : vector<16xi32> to vector<1x16xi32>
        tpu.vector_store %arg8[%swap3A_523, %swap3A_524], %swap3A_527 {strides = array<i32>} : memref<2x125xi32, #tpu.memory_space<vmem>>, vector<1x16xi32>,
        %get3A_528 = arith.index_cast %add3A_417 : i32 to index
        %get3A_529 = arith.constant 80 : index
        %get3A_530 = tpu.vector_load %arg6[%get3A_528, %get3A_529] {strides = array<i32>} : memref<80x125xi32, #tpu.memory_space<vmem>>, vector<1x16xi32>,
        %get3A_531 = vector.shape_cast %get3A_530 : vector<1x16xi32> to vector<16xi32>
        %shift_right_arithmetic3A_532 = arith.constant 14 : i32
        %shift_right_arithmetic3A_533 = vector.broadcast %shift_right_arithmetic3A_532 : i32 to vector<16xi32>
        %shift_right_arithmetic3A_534 = arith.shrsi %get3A_531, %shift_right_arithmetic3A_533 : vector<16xi32>
        %swap3A_535 = arith.constant 0 : i32
        %swap3A_536 = arith.index_cast %swap3A_535 : i32 to index
        %swap3A_537 = arith.constant 80 : index
        %swap3A_538 = tpu.vector_load %arg7[%swap3A_536, %swap3A_537] {strides = array<i32>} : memref<2x125xi32, #tpu.memory_space<vmem>>, vector<1x16xi32>,
        %swap3A_539 = vector.shape_cast %swap3A_538 : vector<1x16xi32> to vector<16xi32>
        %swap3A_540 = vector.shape_cast %shift_right_arithmetic3A_534 : vector<16xi32> to vector<1x16xi32>
        tpu.vector_store %arg7[%swap3A_536, %swap3A_537], %swap3A_540 {strides = array<i32>} : memref<2x125xi32, #tpu.memory_space<vmem>>, vector<1x16xi32>,
        %and3A_541 = arith.constant 16383 : i32
        %and3A_542 = vector.broadcast %and3A_541 : i32 to vector<16xi32>
        %and3A_543 = arith.andi %get3A_531, %and3A_542 : vector<16xi32>
        %swap3A_544 = arith.constant 0 : i32
        %swap3A_545 = arith.index_cast %swap3A_544 : i32 to index
        %swap3A_546 = arith.constant 80 : index
        %swap3A_547 = tpu.vector_load %arg8[%swap3A_545, %swap3A_546] {strides = array<i32>} : memref<2x125xi32, #tpu.memory_space<vmem>>, vector<1x16xi32>,
        %swap3A_548 = vector.shape_cast %swap3A_547 : vector<1x16xi32> to vector<16xi32>
        %swap3A_549 = vector.shape_cast %and3A_543 : vector<16xi32> to vector<1x16xi32>
        tpu.vector_store %arg8[%swap3A_545, %swap3A_546], %swap3A_549 {strides = array<i32>} : memref<2x125xi32, #tpu.memory_space<vmem>>, vector<1x16xi32>,
        %get3A_550 = arith.index_cast %add3A_417 : i32 to index
        %get3A_551 = arith.constant 96 : index
        %get3A_552 = tpu.vector_load %arg6[%get3A_550, %get3A_551] {strides = array<i32>} : memref<80x125xi32, #tpu.memory_space<vmem>>, vector<1x16xi32>,
        %get3A_553 = vector.shape_cast %get3A_552 : vector<1x16xi32> to vector<16xi32>
        %shift_right_arithmetic3A_554 = arith.constant 14 : i32
        %shift_right_arithmetic3A_555 = vector.broadcast %shift_right_arithmetic3A_554 : i32 to vector<16xi32>
        %shift_right_arithmetic3A_556 = arith.shrsi %get3A_553, %shift_right_arithmetic3A_555 : vector<16xi32>
        %swap3A_557 = arith.constant 0 : i32
        %swap3A_558 = arith.index_cast %swap3A_557 : i32 to index
        %swap3A_559 = arith.constant 96 : index
        %swap3A_560 = tpu.vector_load %arg7[%swap3A_558, %swap3A_559] {strides = array<i32>} : memref<2x125xi32, #tpu.memory_space<vmem>>, vector<1x16xi32>,
        %swap3A_561 = vector.shape_cast %swap3A_560 : vector<1x16xi32> to vector<16xi32>
        %swap3A_562 = vector.shape_cast %shift_right_arithmetic3A_556 : vector<16xi32> to vector<1x16xi32>
        tpu.vector_store %arg7[%swap3A_558, %swap3A_559], %swap3A_562 {strides = array<i32>} : memref<2x125xi32, #tpu.memory_space<vmem>>, vector<1x16xi32>,
        %and3A_563 = arith.constant 16383 : i32
        %and3A_564 = vector.broadcast %and3A_563 : i32 to vector<16xi32>
        %and3A_565 = arith.andi %get3A_553, %and3A_564 : vector<16xi32>
        %swap3A_566 = arith.constant 0 : i32
        %swap3A_567 = arith.index_cast %swap3A_566 : i32 to index
        %swap3A_568 = arith.constant 96 : index
        %swap3A_569 = tpu.vector_load %arg8[%swap3A_567, %swap3A_568] {strides = array<i32>} : memref<2x125xi32, #tpu.memory_space<vmem>>, vector<1x16xi32>,
        %swap3A_570 = vector.shape_cast %swap3A_569 : vector<1x16xi32> to vector<16xi32>
        %swap3A_571 = vector.shape_cast %and3A_565 : vector<16xi32> to vector<1x16xi32>
        tpu.vector_store %arg8[%swap3A_567, %swap3A_568], %swap3A_571 {strides = array<i32>} : memref<2x125xi32, #tpu.memory_space<vmem>>, vector<1x16xi32>,
        %get3A_572 = arith.index_cast %add3A_417 : i32 to index
        %get3A_573 = arith.constant 109 : index
        %get3A_574 = tpu.vector_load %arg6[%get3A_572, %get3A_573] {strides = array<i32>} : memref<80x125xi32, #tpu.memory_space<vmem>>, vector<1x16xi32>,
        %get3A_575 = vector.shape_cast %get3A_574 : vector<1x16xi32> to vector<16xi32>
        %shift_right_arithmetic3A_576 = arith.constant 14 : i32
        %shift_right_arithmetic3A_577 = vector.broadcast %shift_right_arithmetic3A_576 : i32 to vector<16xi32>
        %shift_right_arithmetic3A_578 = arith.shrsi %get3A_575, %shift_right_arithmetic3A_577 : vector<16xi32>
        %swap3A_579 = arith.constant 0 : i32
        %swap3A_580 = arith.index_cast %swap3A_579 : i32 to index
        %swap3A_581 = arith.constant 109 : index
        %swap3A_582 = tpu.vector_load %arg7[%swap3A_580, %swap3A_581] {strides = array<i32>} : memref<2x125xi32, #tpu.memory_space<vmem>>, vector<1x16xi32>,
        %swap3A_583 = vector.shape_cast %swap3A_582 : vector<1x16xi32> to vector<16xi32>
        %swap3A_584 = vector.shape_cast %shift_right_arithmetic3A_578 : vector<16xi32> to vector<1x16xi32>
        tpu.vector_store %arg7[%swap3A_580, %swap3A_581], %swap3A_584 {strides = array<i32>} : memref<2x125xi32, #tpu.memory_space<vmem>>, vector<1x16xi32>,
        %and3A_585 = arith.constant 16383 : i32
        %and3A_586 = vector.broadcast %and3A_585 : i32 to vector<16xi32>
        %and3A_587 = arith.andi %get3A_575, %and3A_586 : vector<16xi32>
        %swap3A_588 = arith.constant 0 : i32
        %swap3A_589 = arith.index_cast %swap3A_588 : i32 to index
        %swap3A_590 = arith.constant 109 : index
        %swap3A_591 = tpu.vector_load %arg8[%swap3A_589, %swap3A_590] {strides = array<i32>} : memref<2x125xi32, #tpu.memory_space<vmem>>, vector<1x16xi32>,
        %swap3A_592 = vector.shape_cast %swap3A_591 : vector<1x16xi32> to vector<16xi32>
        %swap3A_593 = vector.shape_cast %and3A_587 : vector<16xi32> to vector<1x16xi32>
        tpu.vector_store %arg8[%swap3A_589, %swap3A_590], %swap3A_593 {strides = array<i32>} : memref<2x125xi32, #tpu.memory_space<vmem>>, vector<1x16xi32>,
        %dma_start3A_594 = arith.constant 0 : i32
        %dma_start3A_595 = arith.constant 0 : i32
        %dma_start3A_596 = tpu.memref_slice %arg7[%dma_start3A_594, %dma_start3A_595] : memref<2x125xi32, #tpu.memory_space<vmem>> -> memref<1x125xi32, #tpu.memory_space<vmem>>
        %dma_start3A_597 = tpu.memref_squeeze %dma_start3A_596 : memref<1x125xi32, #tpu.memory_space<vmem>> -> memref<125xi32, #tpu.memory_space<vmem>>
        %dma_start3A_598 = arith.constant 0 : i32
        %dma_start3A_599 = arith.constant 0 : i32
        %dma_start3A_600 = tpu.memref_slice %arg2[%dma_start3A_598, %dma_start3A_599] : memref<10000x128xf32, #tpu.memory_space<hbm>> -> memref<10000x128xf32, #tpu.memory_space<hbm>>
        tpu.enqueue_indirect_dma source(%dma_start3A_600 : memref<10000x128xf32, #tpu.memory_space<hbm>>) target(%arg9 : memref<125x128xf32, #tpu.memory_space<vmem>>) offsets(%dma_start3A_597 : memref<125xi32, #tpu.memory_space<vmem>>) semaphore(%arg11 : memref<!tpu.dma_semaphore, #tpu.memory_space<semaphore_mem>>)
      } else {
      }
      %dma_wait3A_408 = arith.constant 1 : i32
      %dma_wait3A_409 = arith.constant 0 : i32
      %dma_wait3A_410 = tpu.memref_slice %arg7[%dma_wait3A_408, %dma_wait3A_409] : memref<2x125xi32, #tpu.memory_space<vmem>> -> memref<1x125xi32, #tpu.memory_space<vmem>>
      %dma_wait3A_411 = tpu.memref_squeeze %dma_wait3A_410 : memref<1x125xi32, #tpu.memory_space<vmem>> -> memref<125xi32, #tpu.memory_space<vmem>>
      %dma_wait3A_412 = arith.constant 0 : i32
      %dma_wait3A_413 = arith.constant 0 : i32
      %dma_wait3A_414 = tpu.memref_slice %arg2[%dma_wait3A_412, %dma_wait3A_413] : memref<10000x128xf32, #tpu.memory_space<hbm>> -> memref<10000x128xf32, #tpu.memory_space<hbm>>
      tpu.wait_indirect_dma semaphore(%arg12 : memref<!tpu.dma_semaphore, #tpu.memory_space<semaphore_mem>>) src(%dma_wait3A_414 : memref<10000x128xf32, #tpu.memory_space<hbm>>) dst(%arg10 : memref<125x128xf32, #tpu.memory_space<vmem>>)
      %run_scoped3A_415 = arith.constant 1 : i32
      "tpu.region"() ({
        %run_scoped3A_416 = tpu.sem_alloc : memref<!tpu.dma_semaphore, #tpu.memory_space<semaphore_mem>>
        %dma_start3A_417 = arith.constant 0 : i32
        %dma_start3A_418 = tpu.memref_slice %arg8[%run_scoped3A_415, %dma_start3A_417] : memref<2x125xi32, #tpu.memory_space<vmem>> -> memref<1x125xi32, #tpu.memory_space<vmem>>
        %dma_start3A_419 = tpu.memref_squeeze %dma_start3A_418 : memref<1x125xi32, #tpu.memory_space<vmem>> -> memref<125xi32, #tpu.memory_space<vmem>>
        %dma_start3A_420 = arith.constant 0 : i32
        %dma_start3A_421 = arith.constant 0 : i32
        %dma_start3A_422 = tpu.memref_slice %arg13[%dma_start3A_420, %dma_start3A_421] : memref<10000x128xf32, #tpu.memory_space<vmem_shared>> -> memref<10000x128xf32, #tpu.memory_space<vmem_shared>>
        tpu.enqueue_indirect_dma source(%arg10 : memref<125x128xf32, #tpu.memory_space<vmem>>) target(%dma_start3A_422 : memref<10000x128xf32, #tpu.memory_space<vmem_shared>>) offsets(%dma_start3A_419 : memref<125xi32, #tpu.memory_space<vmem>>) semaphore(%run_scoped3A_416 : memref<!tpu.dma_semaphore, #tpu.memory_space<semaphore_mem>>) {add = true}
        %dma_wait3A_423 = arith.constant 0 : i32
        %dma_wait3A_424 = tpu.memref_slice %arg8[%run_scoped3A_415, %dma_wait3A_423] : memref<2x125xi32, #tpu.memory_space<vmem>> -> memref<1x125xi32, #tpu.memory_space<vmem>>
        %dma_wait3A_425 = tpu.memref_squeeze %dma_wait3A_424 : memref<1x125xi32, #tpu.memory_space<vmem>> -> memref<125xi32, #tpu.memory_space<vmem>>
        %dma_wait3A_426 = arith.constant 0 : i32
        %dma_wait3A_427 = arith.constant 0 : i32
        %dma_wait3A_428 = tpu.memref_slice %arg13[%dma_wait3A_426, %dma_wait3A_427] : memref<10000x128xf32, #tpu.memory_space<vmem_shared>> -> memref<10000x128xf32, #tpu.memory_space<vmem_shared>>
        tpu.wait_indirect_dma semaphore(%run_scoped3A_416 : memref<!tpu.dma_semaphore, #tpu.memory_space<semaphore_mem>>) src(%arg10 : memref<125x128xf32, #tpu.memory_space<vmem>>) dst(%dma_wait3A_428 : memref<10000x128xf32, #tpu.memory_space<vmem_shared>>)
        tpu.yield
      }) : () -> ()
    }
    %scan3A_197 = arith.constant 40 : i32
    %barrier3A_198 = arith.constant 0 : index
    tpu.barrier barrier_id(%barrier3A_198)
    %mul3A_199 = arith.constant 624 : i32
    %mul3A_200 = arith.muli %arg1, %mul3A_199 : i32
    %mul3A_201 = arith.constant 624 : i32
    %mul3A_202 = arith.muli %arg1, %mul3A_201 : i32
    "tpu.region"() ({
      %run_scoped3A = tpu.sem_alloc : memref<!tpu.dma_semaphore, #tpu.memory_space<semaphore_mem>>
      %dma_start3A_208 = arith.constant 0 : i32
      %dma_start3A_209 = tpu.memref_slice %arg5[%arg0, %mul3A_202, %dma_start3A_208] : memref<2x10000x128xf32, #tpu.memory_space<hbm>> -> memref<1x624x128xf32, #tpu.memory_space<hbm>>
      %dma_start3A_210 = tpu.memref_squeeze %dma_start3A_209 : memref<1x624x128xf32, #tpu.memory_space<hbm>> -> memref<624x128xf32, #tpu.memory_space<hbm>>
      %dma_start3A_211 = arith.constant 0 : i32
      %dma_start3A_212 = tpu.memref_slice %arg13[%mul3A_200, %dma_start3A_211] : memref<10000x128xf32, #tpu.memory_space<vmem_shared>> -> memref<624x128xf32, #tpu.memory_space<vmem_shared>>
      tpu.enqueue_dma source(%dma_start3A_212 : memref<624x128xf32, #tpu.memory_space<vmem_shared>>) target(%dma_start3A_210 : memref<624x128xf32, #tpu.memory_space<hbm>>) target_semaphore(%run_scoped3A : memref<!tpu.dma_semaphore, #tpu.memory_space<semaphore_mem>>)
      %dma_wait3A = arith.constant 0 : i32
      %dma_wait3A_213 = tpu.memref_slice %arg5[%arg0, %mul3A_202, %dma_wait3A] : memref<2x10000x128xf32, #tpu.memory_space<hbm>> -> memref<1x624x128xf32, #tpu.memory_space<hbm>>
      %dma_wait3A_214 = tpu.memref_squeeze %dma_wait3A_213 : memref<1x624x128xf32, #tpu.memory_space<hbm>> -> memref<624x128xf32, #tpu.memory_space<hbm>>
      %dma_wait3A_215 = arith.constant 0 : i32
      %dma_wait3A_216 = tpu.memref_slice %arg13[%mul3A_200, %dma_wait3A_215] : memref<10000x128xf32, #tpu.memory_space<vmem_shared>> -> memref<624x128xf32, #tpu.memory_space<vmem_shared>>
      tpu.wait_dma2 semaphore(%run_scoped3A : memref<!tpu.dma_semaphore, #tpu.memory_space<semaphore_mem>>) src(%dma_wait3A_216 : memref<624x128xf32, #tpu.memory_space<vmem_shared>>) dst(%dma_wait3A_214 : memref<624x128xf32, #tpu.memory_space<hbm>>)
      tpu.yield
    }) : () -> ()
    %eq3A_203 = arith.constant 15 : i32
    %eq3A_204 = arith.cmpi eq, %arg1, %eq3A_203 : i32
    %convert_element_type3A_205 = arith.extui %eq3A_204 : i1 to i32
    %cond3A_206 = arith.constant 0 : i32
    %cond3A_207 = arith.cmpi ne, %convert_element_type3A_205, %cond3A_206 : i32
    scf.if %cond3A_207 {
      "tpu.region"() ({
        %run_scoped3A = tpu.sem_alloc : memref<!tpu.dma_semaphore, #tpu.memory_space<semaphore_mem>>
        %dma_start3A_208 = arith.constant 9984 : i32
        %dma_start3A_209 = arith.constant 0 : i32
        %dma_start3A_210 = tpu.memref_slice %arg5[%arg0, %dma_start3A_208, %dma_start3A_209] : memref<2x10000x128xf32, #tpu.memory_space<hbm>> -> memref<1x16x128xf32, #tpu.memory_space<hbm>>
        %dma_start3A_211 = tpu.memref_squeeze %dma_start3A_210 : memref<1x16x128xf32, #tpu.memory_space<hbm>> -> memref<16x128xf32, #tpu.memory_space<hbm>>
        %dma_start3A_212 = arith.constant 9984 : i32
        %dma_start3A_213 = arith.constant 0 : i32
        %dma_start3A_214 = tpu.memref_slice %arg13[%dma_start3A_212, %dma_start3A_213] : memref<10000x128xf32, #tpu.memory_space<vmem_shared>> -> memref<16x128xf32, #tpu.memory_space<vmem_shared>>
        tpu.enqueue_dma source(%dma_start3A_214 : memref<16x128xf32, #tpu.memory_space<vmem_shared>>) target(%dma_start3A_211 : memref<16x128xf32, #tpu.memory_space<hbm>>) target_semaphore(%run_scoped3A : memref<!tpu.dma_semaphore, #tpu.memory_space<semaphore_mem>>)
        %dma_wait3A = arith.constant 9984 : i32
        %dma_wait3A_215 = arith.constant 0 : i32
        %dma_wait3A_216 = tpu.memref_slice %arg5[%arg0, %dma_wait3A, %dma_wait3A_215] : memref<2x10000x128xf32, #tpu.memory_space<hbm>> -> memref<1x16x128xf32, #tpu.memory_space<hbm>>
        %dma_wait3A_217 = tpu.memref_squeeze %dma_wait3A_216 : memref<1x16x128xf32, #tpu.memory_space<hbm>> -> memref<16x128xf32, #tpu.memory_space<hbm>>
        %dma_wait3A_218 = arith.constant 9984 : i32
        %dma_wait3A_219 = arith.constant 0 : i32
        %dma_wait3A_220 = tpu.memref_slice %arg13[%dma_wait3A_218, %dma_wait3A_219] : memref<10000x128xf32, #tpu.memory_space<vmem_shared>> -> memref<16x128xf32, #tpu.memory_space<vmem_shared>>
        tpu.wait_dma2 semaphore(%run_scoped3A : memref<!tpu.dma_semaphore, #tpu.memory_space<semaphore_mem>>) src(%dma_wait3A_220 : memref<16x128xf32, #tpu.memory_space<vmem_shared>>) dst(%dma_wait3A_217 : memref<16x128xf32, #tpu.memory_space<hbm>>)
        tpu.yield
      }) : () -> ()
    } else {
    }
    return
  }
}

#map = affine_map<(d0, d1) -> (0, 0)>
#map1 = affine_map<(d0, d1) -> (0, 0, 0)>
module attributes {stable_mosaic.version = 14 : i64} {
  func.func @sc_agg(%arg0: i32, %arg1: i32, %arg2: memref<10000x128xf32, #tpu.memory_space<hbm>>, %arg3: memref<32x80x125xi32, #tpu.memory_space<hbm>>, %arg4: memref<10000x128xf32, #tpu.memory_space<hbm>>, %arg5: memref<2x10000x128xf32, #tpu.memory_space<hbm>>, %arg6: memref<80x125xi32, #tpu.memory_space<vmem>>, %arg7: memref<2x125xi32, #tpu.memory_space<vmem>>, %arg8: memref<2x125xi32, #tpu.memory_space<vmem>>, %arg9: memref<125x128xf32, #tpu.memory_space<vmem>>, %arg10: memref<125x128xf32, #tpu.memory_space<vmem>>, %arg11: memref<!tpu.dma_semaphore, #tpu.memory_space<semaphore_mem>>, %arg12: memref<!tpu.dma_semaphore, #tpu.memory_space<semaphore_mem>>, %arg13: memref<10000x128xf32, #tpu.memory_space<vmem_shared>>) attributes {dimension_semantics = [#tpu.dimension_semantics<core_parallel>, #tpu.dimension_semantics<subcore_parallel>], iteration_bounds = array<i64: 2, 16>, scalar_prefetch = 0 : i64, scratch_operands = 8 : i64, tpu.core_type = #tpu.core_type<sc_vector_subcore>, window_params = [{transform_indices = #map}, {transform_indices = #map1}, {transform_indices = #map}, {transform_indices = #map1}]} {
    %mul3A = arith.constant 2 : i32
    %mul3A_0 = arith.muli %arg1, %mul3A : i32
    %add3A = arith.addi %mul3A_0, %arg0 : i32
    %mul3A_1 = arith.constant 624 : i32
    %mul3A_2 = arith.muli %arg1, %mul3A_1 : i32
    %mul3A_3 = arith.constant 624 : i32
    %mul3A_4 = arith.muli %arg1, %mul3A_3 : i32
    "tpu.region"() ({
      %run_scoped3A = tpu.sem_alloc : memref<!tpu.dma_semaphore, #tpu.memory_space<semaphore_mem>>
      %dma_start3A_208 = arith.constant 0 : i32
      %dma_start3A_209 = tpu.memref_slice %arg13[%mul3A_4, %dma_start3A_208] : memref<10000x128xf32, #tpu.memory_space<vmem_shared>> -> memref<624x128xf32, #tpu.memory_space<vmem_shared>>
      %dma_start3A_210 = arith.constant 0 : i32
      %dma_start3A_211 = tpu.memref_slice %arg4[%mul3A_2, %dma_start3A_210] : memref<10000x128xf32, #tpu.memory_space<hbm>> -> memref<624x128xf32, #tpu.memory_space<hbm>>
      tpu.enqueue_dma source(%dma_start3A_211 : memref<624x128xf32, #tpu.memory_space<hbm>>) target(%dma_start3A_209 : memref<624x128xf32, #tpu.memory_space<vmem_shared>>) target_semaphore(%run_scoped3A : memref<!tpu.dma_semaphore, #tpu.memory_space<semaphore_mem>>)
      %dma_wait3A = arith.constant 0 : i32
      %dma_wait3A_212 = tpu.memref_slice %arg13[%mul3A_4, %dma_wait3A] : memref<10000x128xf32, #tpu.memory_space<vmem_shared>> -> memref<624x128xf32, #tpu.memory_space<vmem_shared>>
      %dma_wait3A_213 = arith.constant 0 : i32
      %dma_wait3A_214 = tpu.memref_slice %arg4[%mul3A_2, %dma_wait3A_213] : memref<10000x128xf32, #tpu.memory_space<hbm>> -> memref<624x128xf32, #tpu.memory_space<hbm>>
      tpu.wait_dma2 semaphore(%run_scoped3A : memref<!tpu.dma_semaphore, #tpu.memory_space<semaphore_mem>>) src(%dma_wait3A_214 : memref<624x128xf32, #tpu.memory_space<hbm>>) dst(%dma_wait3A_212 : memref<624x128xf32, #tpu.memory_space<vmem_shared>>)
      tpu.yield
    }) : () -> ()
    %eq3A = arith.constant 15 : i32
    %eq3A_5 = arith.cmpi eq, %arg1, %eq3A : i32
    %convert_element_type3A = arith.extui %eq3A_5 : i1 to i32
    %cond3A = arith.constant 0 : i32
    %cond3A_6 = arith.cmpi ne, %convert_element_type3A, %cond3A : i32
    scf.if %cond3A_6 {
      "tpu.region"() ({
        %run_scoped3A = tpu.sem_alloc : memref<!tpu.dma_semaphore, #tpu.memory_space<semaphore_mem>>
        %dma_start3A_208 = arith.constant 9984 : i32
        %dma_start3A_209 = arith.constant 0 : i32
        %dma_start3A_210 = tpu.memref_slice %arg13[%dma_start3A_208, %dma_start3A_209] : memref<10000x128xf32, #tpu.memory_space<vmem_shared>> -> memref<16x128xf32, #tpu.memory_space<vmem_shared>>
        %dma_start3A_211 = arith.constant 9984 : i32
        %dma_start3A_212 = arith.constant 0 : i32
        %dma_start3A_213 = tpu.memref_slice %arg4[%dma_start3A_211, %dma_start3A_212] : memref<10000x128xf32, #tpu.memory_space<hbm>> -> memref<16x128xf32, #tpu.memory_space<hbm>>
        tpu.enqueue_dma source(%dma_start3A_213 : memref<16x128xf32, #tpu.memory_space<hbm>>) target(%dma_start3A_210 : memref<16x128xf32, #tpu.memory_space<vmem_shared>>) target_semaphore(%run_scoped3A : memref<!tpu.dma_semaphore, #tpu.memory_space<semaphore_mem>>)
        %dma_wait3A = arith.constant 9984 : i32
        %dma_wait3A_214 = arith.constant 0 : i32
        %dma_wait3A_215 = tpu.memref_slice %arg13[%dma_wait3A, %dma_wait3A_214] : memref<10000x128xf32, #tpu.memory_space<vmem_shared>> -> memref<16x128xf32, #tpu.memory_space<vmem_shared>>
        %dma_wait3A_216 = arith.constant 9984 : i32
        %dma_wait3A_217 = arith.constant 0 : i32
        %dma_wait3A_218 = tpu.memref_slice %arg4[%dma_wait3A_216, %dma_wait3A_217] : memref<10000x128xf32, #tpu.memory_space<hbm>> -> memref<16x128xf32, #tpu.memory_space<hbm>>
        tpu.wait_dma2 semaphore(%run_scoped3A : memref<!tpu.dma_semaphore, #tpu.memory_space<semaphore_mem>>) src(%dma_wait3A_218 : memref<16x128xf32, #tpu.memory_space<hbm>>) dst(%dma_wait3A_215 : memref<16x128xf32, #tpu.memory_space<vmem_shared>>)
        tpu.yield
      }) : () -> ()
    } else {
    }
    "tpu.region"() ({
      %run_scoped3A = tpu.sem_alloc : memref<!tpu.dma_semaphore, #tpu.memory_space<semaphore_mem>>
      %dma_start3A_208 = arith.constant 0 : i32
      %dma_start3A_209 = arith.constant 0 : i32
      %dma_start3A_210 = tpu.memref_slice %arg3[%add3A, %dma_start3A_208, %dma_start3A_209] : memref<32x80x125xi32, #tpu.memory_space<hbm>> -> memref<1x80x125xi32, #tpu.memory_space<hbm>>
      %dma_start3A_211 = tpu.memref_squeeze %dma_start3A_210 : memref<1x80x125xi32, #tpu.memory_space<hbm>> -> memref<80x125xi32, #tpu.memory_space<hbm>>
      %dma_start3A_212 = arith.constant 0 : i32
      %dma_start3A_213 = arith.constant 0 : i32
      %dma_start3A_214 = tpu.memref_slice %arg3[%add3A, %dma_start3A_212, %dma_start3A_213] : memref<32x80x125xi32, #tpu.memory_space<hbm>> -> memref<1x80x125xi32, #tpu.memory_space<hbm>>
      %dma_start3A_215 = tpu.memref_squeeze %dma_start3A_214 : memref<1x80x125xi32, #tpu.memory_space<hbm>> -> memref<80x125xi32, #tpu.memory_space<hbm>>
      tpu.enqueue_dma source(%dma_start3A_215 : memref<80x125xi32, #tpu.memory_space<hbm>>) target(%arg6 : memref<80x125xi32, #tpu.memory_space<vmem>>) target_semaphore(%run_scoped3A : memref<!tpu.dma_semaphore, #tpu.memory_space<semaphore_mem>>)
      %dma_wait3A = arith.constant 0 : i32
      %dma_wait3A_216 = arith.constant 0 : i32
      %dma_wait3A_217 = tpu.memref_slice %arg3[%add3A, %dma_wait3A, %dma_wait3A_216] : memref<32x80x125xi32, #tpu.memory_space<hbm>> -> memref<1x80x125xi32, #tpu.memory_space<hbm>>
      %dma_wait3A_218 = tpu.memref_squeeze %dma_wait3A_217 : memref<1x80x125xi32, #tpu.memory_space<hbm>> -> memref<80x125xi32, #tpu.memory_space<hbm>>
      %dma_wait3A_219 = arith.constant 0 : i32
      %dma_wait3A_220 = arith.constant 0 : i32
      %dma_wait3A_221 = tpu.memref_slice %arg3[%add3A, %dma_wait3A_219, %dma_wait3A_220] : memref<32x80x125xi32, #tpu.memory_space<hbm>> -> memref<1x80x125xi32, #tpu.memory_space<hbm>>
      %dma_wait3A_222 = tpu.memref_squeeze %dma_wait3A_221 : memref<1x80x125xi32, #tpu.memory_space<hbm>> -> memref<80x125xi32, #tpu.memory_space<hbm>>
      tpu.wait_dma2 semaphore(%run_scoped3A : memref<!tpu.dma_semaphore, #tpu.memory_space<semaphore_mem>>) src(%dma_wait3A_222 : memref<80x125xi32, #tpu.memory_space<hbm>>) dst(%arg6 : memref<80x125xi32, #tpu.memory_space<vmem>>)
      tpu.yield
    }) : () -> ()
    %barrier3A = arith.constant 0 : index
    tpu.barrier barrier_id(%barrier3A)
    %get3A = arith.constant 0 : i32
    %get3A_7 = arith.index_cast %get3A : i32 to index
    %get3A_8 = arith.constant 0 : index
    %get3A_9 = tpu.vector_load %arg6[%get3A_7, %get3A_8] {strides = array<i32>} : memref<80x125xi32, #tpu.memory_space<vmem>>, vector<1x16xi32>,
    %get3A_10 = vector.shape_cast %get3A_9 : vector<1x16xi32> to vector<16xi32>
    %shift_right_arithmetic3A = arith.constant 14 : i32
    %shift_right_arithmetic3A_11 = vector.broadcast %shift_right_arithmetic3A : i32 to vector<16xi32>
    %shift_right_arithmetic3A_12 = arith.shrsi %get3A_10, %shift_right_arithmetic3A_11 : vector<16xi32>
    %swap3A = arith.constant 0 : i32
    %swap3A_13 = arith.index_cast %swap3A : i32 to index
    %swap3A_14 = arith.constant 0 : index
    %swap3A_15 = tpu.vector_load %arg7[%swap3A_13, %swap3A_14] {strides = array<i32>} : memref<2x125xi32, #tpu.memory_space<vmem>>, vector<1x16xi32>,
    %swap3A_16 = vector.shape_cast %swap3A_15 : vector<1x16xi32> to vector<16xi32>
    %swap3A_17 = vector.shape_cast %shift_right_arithmetic3A_12 : vector<16xi32> to vector<1x16xi32>
    tpu.vector_store %arg7[%swap3A_13, %swap3A_14], %swap3A_17 {strides = array<i32>} : memref<2x125xi32, #tpu.memory_space<vmem>>, vector<1x16xi32>,
    %and3A = arith.constant 16383 : i32
    %and3A_18 = vector.broadcast %and3A : i32 to vector<16xi32>
    %and3A_19 = arith.andi %get3A_10, %and3A_18 : vector<16xi32>
    %swap3A_20 = arith.constant 0 : i32
    %swap3A_21 = arith.index_cast %swap3A_20 : i32 to index
    %swap3A_22 = arith.constant 0 : index
    %swap3A_23 = tpu.vector_load %arg8[%swap3A_21, %swap3A_22] {strides = array<i32>} : memref<2x125xi32, #tpu.memory_space<vmem>>, vector<1x16xi32>,
    %swap3A_24 = vector.shape_cast %swap3A_23 : vector<1x16xi32> to vector<16xi32>
    %swap3A_25 = vector.shape_cast %and3A_19 : vector<16xi32> to vector<1x16xi32>
    tpu.vector_store %arg8[%swap3A_21, %swap3A_22], %swap3A_25 {strides = array<i32>} : memref<2x125xi32, #tpu.memory_space<vmem>>, vector<1x16xi32>,
    %get3A_26 = arith.constant 0 : i32
    %get3A_27 = arith.index_cast %get3A_26 : i32 to index
    %get3A_28 = arith.constant 16 : index
    %get3A_29 = tpu.vector_load %arg6[%get3A_27, %get3A_28] {strides = array<i32>} : memref<80x125xi32, #tpu.memory_space<vmem>>, vector<1x16xi32>,
    %get3A_30 = vector.shape_cast %get3A_29 : vector<1x16xi32> to vector<16xi32>
    %shift_right_arithmetic3A_31 = arith.constant 14 : i32
    %shift_right_arithmetic3A_32 = vector.broadcast %shift_right_arithmetic3A_31 : i32 to vector<16xi32>
    %shift_right_arithmetic3A_33 = arith.shrsi %get3A_30, %shift_right_arithmetic3A_32 : vector<16xi32>
    %swap3A_34 = arith.constant 0 : i32
    %swap3A_35 = arith.index_cast %swap3A_34 : i32 to index
    %swap3A_36 = arith.constant 16 : index
    %swap3A_37 = tpu.vector_load %arg7[%swap3A_35, %swap3A_36] {strides = array<i32>} : memref<2x125xi32, #tpu.memory_space<vmem>>, vector<1x16xi32>,
    %swap3A_38 = vector.shape_cast %swap3A_37 : vector<1x16xi32> to vector<16xi32>
    %swap3A_39 = vector.shape_cast %shift_right_arithmetic3A_33 : vector<16xi32> to vector<1x16xi32>
    tpu.vector_store %arg7[%swap3A_35, %swap3A_36], %swap3A_39 {strides = array<i32>} : memref<2x125xi32, #tpu.memory_space<vmem>>, vector<1x16xi32>,
    %and3A_40 = arith.constant 16383 : i32
    %and3A_41 = vector.broadcast %and3A_40 : i32 to vector<16xi32>
    %and3A_42 = arith.andi %get3A_30, %and3A_41 : vector<16xi32>
    %swap3A_43 = arith.constant 0 : i32
    %swap3A_44 = arith.index_cast %swap3A_43 : i32 to index
    %swap3A_45 = arith.constant 16 : index
    %swap3A_46 = tpu.vector_load %arg8[%swap3A_44, %swap3A_45] {strides = array<i32>} : memref<2x125xi32, #tpu.memory_space<vmem>>, vector<1x16xi32>,
    %swap3A_47 = vector.shape_cast %swap3A_46 : vector<1x16xi32> to vector<16xi32>
    %swap3A_48 = vector.shape_cast %and3A_42 : vector<16xi32> to vector<1x16xi32>
    tpu.vector_store %arg8[%swap3A_44, %swap3A_45], %swap3A_48 {strides = array<i32>} : memref<2x125xi32, #tpu.memory_space<vmem>>, vector<1x16xi32>,
    %get3A_49 = arith.constant 0 : i32
    %get3A_50 = arith.index_cast %get3A_49 : i32 to index
    %get3A_51 = arith.constant 32 : index
    %get3A_52 = tpu.vector_load %arg6[%get3A_50, %get3A_51] {strides = array<i32>} : memref<80x125xi32, #tpu.memory_space<vmem>>, vector<1x16xi32>,
    %get3A_53 = vector.shape_cast %get3A_52 : vector<1x16xi32> to vector<16xi32>
    %shift_right_arithmetic3A_54 = arith.constant 14 : i32
    %shift_right_arithmetic3A_55 = vector.broadcast %shift_right_arithmetic3A_54 : i32 to vector<16xi32>
    %shift_right_arithmetic3A_56 = arith.shrsi %get3A_53, %shift_right_arithmetic3A_55 : vector<16xi32>
    %swap3A_57 = arith.constant 0 : i32
    %swap3A_58 = arith.index_cast %swap3A_57 : i32 to index
    %swap3A_59 = arith.constant 32 : index
    %swap3A_60 = tpu.vector_load %arg7[%swap3A_58, %swap3A_59] {strides = array<i32>} : memref<2x125xi32, #tpu.memory_space<vmem>>, vector<1x16xi32>,
    %swap3A_61 = vector.shape_cast %swap3A_60 : vector<1x16xi32> to vector<16xi32>
    %swap3A_62 = vector.shape_cast %shift_right_arithmetic3A_56 : vector<16xi32> to vector<1x16xi32>
    tpu.vector_store %arg7[%swap3A_58, %swap3A_59], %swap3A_62 {strides = array<i32>} : memref<2x125xi32, #tpu.memory_space<vmem>>, vector<1x16xi32>,
    %and3A_63 = arith.constant 16383 : i32
    %and3A_64 = vector.broadcast %and3A_63 : i32 to vector<16xi32>
    %and3A_65 = arith.andi %get3A_53, %and3A_64 : vector<16xi32>
    %swap3A_66 = arith.constant 0 : i32
    %swap3A_67 = arith.index_cast %swap3A_66 : i32 to index
    %swap3A_68 = arith.constant 32 : index
    %swap3A_69 = tpu.vector_load %arg8[%swap3A_67, %swap3A_68] {strides = array<i32>} : memref<2x125xi32, #tpu.memory_space<vmem>>, vector<1x16xi32>,
    %swap3A_70 = vector.shape_cast %swap3A_69 : vector<1x16xi32> to vector<16xi32>
    %swap3A_71 = vector.shape_cast %and3A_65 : vector<16xi32> to vector<1x16xi32>
    tpu.vector_store %arg8[%swap3A_67, %swap3A_68], %swap3A_71 {strides = array<i32>} : memref<2x125xi32, #tpu.memory_space<vmem>>, vector<1x16xi32>,
    %get3A_72 = arith.constant 0 : i32
    %get3A_73 = arith.index_cast %get3A_72 : i32 to index
    %get3A_74 = arith.constant 48 : index
    %get3A_75 = tpu.vector_load %arg6[%get3A_73, %get3A_74] {strides = array<i32>} : memref<80x125xi32, #tpu.memory_space<vmem>>, vector<1x16xi32>,
    %get3A_76 = vector.shape_cast %get3A_75 : vector<1x16xi32> to vector<16xi32>
    %shift_right_arithmetic3A_77 = arith.constant 14 : i32
    %shift_right_arithmetic3A_78 = vector.broadcast %shift_right_arithmetic3A_77 : i32 to vector<16xi32>
    %shift_right_arithmetic3A_79 = arith.shrsi %get3A_76, %shift_right_arithmetic3A_78 : vector<16xi32>
    %swap3A_80 = arith.constant 0 : i32
    %swap3A_81 = arith.index_cast %swap3A_80 : i32 to index
    %swap3A_82 = arith.constant 48 : index
    %swap3A_83 = tpu.vector_load %arg7[%swap3A_81, %swap3A_82] {strides = array<i32>} : memref<2x125xi32, #tpu.memory_space<vmem>>, vector<1x16xi32>,
    %swap3A_84 = vector.shape_cast %swap3A_83 : vector<1x16xi32> to vector<16xi32>
    %swap3A_85 = vector.shape_cast %shift_right_arithmetic3A_79 : vector<16xi32> to vector<1x16xi32>
    tpu.vector_store %arg7[%swap3A_81, %swap3A_82], %swap3A_85 {strides = array<i32>} : memref<2x125xi32, #tpu.memory_space<vmem>>, vector<1x16xi32>,
    %and3A_86 = arith.constant 16383 : i32
    %and3A_87 = vector.broadcast %and3A_86 : i32 to vector<16xi32>
    %and3A_88 = arith.andi %get3A_76, %and3A_87 : vector<16xi32>
    %swap3A_89 = arith.constant 0 : i32
    %swap3A_90 = arith.index_cast %swap3A_89 : i32 to index
    %swap3A_91 = arith.constant 48 : index
    %swap3A_92 = tpu.vector_load %arg8[%swap3A_90, %swap3A_91] {strides = array<i32>} : memref<2x125xi32, #tpu.memory_space<vmem>>, vector<1x16xi32>,
    %swap3A_93 = vector.shape_cast %swap3A_92 : vector<1x16xi32> to vector<16xi32>
    %swap3A_94 = vector.shape_cast %and3A_88 : vector<16xi32> to vector<1x16xi32>
    tpu.vector_store %arg8[%swap3A_90, %swap3A_91], %swap3A_94 {strides = array<i32>} : memref<2x125xi32, #tpu.memory_space<vmem>>, vector<1x16xi32>,
    %get3A_95 = arith.constant 0 : i32
    %get3A_96 = arith.index_cast %get3A_95 : i32 to index
    %get3A_97 = arith.constant 64 : index
    %get3A_98 = tpu.vector_load %arg6[%get3A_96, %get3A_97] {strides = array<i32>} : memref<80x125xi32, #tpu.memory_space<vmem>>, vector<1x16xi32>,
    %get3A_99 = vector.shape_cast %get3A_98 : vector<1x16xi32> to vector<16xi32>
    %shift_right_arithmetic3A_100 = arith.constant 14 : i32
    %shift_right_arithmetic3A_101 = vector.broadcast %shift_right_arithmetic3A_100 : i32 to vector<16xi32>
    %shift_right_arithmetic3A_102 = arith.shrsi %get3A_99, %shift_right_arithmetic3A_101 : vector<16xi32>
    %swap3A_103 = arith.constant 0 : i32
    %swap3A_104 = arith.index_cast %swap3A_103 : i32 to index
    %swap3A_105 = arith.constant 64 : index
    %swap3A_106 = tpu.vector_load %arg7[%swap3A_104, %swap3A_105] {strides = array<i32>} : memref<2x125xi32, #tpu.memory_space<vmem>>, vector<1x16xi32>,
    %swap3A_107 = vector.shape_cast %swap3A_106 : vector<1x16xi32> to vector<16xi32>
    %swap3A_108 = vector.shape_cast %shift_right_arithmetic3A_102 : vector<16xi32> to vector<1x16xi32>
    tpu.vector_store %arg7[%swap3A_104, %swap3A_105], %swap3A_108 {strides = array<i32>} : memref<2x125xi32, #tpu.memory_space<vmem>>, vector<1x16xi32>,
    %and3A_109 = arith.constant 16383 : i32
    %and3A_110 = vector.broadcast %and3A_109 : i32 to vector<16xi32>
    %and3A_111 = arith.andi %get3A_99, %and3A_110 : vector<16xi32>
    %swap3A_112 = arith.constant 0 : i32
    %swap3A_113 = arith.index_cast %swap3A_112 : i32 to index
    %swap3A_114 = arith.constant 64 : index
    %swap3A_115 = tpu.vector_load %arg8[%swap3A_113, %swap3A_114] {strides = array<i32>} : memref<2x125xi32, #tpu.memory_space<vmem>>, vector<1x16xi32>,
    %swap3A_116 = vector.shape_cast %swap3A_115 : vector<1x16xi32> to vector<16xi32>
    %swap3A_117 = vector.shape_cast %and3A_111 : vector<16xi32> to vector<1x16xi32>
    tpu.vector_store %arg8[%swap3A_113, %swap3A_114], %swap3A_117 {strides = array<i32>} : memref<2x125xi32, #tpu.memory_space<vmem>>, vector<1x16xi32>,
    %get3A_118 = arith.constant 0 : i32
    %get3A_119 = arith.index_cast %get3A_118 : i32 to index
    %get3A_120 = arith.constant 80 : index
    %get3A_121 = tpu.vector_load %arg6[%get3A_119, %get3A_120] {strides = array<i32>} : memref<80x125xi32, #tpu.memory_space<vmem>>, vector<1x16xi32>,
    %get3A_122 = vector.shape_cast %get3A_121 : vector<1x16xi32> to vector<16xi32>
    %shift_right_arithmetic3A_123 = arith.constant 14 : i32
    %shift_right_arithmetic3A_124 = vector.broadcast %shift_right_arithmetic3A_123 : i32 to vector<16xi32>
    %shift_right_arithmetic3A_125 = arith.shrsi %get3A_122, %shift_right_arithmetic3A_124 : vector<16xi32>
    %swap3A_126 = arith.constant 0 : i32
    %swap3A_127 = arith.index_cast %swap3A_126 : i32 to index
    %swap3A_128 = arith.constant 80 : index
    %swap3A_129 = tpu.vector_load %arg7[%swap3A_127, %swap3A_128] {strides = array<i32>} : memref<2x125xi32, #tpu.memory_space<vmem>>, vector<1x16xi32>,
    %swap3A_130 = vector.shape_cast %swap3A_129 : vector<1x16xi32> to vector<16xi32>
    %swap3A_131 = vector.shape_cast %shift_right_arithmetic3A_125 : vector<16xi32> to vector<1x16xi32>
    tpu.vector_store %arg7[%swap3A_127, %swap3A_128], %swap3A_131 {strides = array<i32>} : memref<2x125xi32, #tpu.memory_space<vmem>>, vector<1x16xi32>,
    %and3A_132 = arith.constant 16383 : i32
    %and3A_133 = vector.broadcast %and3A_132 : i32 to vector<16xi32>
    %and3A_134 = arith.andi %get3A_122, %and3A_133 : vector<16xi32>
    %swap3A_135 = arith.constant 0 : i32
    %swap3A_136 = arith.index_cast %swap3A_135 : i32 to index
    %swap3A_137 = arith.constant 80 : index
    %swap3A_138 = tpu.vector_load %arg8[%swap3A_136, %swap3A_137] {strides = array<i32>} : memref<2x125xi32, #tpu.memory_space<vmem>>, vector<1x16xi32>,
    %swap3A_139 = vector.shape_cast %swap3A_138 : vector<1x16xi32> to vector<16xi32>
    %swap3A_140 = vector.shape_cast %and3A_134 : vector<16xi32> to vector<1x16xi32>
    tpu.vector_store %arg8[%swap3A_136, %swap3A_137], %swap3A_140 {strides = array<i32>} : memref<2x125xi32, #tpu.memory_space<vmem>>, vector<1x16xi32>,
    %get3A_141 = arith.constant 0 : i32
    %get3A_142 = arith.index_cast %get3A_141 : i32 to index
    %get3A_143 = arith.constant 96 : index
    %get3A_144 = tpu.vector_load %arg6[%get3A_142, %get3A_143] {strides = array<i32>} : memref<80x125xi32, #tpu.memory_space<vmem>>, vector<1x16xi32>,
    %get3A_145 = vector.shape_cast %get3A_144 : vector<1x16xi32> to vector<16xi32>
    %shift_right_arithmetic3A_146 = arith.constant 14 : i32
    %shift_right_arithmetic3A_147 = vector.broadcast %shift_right_arithmetic3A_146 : i32 to vector<16xi32>
    %shift_right_arithmetic3A_148 = arith.shrsi %get3A_145, %shift_right_arithmetic3A_147 : vector<16xi32>
    %swap3A_149 = arith.constant 0 : i32
    %swap3A_150 = arith.index_cast %swap3A_149 : i32 to index
    %swap3A_151 = arith.constant 96 : index
    %swap3A_152 = tpu.vector_load %arg7[%swap3A_150, %swap3A_151] {strides = array<i32>} : memref<2x125xi32, #tpu.memory_space<vmem>>, vector<1x16xi32>,
    %swap3A_153 = vector.shape_cast %swap3A_152 : vector<1x16xi32> to vector<16xi32>
    %swap3A_154 = vector.shape_cast %shift_right_arithmetic3A_148 : vector<16xi32> to vector<1x16xi32>
    tpu.vector_store %arg7[%swap3A_150, %swap3A_151], %swap3A_154 {strides = array<i32>} : memref<2x125xi32, #tpu.memory_space<vmem>>, vector<1x16xi32>,
    %and3A_155 = arith.constant 16383 : i32
    %and3A_156 = vector.broadcast %and3A_155 : i32 to vector<16xi32>
    %and3A_157 = arith.andi %get3A_145, %and3A_156 : vector<16xi32>
    %swap3A_158 = arith.constant 0 : i32
    %swap3A_159 = arith.index_cast %swap3A_158 : i32 to index
    %swap3A_160 = arith.constant 96 : index
    %swap3A_161 = tpu.vector_load %arg8[%swap3A_159, %swap3A_160] {strides = array<i32>} : memref<2x125xi32, #tpu.memory_space<vmem>>, vector<1x16xi32>,
    %swap3A_162 = vector.shape_cast %swap3A_161 : vector<1x16xi32> to vector<16xi32>
    %swap3A_163 = vector.shape_cast %and3A_157 : vector<16xi32> to vector<1x16xi32>
    tpu.vector_store %arg8[%swap3A_159, %swap3A_160], %swap3A_163 {strides = array<i32>} : memref<2x125xi32, #tpu.memory_space<vmem>>, vector<1x16xi32>,
    %get3A_164 = arith.constant 0 : i32
    %get3A_165 = arith.index_cast %get3A_164 : i32 to index
    %get3A_166 = arith.constant 109 : index
    %get3A_167 = tpu.vector_load %arg6[%get3A_165, %get3A_166] {strides = array<i32>} : memref<80x125xi32, #tpu.memory_space<vmem>>, vector<1x16xi32>,
    %get3A_168 = vector.shape_cast %get3A_167 : vector<1x16xi32> to vector<16xi32>
    %shift_right_arithmetic3A_169 = arith.constant 14 : i32
    %shift_right_arithmetic3A_170 = vector.broadcast %shift_right_arithmetic3A_169 : i32 to vector<16xi32>
    %shift_right_arithmetic3A_171 = arith.shrsi %get3A_168, %shift_right_arithmetic3A_170 : vector<16xi32>
    %swap3A_172 = arith.constant 0 : i32
    %swap3A_173 = arith.index_cast %swap3A_172 : i32 to index
    %swap3A_174 = arith.constant 109 : index
    %swap3A_175 = tpu.vector_load %arg7[%swap3A_173, %swap3A_174] {strides = array<i32>} : memref<2x125xi32, #tpu.memory_space<vmem>>, vector<1x16xi32>,
    %swap3A_176 = vector.shape_cast %swap3A_175 : vector<1x16xi32> to vector<16xi32>
    %swap3A_177 = vector.shape_cast %shift_right_arithmetic3A_171 : vector<16xi32> to vector<1x16xi32>
    tpu.vector_store %arg7[%swap3A_173, %swap3A_174], %swap3A_177 {strides = array<i32>} : memref<2x125xi32, #tpu.memory_space<vmem>>, vector<1x16xi32>,
    %and3A_178 = arith.constant 16383 : i32
    %and3A_179 = vector.broadcast %and3A_178 : i32 to vector<16xi32>
    %and3A_180 = arith.andi %get3A_168, %and3A_179 : vector<16xi32>
    %swap3A_181 = arith.constant 0 : i32
    %swap3A_182 = arith.index_cast %swap3A_181 : i32 to index
    %swap3A_183 = arith.constant 109 : index
    %swap3A_184 = tpu.vector_load %arg8[%swap3A_182, %swap3A_183] {strides = array<i32>} : memref<2x125xi32, #tpu.memory_space<vmem>>, vector<1x16xi32>,
    %swap3A_185 = vector.shape_cast %swap3A_184 : vector<1x16xi32> to vector<16xi32>
    %swap3A_186 = vector.shape_cast %and3A_180 : vector<16xi32> to vector<1x16xi32>
    tpu.vector_store %arg8[%swap3A_182, %swap3A_183], %swap3A_186 {strides = array<i32>} : memref<2x125xi32, #tpu.memory_space<vmem>>, vector<1x16xi32>,
    %dma_start3A = arith.constant 0 : i32
    %dma_start3A_187 = arith.constant 0 : i32
    %dma_start3A_188 = tpu.memref_slice %arg7[%dma_start3A, %dma_start3A_187] : memref<2x125xi32, #tpu.memory_space<vmem>> -> memref<1x125xi32, #tpu.memory_space<vmem>>
    %dma_start3A_189 = tpu.memref_squeeze %dma_start3A_188 : memref<1x125xi32, #tpu.memory_space<vmem>> -> memref<125xi32, #tpu.memory_space<vmem>>
    %dma_start3A_190 = arith.constant 0 : i32
    %dma_start3A_191 = arith.constant 0 : i32
    %dma_start3A_192 = tpu.memref_slice %arg2[%dma_start3A_190, %dma_start3A_191] : memref<10000x128xf32, #tpu.memory_space<hbm>> -> memref<10000x128xf32, #tpu.memory_space<hbm>>
    tpu.enqueue_indirect_dma source(%dma_start3A_192 : memref<10000x128xf32, #tpu.memory_space<hbm>>) target(%arg9 : memref<125x128xf32, #tpu.memory_space<vmem>>) offsets(%dma_start3A_189 : memref<125xi32, #tpu.memory_space<vmem>>) semaphore(%arg11 : memref<!tpu.dma_semaphore, #tpu.memory_space<semaphore_mem>>)
    %scan3A = arith.constant 0 : i32
    %scan3A_193 = arith.constant 0 : i32
    %scan3A_194 = arith.constant 40 : i32
    %scan3A_195 = arith.addi %scan3A_193, %scan3A_194 : i32
    %scan3A_196 = arith.constant 1 : i32
    scf.for %scan3A_208 = %scan3A_193 to %scan3A_195 step %scan3A_196  : i32 {
      %mul3A_209 = arith.constant 2 : i32
      %mul3A_210 = arith.muli %mul3A_209, %scan3A_208 : i32
      %add3A_211 = arith.constant 1 : i32
      %add3A_212 = arith.addi %mul3A_210, %add3A_211 : i32
      %get3A_213 = arith.index_cast %add3A_212 : i32 to index
      %get3A_214 = arith.constant 0 : index
      %get3A_215 = tpu.vector_load %arg6[%get3A_213, %get3A_214] {strides = array<i32>} : memref<80x125xi32, #tpu.memory_space<vmem>>, vector<1x16xi32>,
      %get3A_216 = vector.shape_cast %get3A_215 : vector<1x16xi32> to vector<16xi32>
      %shift_right_arithmetic3A_217 = arith.constant 14 : i32
      %shift_right_arithmetic3A_218 = vector.broadcast %shift_right_arithmetic3A_217 : i32 to vector<16xi32>
      %shift_right_arithmetic3A_219 = arith.shrsi %get3A_216, %shift_right_arithmetic3A_218 : vector<16xi32>
      %swap3A_220 = arith.constant 1 : i32
      %swap3A_221 = arith.index_cast %swap3A_220 : i32 to index
      %swap3A_222 = arith.constant 0 : index
      %swap3A_223 = tpu.vector_load %arg7[%swap3A_221, %swap3A_222] {strides = array<i32>} : memref<2x125xi32, #tpu.memory_space<vmem>>, vector<1x16xi32>,
      %swap3A_224 = vector.shape_cast %swap3A_223 : vector<1x16xi32> to vector<16xi32>
      %swap3A_225 = vector.shape_cast %shift_right_arithmetic3A_219 : vector<16xi32> to vector<1x16xi32>
      tpu.vector_store %arg7[%swap3A_221, %swap3A_222], %swap3A_225 {strides = array<i32>} : memref<2x125xi32, #tpu.memory_space<vmem>>, vector<1x16xi32>,
      %and3A_226 = arith.constant 16383 : i32
      %and3A_227 = vector.broadcast %and3A_226 : i32 to vector<16xi32>
      %and3A_228 = arith.andi %get3A_216, %and3A_227 : vector<16xi32>
      %swap3A_229 = arith.constant 1 : i32
      %swap3A_230 = arith.index_cast %swap3A_229 : i32 to index
      %swap3A_231 = arith.constant 0 : index
      %swap3A_232 = tpu.vector_load %arg8[%swap3A_230, %swap3A_231] {strides = array<i32>} : memref<2x125xi32, #tpu.memory_space<vmem>>, vector<1x16xi32>,
      %swap3A_233 = vector.shape_cast %swap3A_232 : vector<1x16xi32> to vector<16xi32>
      %swap3A_234 = vector.shape_cast %and3A_228 : vector<16xi32> to vector<1x16xi32>
      tpu.vector_store %arg8[%swap3A_230, %swap3A_231], %swap3A_234 {strides = array<i32>} : memref<2x125xi32, #tpu.memory_space<vmem>>, vector<1x16xi32>,
      %get3A_235 = arith.index_cast %add3A_212 : i32 to index
      %get3A_236 = arith.constant 16 : index
      %get3A_237 = tpu.vector_load %arg6[%get3A_235, %get3A_236] {strides = array<i32>} : memref<80x125xi32, #tpu.memory_space<vmem>>, vector<1x16xi32>,
      %get3A_238 = vector.shape_cast %get3A_237 : vector<1x16xi32> to vector<16xi32>
      %shift_right_arithmetic3A_239 = arith.constant 14 : i32
      %shift_right_arithmetic3A_240 = vector.broadcast %shift_right_arithmetic3A_239 : i32 to vector<16xi32>
      %shift_right_arithmetic3A_241 = arith.shrsi %get3A_238, %shift_right_arithmetic3A_240 : vector<16xi32>
      %swap3A_242 = arith.constant 1 : i32
      %swap3A_243 = arith.index_cast %swap3A_242 : i32 to index
      %swap3A_244 = arith.constant 16 : index
      %swap3A_245 = tpu.vector_load %arg7[%swap3A_243, %swap3A_244] {strides = array<i32>} : memref<2x125xi32, #tpu.memory_space<vmem>>, vector<1x16xi32>,
      %swap3A_246 = vector.shape_cast %swap3A_245 : vector<1x16xi32> to vector<16xi32>
      %swap3A_247 = vector.shape_cast %shift_right_arithmetic3A_241 : vector<16xi32> to vector<1x16xi32>
      tpu.vector_store %arg7[%swap3A_243, %swap3A_244], %swap3A_247 {strides = array<i32>} : memref<2x125xi32, #tpu.memory_space<vmem>>, vector<1x16xi32>,
      %and3A_248 = arith.constant 16383 : i32
      %and3A_249 = vector.broadcast %and3A_248 : i32 to vector<16xi32>
      %and3A_250 = arith.andi %get3A_238, %and3A_249 : vector<16xi32>
      %swap3A_251 = arith.constant 1 : i32
      %swap3A_252 = arith.index_cast %swap3A_251 : i32 to index
      %swap3A_253 = arith.constant 16 : index
      %swap3A_254 = tpu.vector_load %arg8[%swap3A_252, %swap3A_253] {strides = array<i32>} : memref<2x125xi32, #tpu.memory_space<vmem>>, vector<1x16xi32>,
      %swap3A_255 = vector.shape_cast %swap3A_254 : vector<1x16xi32> to vector<16xi32>
      %swap3A_256 = vector.shape_cast %and3A_250 : vector<16xi32> to vector<1x16xi32>
      tpu.vector_store %arg8[%swap3A_252, %swap3A_253], %swap3A_256 {strides = array<i32>} : memref<2x125xi32, #tpu.memory_space<vmem>>, vector<1x16xi32>,
      %get3A_257 = arith.index_cast %add3A_212 : i32 to index
      %get3A_258 = arith.constant 32 : index
      %get3A_259 = tpu.vector_load %arg6[%get3A_257, %get3A_258] {strides = array<i32>} : memref<80x125xi32, #tpu.memory_space<vmem>>, vector<1x16xi32>,
      %get3A_260 = vector.shape_cast %get3A_259 : vector<1x16xi32> to vector<16xi32>
      %shift_right_arithmetic3A_261 = arith.constant 14 : i32
      %shift_right_arithmetic3A_262 = vector.broadcast %shift_right_arithmetic3A_261 : i32 to vector<16xi32>
      %shift_right_arithmetic3A_263 = arith.shrsi %get3A_260, %shift_right_arithmetic3A_262 : vector<16xi32>
      %swap3A_264 = arith.constant 1 : i32
      %swap3A_265 = arith.index_cast %swap3A_264 : i32 to index
      %swap3A_266 = arith.constant 32 : index
      %swap3A_267 = tpu.vector_load %arg7[%swap3A_265, %swap3A_266] {strides = array<i32>} : memref<2x125xi32, #tpu.memory_space<vmem>>, vector<1x16xi32>,
      %swap3A_268 = vector.shape_cast %swap3A_267 : vector<1x16xi32> to vector<16xi32>
      %swap3A_269 = vector.shape_cast %shift_right_arithmetic3A_263 : vector<16xi32> to vector<1x16xi32>
      tpu.vector_store %arg7[%swap3A_265, %swap3A_266], %swap3A_269 {strides = array<i32>} : memref<2x125xi32, #tpu.memory_space<vmem>>, vector<1x16xi32>,
      %and3A_270 = arith.constant 16383 : i32
      %and3A_271 = vector.broadcast %and3A_270 : i32 to vector<16xi32>
      %and3A_272 = arith.andi %get3A_260, %and3A_271 : vector<16xi32>
      %swap3A_273 = arith.constant 1 : i32
      %swap3A_274 = arith.index_cast %swap3A_273 : i32 to index
      %swap3A_275 = arith.constant 32 : index
      %swap3A_276 = tpu.vector_load %arg8[%swap3A_274, %swap3A_275] {strides = array<i32>} : memref<2x125xi32, #tpu.memory_space<vmem>>, vector<1x16xi32>,
      %swap3A_277 = vector.shape_cast %swap3A_276 : vector<1x16xi32> to vector<16xi32>
      %swap3A_278 = vector.shape_cast %and3A_272 : vector<16xi32> to vector<1x16xi32>
      tpu.vector_store %arg8[%swap3A_274, %swap3A_275], %swap3A_278 {strides = array<i32>} : memref<2x125xi32, #tpu.memory_space<vmem>>, vector<1x16xi32>,
      %get3A_279 = arith.index_cast %add3A_212 : i32 to index
      %get3A_280 = arith.constant 48 : index
      %get3A_281 = tpu.vector_load %arg6[%get3A_279, %get3A_280] {strides = array<i32>} : memref<80x125xi32, #tpu.memory_space<vmem>>, vector<1x16xi32>,
      %get3A_282 = vector.shape_cast %get3A_281 : vector<1x16xi32> to vector<16xi32>
      %shift_right_arithmetic3A_283 = arith.constant 14 : i32
      %shift_right_arithmetic3A_284 = vector.broadcast %shift_right_arithmetic3A_283 : i32 to vector<16xi32>
      %shift_right_arithmetic3A_285 = arith.shrsi %get3A_282, %shift_right_arithmetic3A_284 : vector<16xi32>
      %swap3A_286 = arith.constant 1 : i32
      %swap3A_287 = arith.index_cast %swap3A_286 : i32 to index
      %swap3A_288 = arith.constant 48 : index
      %swap3A_289 = tpu.vector_load %arg7[%swap3A_287, %swap3A_288] {strides = array<i32>} : memref<2x125xi32, #tpu.memory_space<vmem>>, vector<1x16xi32>,
      %swap3A_290 = vector.shape_cast %swap3A_289 : vector<1x16xi32> to vector<16xi32>
      %swap3A_291 = vector.shape_cast %shift_right_arithmetic3A_285 : vector<16xi32> to vector<1x16xi32>
      tpu.vector_store %arg7[%swap3A_287, %swap3A_288], %swap3A_291 {strides = array<i32>} : memref<2x125xi32, #tpu.memory_space<vmem>>, vector<1x16xi32>,
      %and3A_292 = arith.constant 16383 : i32
      %and3A_293 = vector.broadcast %and3A_292 : i32 to vector<16xi32>
      %and3A_294 = arith.andi %get3A_282, %and3A_293 : vector<16xi32>
      %swap3A_295 = arith.constant 1 : i32
      %swap3A_296 = arith.index_cast %swap3A_295 : i32 to index
      %swap3A_297 = arith.constant 48 : index
      %swap3A_298 = tpu.vector_load %arg8[%swap3A_296, %swap3A_297] {strides = array<i32>} : memref<2x125xi32, #tpu.memory_space<vmem>>, vector<1x16xi32>,
      %swap3A_299 = vector.shape_cast %swap3A_298 : vector<1x16xi32> to vector<16xi32>
      %swap3A_300 = vector.shape_cast %and3A_294 : vector<16xi32> to vector<1x16xi32>
      tpu.vector_store %arg8[%swap3A_296, %swap3A_297], %swap3A_300 {strides = array<i32>} : memref<2x125xi32, #tpu.memory_space<vmem>>, vector<1x16xi32>,
      %get3A_301 = arith.index_cast %add3A_212 : i32 to index
      %get3A_302 = arith.constant 64 : index
      %get3A_303 = tpu.vector_load %arg6[%get3A_301, %get3A_302] {strides = array<i32>} : memref<80x125xi32, #tpu.memory_space<vmem>>, vector<1x16xi32>,
      %get3A_304 = vector.shape_cast %get3A_303 : vector<1x16xi32> to vector<16xi32>
      %shift_right_arithmetic3A_305 = arith.constant 14 : i32
      %shift_right_arithmetic3A_306 = vector.broadcast %shift_right_arithmetic3A_305 : i32 to vector<16xi32>
      %shift_right_arithmetic3A_307 = arith.shrsi %get3A_304, %shift_right_arithmetic3A_306 : vector<16xi32>
      %swap3A_308 = arith.constant 1 : i32
      %swap3A_309 = arith.index_cast %swap3A_308 : i32 to index
      %swap3A_310 = arith.constant 64 : index
      %swap3A_311 = tpu.vector_load %arg7[%swap3A_309, %swap3A_310] {strides = array<i32>} : memref<2x125xi32, #tpu.memory_space<vmem>>, vector<1x16xi32>,
      %swap3A_312 = vector.shape_cast %swap3A_311 : vector<1x16xi32> to vector<16xi32>
      %swap3A_313 = vector.shape_cast %shift_right_arithmetic3A_307 : vector<16xi32> to vector<1x16xi32>
      tpu.vector_store %arg7[%swap3A_309, %swap3A_310], %swap3A_313 {strides = array<i32>} : memref<2x125xi32, #tpu.memory_space<vmem>>, vector<1x16xi32>,
      %and3A_314 = arith.constant 16383 : i32
      %and3A_315 = vector.broadcast %and3A_314 : i32 to vector<16xi32>
      %and3A_316 = arith.andi %get3A_304, %and3A_315 : vector<16xi32>
      %swap3A_317 = arith.constant 1 : i32
      %swap3A_318 = arith.index_cast %swap3A_317 : i32 to index
      %swap3A_319 = arith.constant 64 : index
      %swap3A_320 = tpu.vector_load %arg8[%swap3A_318, %swap3A_319] {strides = array<i32>} : memref<2x125xi32, #tpu.memory_space<vmem>>, vector<1x16xi32>,
      %swap3A_321 = vector.shape_cast %swap3A_320 : vector<1x16xi32> to vector<16xi32>
      %swap3A_322 = vector.shape_cast %and3A_316 : vector<16xi32> to vector<1x16xi32>
      tpu.vector_store %arg8[%swap3A_318, %swap3A_319], %swap3A_322 {strides = array<i32>} : memref<2x125xi32, #tpu.memory_space<vmem>>, vector<1x16xi32>,
      %get3A_323 = arith.index_cast %add3A_212 : i32 to index
      %get3A_324 = arith.constant 80 : index
      %get3A_325 = tpu.vector_load %arg6[%get3A_323, %get3A_324] {strides = array<i32>} : memref<80x125xi32, #tpu.memory_space<vmem>>, vector<1x16xi32>,
      %get3A_326 = vector.shape_cast %get3A_325 : vector<1x16xi32> to vector<16xi32>
      %shift_right_arithmetic3A_327 = arith.constant 14 : i32
      %shift_right_arithmetic3A_328 = vector.broadcast %shift_right_arithmetic3A_327 : i32 to vector<16xi32>
      %shift_right_arithmetic3A_329 = arith.shrsi %get3A_326, %shift_right_arithmetic3A_328 : vector<16xi32>
      %swap3A_330 = arith.constant 1 : i32
      %swap3A_331 = arith.index_cast %swap3A_330 : i32 to index
      %swap3A_332 = arith.constant 80 : index
      %swap3A_333 = tpu.vector_load %arg7[%swap3A_331, %swap3A_332] {strides = array<i32>} : memref<2x125xi32, #tpu.memory_space<vmem>>, vector<1x16xi32>,
      %swap3A_334 = vector.shape_cast %swap3A_333 : vector<1x16xi32> to vector<16xi32>
      %swap3A_335 = vector.shape_cast %shift_right_arithmetic3A_329 : vector<16xi32> to vector<1x16xi32>
      tpu.vector_store %arg7[%swap3A_331, %swap3A_332], %swap3A_335 {strides = array<i32>} : memref<2x125xi32, #tpu.memory_space<vmem>>, vector<1x16xi32>,
      %and3A_336 = arith.constant 16383 : i32
      %and3A_337 = vector.broadcast %and3A_336 : i32 to vector<16xi32>
      %and3A_338 = arith.andi %get3A_326, %and3A_337 : vector<16xi32>
      %swap3A_339 = arith.constant 1 : i32
      %swap3A_340 = arith.index_cast %swap3A_339 : i32 to index
      %swap3A_341 = arith.constant 80 : index
      %swap3A_342 = tpu.vector_load %arg8[%swap3A_340, %swap3A_341] {strides = array<i32>} : memref<2x125xi32, #tpu.memory_space<vmem>>, vector<1x16xi32>,
      %swap3A_343 = vector.shape_cast %swap3A_342 : vector<1x16xi32> to vector<16xi32>
      %swap3A_344 = vector.shape_cast %and3A_338 : vector<16xi32> to vector<1x16xi32>
      tpu.vector_store %arg8[%swap3A_340, %swap3A_341], %swap3A_344 {strides = array<i32>} : memref<2x125xi32, #tpu.memory_space<vmem>>, vector<1x16xi32>,
      %get3A_345 = arith.index_cast %add3A_212 : i32 to index
      %get3A_346 = arith.constant 96 : index
      %get3A_347 = tpu.vector_load %arg6[%get3A_345, %get3A_346] {strides = array<i32>} : memref<80x125xi32, #tpu.memory_space<vmem>>, vector<1x16xi32>,
      %get3A_348 = vector.shape_cast %get3A_347 : vector<1x16xi32> to vector<16xi32>
      %shift_right_arithmetic3A_349 = arith.constant 14 : i32
      %shift_right_arithmetic3A_350 = vector.broadcast %shift_right_arithmetic3A_349 : i32 to vector<16xi32>
      %shift_right_arithmetic3A_351 = arith.shrsi %get3A_348, %shift_right_arithmetic3A_350 : vector<16xi32>
      %swap3A_352 = arith.constant 1 : i32
      %swap3A_353 = arith.index_cast %swap3A_352 : i32 to index
      %swap3A_354 = arith.constant 96 : index
      %swap3A_355 = tpu.vector_load %arg7[%swap3A_353, %swap3A_354] {strides = array<i32>} : memref<2x125xi32, #tpu.memory_space<vmem>>, vector<1x16xi32>,
      %swap3A_356 = vector.shape_cast %swap3A_355 : vector<1x16xi32> to vector<16xi32>
      %swap3A_357 = vector.shape_cast %shift_right_arithmetic3A_351 : vector<16xi32> to vector<1x16xi32>
      tpu.vector_store %arg7[%swap3A_353, %swap3A_354], %swap3A_357 {strides = array<i32>} : memref<2x125xi32, #tpu.memory_space<vmem>>, vector<1x16xi32>,
      %and3A_358 = arith.constant 16383 : i32
      %and3A_359 = vector.broadcast %and3A_358 : i32 to vector<16xi32>
      %and3A_360 = arith.andi %get3A_348, %and3A_359 : vector<16xi32>
      %swap3A_361 = arith.constant 1 : i32
      %swap3A_362 = arith.index_cast %swap3A_361 : i32 to index
      %swap3A_363 = arith.constant 96 : index
      %swap3A_364 = tpu.vector_load %arg8[%swap3A_362, %swap3A_363] {strides = array<i32>} : memref<2x125xi32, #tpu.memory_space<vmem>>, vector<1x16xi32>,
      %swap3A_365 = vector.shape_cast %swap3A_364 : vector<1x16xi32> to vector<16xi32>
      %swap3A_366 = vector.shape_cast %and3A_360 : vector<16xi32> to vector<1x16xi32>
      tpu.vector_store %arg8[%swap3A_362, %swap3A_363], %swap3A_366 {strides = array<i32>} : memref<2x125xi32, #tpu.memory_space<vmem>>, vector<1x16xi32>,
      %get3A_367 = arith.index_cast %add3A_212 : i32 to index
      %get3A_368 = arith.constant 109 : index
      %get3A_369 = tpu.vector_load %arg6[%get3A_367, %get3A_368] {strides = array<i32>} : memref<80x125xi32, #tpu.memory_space<vmem>>, vector<1x16xi32>,
      %get3A_370 = vector.shape_cast %get3A_369 : vector<1x16xi32> to vector<16xi32>
      %shift_right_arithmetic3A_371 = arith.constant 14 : i32
      %shift_right_arithmetic3A_372 = vector.broadcast %shift_right_arithmetic3A_371 : i32 to vector<16xi32>
      %shift_right_arithmetic3A_373 = arith.shrsi %get3A_370, %shift_right_arithmetic3A_372 : vector<16xi32>
      %swap3A_374 = arith.constant 1 : i32
      %swap3A_375 = arith.index_cast %swap3A_374 : i32 to index
      %swap3A_376 = arith.constant 109 : index
      %swap3A_377 = tpu.vector_load %arg7[%swap3A_375, %swap3A_376] {strides = array<i32>} : memref<2x125xi32, #tpu.memory_space<vmem>>, vector<1x16xi32>,
      %swap3A_378 = vector.shape_cast %swap3A_377 : vector<1x16xi32> to vector<16xi32>
      %swap3A_379 = vector.shape_cast %shift_right_arithmetic3A_373 : vector<16xi32> to vector<1x16xi32>
      tpu.vector_store %arg7[%swap3A_375, %swap3A_376], %swap3A_379 {strides = array<i32>} : memref<2x125xi32, #tpu.memory_space<vmem>>, vector<1x16xi32>,
      %and3A_380 = arith.constant 16383 : i32
      %and3A_381 = vector.broadcast %and3A_380 : i32 to vector<16xi32>
      %and3A_382 = arith.andi %get3A_370, %and3A_381 : vector<16xi32>
      %swap3A_383 = arith.constant 1 : i32
      %swap3A_384 = arith.index_cast %swap3A_383 : i32 to index
      %swap3A_385 = arith.constant 109 : index
      %swap3A_386 = tpu.vector_load %arg8[%swap3A_384, %swap3A_385] {strides = array<i32>} : memref<2x125xi32, #tpu.memory_space<vmem>>, vector<1x16xi32>,
      %swap3A_387 = vector.shape_cast %swap3A_386 : vector<1x16xi32> to vector<16xi32>
      %swap3A_388 = vector.shape_cast %and3A_382 : vector<16xi32> to vector<1x16xi32>
      tpu.vector_store %arg8[%swap3A_384, %swap3A_385], %swap3A_388 {strides = array<i32>} : memref<2x125xi32, #tpu.memory_space<vmem>>, vector<1x16xi32>,
      %dma_start3A_389 = arith.constant 1 : i32
      %dma_start3A_390 = arith.constant 0 : i32
      %dma_start3A_391 = tpu.memref_slice %arg7[%dma_start3A_389, %dma_start3A_390] : memref<2x125xi32, #tpu.memory_space<vmem>> -> memref<1x125xi32, #tpu.memory_space<vmem>>
      %dma_start3A_392 = tpu.memref_squeeze %dma_start3A_391 : memref<1x125xi32, #tpu.memory_space<vmem>> -> memref<125xi32, #tpu.memory_space<vmem>>
      %dma_start3A_393 = arith.constant 0 : i32
      %dma_start3A_394 = arith.constant 0 : i32
      %dma_start3A_395 = tpu.memref_slice %arg2[%dma_start3A_393, %dma_start3A_394] : memref<10000x128xf32, #tpu.memory_space<hbm>> -> memref<10000x128xf32, #tpu.memory_space<hbm>>
      tpu.enqueue_indirect_dma source(%dma_start3A_395 : memref<10000x128xf32, #tpu.memory_space<hbm>>) target(%arg10 : memref<125x128xf32, #tpu.memory_space<vmem>>) offsets(%dma_start3A_392 : memref<125xi32, #tpu.memory_space<vmem>>) semaphore(%arg12 : memref<!tpu.dma_semaphore, #tpu.memory_space<semaphore_mem>>)
      %dma_wait3A = arith.constant 0 : i32
      %dma_wait3A_396 = arith.constant 0 : i32
      %dma_wait3A_397 = tpu.memref_slice %arg7[%dma_wait3A, %dma_wait3A_396] : memref<2x125xi32, #tpu.memory_space<vmem>> -> memref<1x125xi32, #tpu.memory_space<vmem>>
      %dma_wait3A_398 = tpu.memref_squeeze %dma_wait3A_397 : memref<1x125xi32, #tpu.memory_space<vmem>> -> memref<125xi32, #tpu.memory_space<vmem>>
      %dma_wait3A_399 = arith.constant 0 : i32
      %dma_wait3A_400 = arith.constant 0 : i32
      %dma_wait3A_401 = tpu.memref_slice %arg2[%dma_wait3A_399, %dma_wait3A_400] : memref<10000x128xf32, #tpu.memory_space<hbm>> -> memref<10000x128xf32, #tpu.memory_space<hbm>>
      tpu.wait_indirect_dma semaphore(%arg11 : memref<!tpu.dma_semaphore, #tpu.memory_space<semaphore_mem>>) src(%dma_wait3A_401 : memref<10000x128xf32, #tpu.memory_space<hbm>>) dst(%arg9 : memref<125x128xf32, #tpu.memory_space<vmem>>)
      %run_scoped3A = arith.constant 0 : i32
      "tpu.region"() ({
        %run_scoped3A_416 = tpu.sem_alloc : memref<!tpu.dma_semaphore, #tpu.memory_space<semaphore_mem>>
        %dma_start3A_417 = arith.constant 0 : i32
        %dma_start3A_418 = tpu.memref_slice %arg8[%run_scoped3A, %dma_start3A_417] : memref<2x125xi32, #tpu.memory_space<vmem>> -> memref<1x125xi32, #tpu.memory_space<vmem>>
        %dma_start3A_419 = tpu.memref_squeeze %dma_start3A_418 : memref<1x125xi32, #tpu.memory_space<vmem>> -> memref<125xi32, #tpu.memory_space<vmem>>
        %dma_start3A_420 = arith.constant 0 : i32
        %dma_start3A_421 = arith.constant 0 : i32
        %dma_start3A_422 = tpu.memref_slice %arg13[%dma_start3A_420, %dma_start3A_421] : memref<10000x128xf32, #tpu.memory_space<vmem_shared>> -> memref<10000x128xf32, #tpu.memory_space<vmem_shared>>
        tpu.enqueue_indirect_dma source(%arg9 : memref<125x128xf32, #tpu.memory_space<vmem>>) target(%dma_start3A_422 : memref<10000x128xf32, #tpu.memory_space<vmem_shared>>) offsets(%dma_start3A_419 : memref<125xi32, #tpu.memory_space<vmem>>) semaphore(%run_scoped3A_416 : memref<!tpu.dma_semaphore, #tpu.memory_space<semaphore_mem>>) {add = true}
        %dma_wait3A_423 = arith.constant 0 : i32
        %dma_wait3A_424 = tpu.memref_slice %arg8[%run_scoped3A, %dma_wait3A_423] : memref<2x125xi32, #tpu.memory_space<vmem>> -> memref<1x125xi32, #tpu.memory_space<vmem>>
        %dma_wait3A_425 = tpu.memref_squeeze %dma_wait3A_424 : memref<1x125xi32, #tpu.memory_space<vmem>> -> memref<125xi32, #tpu.memory_space<vmem>>
        %dma_wait3A_426 = arith.constant 0 : i32
        %dma_wait3A_427 = arith.constant 0 : i32
        %dma_wait3A_428 = tpu.memref_slice %arg13[%dma_wait3A_426, %dma_wait3A_427] : memref<10000x128xf32, #tpu.memory_space<vmem_shared>> -> memref<10000x128xf32, #tpu.memory_space<vmem_shared>>
        tpu.wait_indirect_dma semaphore(%run_scoped3A_416 : memref<!tpu.dma_semaphore, #tpu.memory_space<semaphore_mem>>) src(%arg9 : memref<125x128xf32, #tpu.memory_space<vmem>>) dst(%dma_wait3A_428 : memref<10000x128xf32, #tpu.memory_space<vmem_shared>>)
        tpu.yield
      }) : () -> ()
      %add3A_402 = arith.constant 2 : i32
      %add3A_403 = arith.addi %mul3A_210, %add3A_402 : i32
      %lt3A = arith.constant 80 : i32
      %lt3A_404 = arith.cmpi slt, %add3A_403, %lt3A : i32
      %convert_element_type3A_405 = arith.extui %lt3A_404 : i1 to i32
      %cond3A_406 = arith.constant 0 : i32
      %cond3A_407 = arith.cmpi ne, %convert_element_type3A_405, %cond3A_406 : i32
      scf.if %cond3A_407 {
        %add3A_416 = arith.constant 2 : i32
        %add3A_417 = arith.addi %mul3A_210, %add3A_416 : i32
        %get3A_418 = arith.index_cast %add3A_417 : i32 to index
        %get3A_419 = arith.constant 0 : index
        %get3A_420 = tpu.vector_load %arg6[%get3A_418, %get3A_419] {strides = array<i32>} : memref<80x125xi32, #tpu.memory_space<vmem>>, vector<1x16xi32>,
        %get3A_421 = vector.shape_cast %get3A_420 : vector<1x16xi32> to vector<16xi32>
        %shift_right_arithmetic3A_422 = arith.constant 14 : i32
        %shift_right_arithmetic3A_423 = vector.broadcast %shift_right_arithmetic3A_422 : i32 to vector<16xi32>
        %shift_right_arithmetic3A_424 = arith.shrsi %get3A_421, %shift_right_arithmetic3A_423 : vector<16xi32>
        %swap3A_425 = arith.constant 0 : i32
        %swap3A_426 = arith.index_cast %swap3A_425 : i32 to index
        %swap3A_427 = arith.constant 0 : index
        %swap3A_428 = tpu.vector_load %arg7[%swap3A_426, %swap3A_427] {strides = array<i32>} : memref<2x125xi32, #tpu.memory_space<vmem>>, vector<1x16xi32>,
        %swap3A_429 = vector.shape_cast %swap3A_428 : vector<1x16xi32> to vector<16xi32>
        %swap3A_430 = vector.shape_cast %shift_right_arithmetic3A_424 : vector<16xi32> to vector<1x16xi32>
        tpu.vector_store %arg7[%swap3A_426, %swap3A_427], %swap3A_430 {strides = array<i32>} : memref<2x125xi32, #tpu.memory_space<vmem>>, vector<1x16xi32>,
        %and3A_431 = arith.constant 16383 : i32
        %and3A_432 = vector.broadcast %and3A_431 : i32 to vector<16xi32>
        %and3A_433 = arith.andi %get3A_421, %and3A_432 : vector<16xi32>
        %swap3A_434 = arith.constant 0 : i32
        %swap3A_435 = arith.index_cast %swap3A_434 : i32 to index
        %swap3A_436 = arith.constant 0 : index
        %swap3A_437 = tpu.vector_load %arg8[%swap3A_435, %swap3A_436] {strides = array<i32>} : memref<2x125xi32, #tpu.memory_space<vmem>>, vector<1x16xi32>,
        %swap3A_438 = vector.shape_cast %swap3A_437 : vector<1x16xi32> to vector<16xi32>
        %swap3A_439 = vector.shape_cast %and3A_433 : vector<16xi32> to vector<1x16xi32>
        tpu.vector_store %arg8[%swap3A_435, %swap3A_436], %swap3A_439 {strides = array<i32>} : memref<2x125xi32, #tpu.memory_space<vmem>>, vector<1x16xi32>,
        %get3A_440 = arith.index_cast %add3A_417 : i32 to index
        %get3A_441 = arith.constant 16 : index
        %get3A_442 = tpu.vector_load %arg6[%get3A_440, %get3A_441] {strides = array<i32>} : memref<80x125xi32, #tpu.memory_space<vmem>>, vector<1x16xi32>,
        %get3A_443 = vector.shape_cast %get3A_442 : vector<1x16xi32> to vector<16xi32>
        %shift_right_arithmetic3A_444 = arith.constant 14 : i32
        %shift_right_arithmetic3A_445 = vector.broadcast %shift_right_arithmetic3A_444 : i32 to vector<16xi32>
        %shift_right_arithmetic3A_446 = arith.shrsi %get3A_443, %shift_right_arithmetic3A_445 : vector<16xi32>
        %swap3A_447 = arith.constant 0 : i32
        %swap3A_448 = arith.index_cast %swap3A_447 : i32 to index
        %swap3A_449 = arith.constant 16 : index
        %swap3A_450 = tpu.vector_load %arg7[%swap3A_448, %swap3A_449] {strides = array<i32>} : memref<2x125xi32, #tpu.memory_space<vmem>>, vector<1x16xi32>,
        %swap3A_451 = vector.shape_cast %swap3A_450 : vector<1x16xi32> to vector<16xi32>
        %swap3A_452 = vector.shape_cast %shift_right_arithmetic3A_446 : vector<16xi32> to vector<1x16xi32>
        tpu.vector_store %arg7[%swap3A_448, %swap3A_449], %swap3A_452 {strides = array<i32>} : memref<2x125xi32, #tpu.memory_space<vmem>>, vector<1x16xi32>,
        %and3A_453 = arith.constant 16383 : i32
        %and3A_454 = vector.broadcast %and3A_453 : i32 to vector<16xi32>
        %and3A_455 = arith.andi %get3A_443, %and3A_454 : vector<16xi32>
        %swap3A_456 = arith.constant 0 : i32
        %swap3A_457 = arith.index_cast %swap3A_456 : i32 to index
        %swap3A_458 = arith.constant 16 : index
        %swap3A_459 = tpu.vector_load %arg8[%swap3A_457, %swap3A_458] {strides = array<i32>} : memref<2x125xi32, #tpu.memory_space<vmem>>, vector<1x16xi32>,
        %swap3A_460 = vector.shape_cast %swap3A_459 : vector<1x16xi32> to vector<16xi32>
        %swap3A_461 = vector.shape_cast %and3A_455 : vector<16xi32> to vector<1x16xi32>
        tpu.vector_store %arg8[%swap3A_457, %swap3A_458], %swap3A_461 {strides = array<i32>} : memref<2x125xi32, #tpu.memory_space<vmem>>, vector<1x16xi32>,
        %get3A_462 = arith.index_cast %add3A_417 : i32 to index
        %get3A_463 = arith.constant 32 : index
        %get3A_464 = tpu.vector_load %arg6[%get3A_462, %get3A_463] {strides = array<i32>} : memref<80x125xi32, #tpu.memory_space<vmem>>, vector<1x16xi32>,
        %get3A_465 = vector.shape_cast %get3A_464 : vector<1x16xi32> to vector<16xi32>
        %shift_right_arithmetic3A_466 = arith.constant 14 : i32
        %shift_right_arithmetic3A_467 = vector.broadcast %shift_right_arithmetic3A_466 : i32 to vector<16xi32>
        %shift_right_arithmetic3A_468 = arith.shrsi %get3A_465, %shift_right_arithmetic3A_467 : vector<16xi32>
        %swap3A_469 = arith.constant 0 : i32
        %swap3A_470 = arith.index_cast %swap3A_469 : i32 to index
        %swap3A_471 = arith.constant 32 : index
        %swap3A_472 = tpu.vector_load %arg7[%swap3A_470, %swap3A_471] {strides = array<i32>} : memref<2x125xi32, #tpu.memory_space<vmem>>, vector<1x16xi32>,
        %swap3A_473 = vector.shape_cast %swap3A_472 : vector<1x16xi32> to vector<16xi32>
        %swap3A_474 = vector.shape_cast %shift_right_arithmetic3A_468 : vector<16xi32> to vector<1x16xi32>
        tpu.vector_store %arg7[%swap3A_470, %swap3A_471], %swap3A_474 {strides = array<i32>} : memref<2x125xi32, #tpu.memory_space<vmem>>, vector<1x16xi32>,
        %and3A_475 = arith.constant 16383 : i32
        %and3A_476 = vector.broadcast %and3A_475 : i32 to vector<16xi32>
        %and3A_477 = arith.andi %get3A_465, %and3A_476 : vector<16xi32>
        %swap3A_478 = arith.constant 0 : i32
        %swap3A_479 = arith.index_cast %swap3A_478 : i32 to index
        %swap3A_480 = arith.constant 32 : index
        %swap3A_481 = tpu.vector_load %arg8[%swap3A_479, %swap3A_480] {strides = array<i32>} : memref<2x125xi32, #tpu.memory_space<vmem>>, vector<1x16xi32>,
        %swap3A_482 = vector.shape_cast %swap3A_481 : vector<1x16xi32> to vector<16xi32>
        %swap3A_483 = vector.shape_cast %and3A_477 : vector<16xi32> to vector<1x16xi32>
        tpu.vector_store %arg8[%swap3A_479, %swap3A_480], %swap3A_483 {strides = array<i32>} : memref<2x125xi32, #tpu.memory_space<vmem>>, vector<1x16xi32>,
        %get3A_484 = arith.index_cast %add3A_417 : i32 to index
        %get3A_485 = arith.constant 48 : index
        %get3A_486 = tpu.vector_load %arg6[%get3A_484, %get3A_485] {strides = array<i32>} : memref<80x125xi32, #tpu.memory_space<vmem>>, vector<1x16xi32>,
        %get3A_487 = vector.shape_cast %get3A_486 : vector<1x16xi32> to vector<16xi32>
        %shift_right_arithmetic3A_488 = arith.constant 14 : i32
        %shift_right_arithmetic3A_489 = vector.broadcast %shift_right_arithmetic3A_488 : i32 to vector<16xi32>
        %shift_right_arithmetic3A_490 = arith.shrsi %get3A_487, %shift_right_arithmetic3A_489 : vector<16xi32>
        %swap3A_491 = arith.constant 0 : i32
        %swap3A_492 = arith.index_cast %swap3A_491 : i32 to index
        %swap3A_493 = arith.constant 48 : index
        %swap3A_494 = tpu.vector_load %arg7[%swap3A_492, %swap3A_493] {strides = array<i32>} : memref<2x125xi32, #tpu.memory_space<vmem>>, vector<1x16xi32>,
        %swap3A_495 = vector.shape_cast %swap3A_494 : vector<1x16xi32> to vector<16xi32>
        %swap3A_496 = vector.shape_cast %shift_right_arithmetic3A_490 : vector<16xi32> to vector<1x16xi32>
        tpu.vector_store %arg7[%swap3A_492, %swap3A_493], %swap3A_496 {strides = array<i32>} : memref<2x125xi32, #tpu.memory_space<vmem>>, vector<1x16xi32>,
        %and3A_497 = arith.constant 16383 : i32
        %and3A_498 = vector.broadcast %and3A_497 : i32 to vector<16xi32>
        %and3A_499 = arith.andi %get3A_487, %and3A_498 : vector<16xi32>
        %swap3A_500 = arith.constant 0 : i32
        %swap3A_501 = arith.index_cast %swap3A_500 : i32 to index
        %swap3A_502 = arith.constant 48 : index
        %swap3A_503 = tpu.vector_load %arg8[%swap3A_501, %swap3A_502] {strides = array<i32>} : memref<2x125xi32, #tpu.memory_space<vmem>>, vector<1x16xi32>,
        %swap3A_504 = vector.shape_cast %swap3A_503 : vector<1x16xi32> to vector<16xi32>
        %swap3A_505 = vector.shape_cast %and3A_499 : vector<16xi32> to vector<1x16xi32>
        tpu.vector_store %arg8[%swap3A_501, %swap3A_502], %swap3A_505 {strides = array<i32>} : memref<2x125xi32, #tpu.memory_space<vmem>>, vector<1x16xi32>,
        %get3A_506 = arith.index_cast %add3A_417 : i32 to index
        %get3A_507 = arith.constant 64 : index
        %get3A_508 = tpu.vector_load %arg6[%get3A_506, %get3A_507] {strides = array<i32>} : memref<80x125xi32, #tpu.memory_space<vmem>>, vector<1x16xi32>,
        %get3A_509 = vector.shape_cast %get3A_508 : vector<1x16xi32> to vector<16xi32>
        %shift_right_arithmetic3A_510 = arith.constant 14 : i32
        %shift_right_arithmetic3A_511 = vector.broadcast %shift_right_arithmetic3A_510 : i32 to vector<16xi32>
        %shift_right_arithmetic3A_512 = arith.shrsi %get3A_509, %shift_right_arithmetic3A_511 : vector<16xi32>
        %swap3A_513 = arith.constant 0 : i32
        %swap3A_514 = arith.index_cast %swap3A_513 : i32 to index
        %swap3A_515 = arith.constant 64 : index
        %swap3A_516 = tpu.vector_load %arg7[%swap3A_514, %swap3A_515] {strides = array<i32>} : memref<2x125xi32, #tpu.memory_space<vmem>>, vector<1x16xi32>,
        %swap3A_517 = vector.shape_cast %swap3A_516 : vector<1x16xi32> to vector<16xi32>
        %swap3A_518 = vector.shape_cast %shift_right_arithmetic3A_512 : vector<16xi32> to vector<1x16xi32>
        tpu.vector_store %arg7[%swap3A_514, %swap3A_515], %swap3A_518 {strides = array<i32>} : memref<2x125xi32, #tpu.memory_space<vmem>>, vector<1x16xi32>,
        %and3A_519 = arith.constant 16383 : i32
        %and3A_520 = vector.broadcast %and3A_519 : i32 to vector<16xi32>
        %and3A_521 = arith.andi %get3A_509, %and3A_520 : vector<16xi32>
        %swap3A_522 = arith.constant 0 : i32
        %swap3A_523 = arith.index_cast %swap3A_522 : i32 to index
        %swap3A_524 = arith.constant 64 : index
        %swap3A_525 = tpu.vector_load %arg8[%swap3A_523, %swap3A_524] {strides = array<i32>} : memref<2x125xi32, #tpu.memory_space<vmem>>, vector<1x16xi32>,
        %swap3A_526 = vector.shape_cast %swap3A_525 : vector<1x16xi32> to vector<16xi32>
        %swap3A_527 = vector.shape_cast %and3A_521 : vector<16xi32> to vector<1x16xi32>
        tpu.vector_store %arg8[%swap3A_523, %swap3A_524], %swap3A_527 {strides = array<i32>} : memref<2x125xi32, #tpu.memory_space<vmem>>, vector<1x16xi32>,
        %get3A_528 = arith.index_cast %add3A_417 : i32 to index
        %get3A_529 = arith.constant 80 : index
        %get3A_530 = tpu.vector_load %arg6[%get3A_528, %get3A_529] {strides = array<i32>} : memref<80x125xi32, #tpu.memory_space<vmem>>, vector<1x16xi32>,
        %get3A_531 = vector.shape_cast %get3A_530 : vector<1x16xi32> to vector<16xi32>
        %shift_right_arithmetic3A_532 = arith.constant 14 : i32
        %shift_right_arithmetic3A_533 = vector.broadcast %shift_right_arithmetic3A_532 : i32 to vector<16xi32>
        %shift_right_arithmetic3A_534 = arith.shrsi %get3A_531, %shift_right_arithmetic3A_533 : vector<16xi32>
        %swap3A_535 = arith.constant 0 : i32
        %swap3A_536 = arith.index_cast %swap3A_535 : i32 to index
        %swap3A_537 = arith.constant 80 : index
        %swap3A_538 = tpu.vector_load %arg7[%swap3A_536, %swap3A_537] {strides = array<i32>} : memref<2x125xi32, #tpu.memory_space<vmem>>, vector<1x16xi32>,
        %swap3A_539 = vector.shape_cast %swap3A_538 : vector<1x16xi32> to vector<16xi32>
        %swap3A_540 = vector.shape_cast %shift_right_arithmetic3A_534 : vector<16xi32> to vector<1x16xi32>
        tpu.vector_store %arg7[%swap3A_536, %swap3A_537], %swap3A_540 {strides = array<i32>} : memref<2x125xi32, #tpu.memory_space<vmem>>, vector<1x16xi32>,
        %and3A_541 = arith.constant 16383 : i32
        %and3A_542 = vector.broadcast %and3A_541 : i32 to vector<16xi32>
        %and3A_543 = arith.andi %get3A_531, %and3A_542 : vector<16xi32>
        %swap3A_544 = arith.constant 0 : i32
        %swap3A_545 = arith.index_cast %swap3A_544 : i32 to index
        %swap3A_546 = arith.constant 80 : index
        %swap3A_547 = tpu.vector_load %arg8[%swap3A_545, %swap3A_546] {strides = array<i32>} : memref<2x125xi32, #tpu.memory_space<vmem>>, vector<1x16xi32>,
        %swap3A_548 = vector.shape_cast %swap3A_547 : vector<1x16xi32> to vector<16xi32>
        %swap3A_549 = vector.shape_cast %and3A_543 : vector<16xi32> to vector<1x16xi32>
        tpu.vector_store %arg8[%swap3A_545, %swap3A_546], %swap3A_549 {strides = array<i32>} : memref<2x125xi32, #tpu.memory_space<vmem>>, vector<1x16xi32>,
        %get3A_550 = arith.index_cast %add3A_417 : i32 to index
        %get3A_551 = arith.constant 96 : index
        %get3A_552 = tpu.vector_load %arg6[%get3A_550, %get3A_551] {strides = array<i32>} : memref<80x125xi32, #tpu.memory_space<vmem>>, vector<1x16xi32>,
        %get3A_553 = vector.shape_cast %get3A_552 : vector<1x16xi32> to vector<16xi32>
        %shift_right_arithmetic3A_554 = arith.constant 14 : i32
        %shift_right_arithmetic3A_555 = vector.broadcast %shift_right_arithmetic3A_554 : i32 to vector<16xi32>
        %shift_right_arithmetic3A_556 = arith.shrsi %get3A_553, %shift_right_arithmetic3A_555 : vector<16xi32>
        %swap3A_557 = arith.constant 0 : i32
        %swap3A_558 = arith.index_cast %swap3A_557 : i32 to index
        %swap3A_559 = arith.constant 96 : index
        %swap3A_560 = tpu.vector_load %arg7[%swap3A_558, %swap3A_559] {strides = array<i32>} : memref<2x125xi32, #tpu.memory_space<vmem>>, vector<1x16xi32>,
        %swap3A_561 = vector.shape_cast %swap3A_560 : vector<1x16xi32> to vector<16xi32>
        %swap3A_562 = vector.shape_cast %shift_right_arithmetic3A_556 : vector<16xi32> to vector<1x16xi32>
        tpu.vector_store %arg7[%swap3A_558, %swap3A_559], %swap3A_562 {strides = array<i32>} : memref<2x125xi32, #tpu.memory_space<vmem>>, vector<1x16xi32>,
        %and3A_563 = arith.constant 16383 : i32
        %and3A_564 = vector.broadcast %and3A_563 : i32 to vector<16xi32>
        %and3A_565 = arith.andi %get3A_553, %and3A_564 : vector<16xi32>
        %swap3A_566 = arith.constant 0 : i32
        %swap3A_567 = arith.index_cast %swap3A_566 : i32 to index
        %swap3A_568 = arith.constant 96 : index
        %swap3A_569 = tpu.vector_load %arg8[%swap3A_567, %swap3A_568] {strides = array<i32>} : memref<2x125xi32, #tpu.memory_space<vmem>>, vector<1x16xi32>,
        %swap3A_570 = vector.shape_cast %swap3A_569 : vector<1x16xi32> to vector<16xi32>
        %swap3A_571 = vector.shape_cast %and3A_565 : vector<16xi32> to vector<1x16xi32>
        tpu.vector_store %arg8[%swap3A_567, %swap3A_568], %swap3A_571 {strides = array<i32>} : memref<2x125xi32, #tpu.memory_space<vmem>>, vector<1x16xi32>,
        %get3A_572 = arith.index_cast %add3A_417 : i32 to index
        %get3A_573 = arith.constant 109 : index
        %get3A_574 = tpu.vector_load %arg6[%get3A_572, %get3A_573] {strides = array<i32>} : memref<80x125xi32, #tpu.memory_space<vmem>>, vector<1x16xi32>,
        %get3A_575 = vector.shape_cast %get3A_574 : vector<1x16xi32> to vector<16xi32>
        %shift_right_arithmetic3A_576 = arith.constant 14 : i32
        %shift_right_arithmetic3A_577 = vector.broadcast %shift_right_arithmetic3A_576 : i32 to vector<16xi32>
        %shift_right_arithmetic3A_578 = arith.shrsi %get3A_575, %shift_right_arithmetic3A_577 : vector<16xi32>
        %swap3A_579 = arith.constant 0 : i32
        %swap3A_580 = arith.index_cast %swap3A_579 : i32 to index
        %swap3A_581 = arith.constant 109 : index
        %swap3A_582 = tpu.vector_load %arg7[%swap3A_580, %swap3A_581] {strides = array<i32>} : memref<2x125xi32, #tpu.memory_space<vmem>>, vector<1x16xi32>,
        %swap3A_583 = vector.shape_cast %swap3A_582 : vector<1x16xi32> to vector<16xi32>
        %swap3A_584 = vector.shape_cast %shift_right_arithmetic3A_578 : vector<16xi32> to vector<1x16xi32>
        tpu.vector_store %arg7[%swap3A_580, %swap3A_581], %swap3A_584 {strides = array<i32>} : memref<2x125xi32, #tpu.memory_space<vmem>>, vector<1x16xi32>,
        %and3A_585 = arith.constant 16383 : i32
        %and3A_586 = vector.broadcast %and3A_585 : i32 to vector<16xi32>
        %and3A_587 = arith.andi %get3A_575, %and3A_586 : vector<16xi32>
        %swap3A_588 = arith.constant 0 : i32
        %swap3A_589 = arith.index_cast %swap3A_588 : i32 to index
        %swap3A_590 = arith.constant 109 : index
        %swap3A_591 = tpu.vector_load %arg8[%swap3A_589, %swap3A_590] {strides = array<i32>} : memref<2x125xi32, #tpu.memory_space<vmem>>, vector<1x16xi32>,
        %swap3A_592 = vector.shape_cast %swap3A_591 : vector<1x16xi32> to vector<16xi32>
        %swap3A_593 = vector.shape_cast %and3A_587 : vector<16xi32> to vector<1x16xi32>
        tpu.vector_store %arg8[%swap3A_589, %swap3A_590], %swap3A_593 {strides = array<i32>} : memref<2x125xi32, #tpu.memory_space<vmem>>, vector<1x16xi32>,
        %dma_start3A_594 = arith.constant 0 : i32
        %dma_start3A_595 = arith.constant 0 : i32
        %dma_start3A_596 = tpu.memref_slice %arg7[%dma_start3A_594, %dma_start3A_595] : memref<2x125xi32, #tpu.memory_space<vmem>> -> memref<1x125xi32, #tpu.memory_space<vmem>>
        %dma_start3A_597 = tpu.memref_squeeze %dma_start3A_596 : memref<1x125xi32, #tpu.memory_space<vmem>> -> memref<125xi32, #tpu.memory_space<vmem>>
        %dma_start3A_598 = arith.constant 0 : i32
        %dma_start3A_599 = arith.constant 0 : i32
        %dma_start3A_600 = tpu.memref_slice %arg2[%dma_start3A_598, %dma_start3A_599] : memref<10000x128xf32, #tpu.memory_space<hbm>> -> memref<10000x128xf32, #tpu.memory_space<hbm>>
        tpu.enqueue_indirect_dma source(%dma_start3A_600 : memref<10000x128xf32, #tpu.memory_space<hbm>>) target(%arg9 : memref<125x128xf32, #tpu.memory_space<vmem>>) offsets(%dma_start3A_597 : memref<125xi32, #tpu.memory_space<vmem>>) semaphore(%arg11 : memref<!tpu.dma_semaphore, #tpu.memory_space<semaphore_mem>>)
      } else {
      }
      %dma_wait3A_408 = arith.constant 1 : i32
      %dma_wait3A_409 = arith.constant 0 : i32
      %dma_wait3A_410 = tpu.memref_slice %arg7[%dma_wait3A_408, %dma_wait3A_409] : memref<2x125xi32, #tpu.memory_space<vmem>> -> memref<1x125xi32, #tpu.memory_space<vmem>>
      %dma_wait3A_411 = tpu.memref_squeeze %dma_wait3A_410 : memref<1x125xi32, #tpu.memory_space<vmem>> -> memref<125xi32, #tpu.memory_space<vmem>>
      %dma_wait3A_412 = arith.constant 0 : i32
      %dma_wait3A_413 = arith.constant 0 : i32
      %dma_wait3A_414 = tpu.memref_slice %arg2[%dma_wait3A_412, %dma_wait3A_413] : memref<10000x128xf32, #tpu.memory_space<hbm>> -> memref<10000x128xf32, #tpu.memory_space<hbm>>
      tpu.wait_indirect_dma semaphore(%arg12 : memref<!tpu.dma_semaphore, #tpu.memory_space<semaphore_mem>>) src(%dma_wait3A_414 : memref<10000x128xf32, #tpu.memory_space<hbm>>) dst(%arg10 : memref<125x128xf32, #tpu.memory_space<vmem>>)
      %run_scoped3A_415 = arith.constant 1 : i32
      "tpu.region"() ({
        %run_scoped3A_416 = tpu.sem_alloc : memref<!tpu.dma_semaphore, #tpu.memory_space<semaphore_mem>>
        %dma_start3A_417 = arith.constant 0 : i32
        %dma_start3A_418 = tpu.memref_slice %arg8[%run_scoped3A_415, %dma_start3A_417] : memref<2x125xi32, #tpu.memory_space<vmem>> -> memref<1x125xi32, #tpu.memory_space<vmem>>
        %dma_start3A_419 = tpu.memref_squeeze %dma_start3A_418 : memref<1x125xi32, #tpu.memory_space<vmem>> -> memref<125xi32, #tpu.memory_space<vmem>>
        %dma_start3A_420 = arith.constant 0 : i32
        %dma_start3A_421 = arith.constant 0 : i32
        %dma_start3A_422 = tpu.memref_slice %arg13[%dma_start3A_420, %dma_start3A_421] : memref<10000x128xf32, #tpu.memory_space<vmem_shared>> -> memref<10000x128xf32, #tpu.memory_space<vmem_shared>>
        tpu.enqueue_indirect_dma source(%arg10 : memref<125x128xf32, #tpu.memory_space<vmem>>) target(%dma_start3A_422 : memref<10000x128xf32, #tpu.memory_space<vmem_shared>>) offsets(%dma_start3A_419 : memref<125xi32, #tpu.memory_space<vmem>>) semaphore(%run_scoped3A_416 : memref<!tpu.dma_semaphore, #tpu.memory_space<semaphore_mem>>) {add = true}
        %dma_wait3A_423 = arith.constant 0 : i32
        %dma_wait3A_424 = tpu.memref_slice %arg8[%run_scoped3A_415, %dma_wait3A_423] : memref<2x125xi32, #tpu.memory_space<vmem>> -> memref<1x125xi32, #tpu.memory_space<vmem>>
        %dma_wait3A_425 = tpu.memref_squeeze %dma_wait3A_424 : memref<1x125xi32, #tpu.memory_space<vmem>> -> memref<125xi32, #tpu.memory_space<vmem>>
        %dma_wait3A_426 = arith.constant 0 : i32
        %dma_wait3A_427 = arith.constant 0 : i32
        %dma_wait3A_428 = tpu.memref_slice %arg13[%dma_wait3A_426, %dma_wait3A_427] : memref<10000x128xf32, #tpu.memory_space<vmem_shared>> -> memref<10000x128xf32, #tpu.memory_space<vmem_shared>>
        tpu.wait_indirect_dma semaphore(%run_scoped3A_416 : memref<!tpu.dma_semaphore, #tpu.memory_space<semaphore_mem>>) src(%arg10 : memref<125x128xf32, #tpu.memory_space<vmem>>) dst(%dma_wait3A_428 : memref<10000x128xf32, #tpu.memory_space<vmem_shared>>)
        tpu.yield
      }) : () -> ()
    }
    %scan3A_197 = arith.constant 40 : i32
    %barrier3A_198 = arith.constant 0 : index
    tpu.barrier barrier_id(%barrier3A_198)
    %mul3A_199 = arith.constant 624 : i32
    %mul3A_200 = arith.muli %arg1, %mul3A_199 : i32
    %mul3A_201 = arith.constant 624 : i32
    %mul3A_202 = arith.muli %arg1, %mul3A_201 : i32
    "tpu.region"() ({
      %run_scoped3A = tpu.sem_alloc : memref<!tpu.dma_semaphore, #tpu.memory_space<semaphore_mem>>
      %dma_start3A_208 = arith.constant 0 : i32
      %dma_start3A_209 = tpu.memref_slice %arg5[%arg0, %mul3A_202, %dma_start3A_208] : memref<2x10000x128xf32, #tpu.memory_space<hbm>> -> memref<1x624x128xf32, #tpu.memory_space<hbm>>
      %dma_start3A_210 = tpu.memref_squeeze %dma_start3A_209 : memref<1x624x128xf32, #tpu.memory_space<hbm>> -> memref<624x128xf32, #tpu.memory_space<hbm>>
      %dma_start3A_211 = arith.constant 0 : i32
      %dma_start3A_212 = tpu.memref_slice %arg13[%mul3A_200, %dma_start3A_211] : memref<10000x128xf32, #tpu.memory_space<vmem_shared>> -> memref<624x128xf32, #tpu.memory_space<vmem_shared>>
      tpu.enqueue_dma source(%dma_start3A_212 : memref<624x128xf32, #tpu.memory_space<vmem_shared>>) target(%dma_start3A_210 : memref<624x128xf32, #tpu.memory_space<hbm>>) target_semaphore(%run_scoped3A : memref<!tpu.dma_semaphore, #tpu.memory_space<semaphore_mem>>)
      %dma_wait3A = arith.constant 0 : i32
      %dma_wait3A_213 = tpu.memref_slice %arg5[%arg0, %mul3A_202, %dma_wait3A] : memref<2x10000x128xf32, #tpu.memory_space<hbm>> -> memref<1x624x128xf32, #tpu.memory_space<hbm>>
      %dma_wait3A_214 = tpu.memref_squeeze %dma_wait3A_213 : memref<1x624x128xf32, #tpu.memory_space<hbm>> -> memref<624x128xf32, #tpu.memory_space<hbm>>
      %dma_wait3A_215 = arith.constant 0 : i32
      %dma_wait3A_216 = tpu.memref_slice %arg13[%mul3A_200, %dma_wait3A_215] : memref<10000x128xf32, #tpu.memory_space<vmem_shared>> -> memref<624x128xf32, #tpu.memory_space<vmem_shared>>
      tpu.wait_dma2 semaphore(%run_scoped3A : memref<!tpu.dma_semaphore, #tpu.memory_space<semaphore_mem>>) src(%dma_wait3A_216 : memref<624x128xf32, #tpu.memory_space<vmem_shared>>) dst(%dma_wait3A_214 : memref<624x128xf32, #tpu.memory_space<hbm>>)
      tpu.yield
    }) : () -> ()
    %eq3A_203 = arith.constant 15 : i32
    %eq3A_204 = arith.cmpi eq, %arg1, %eq3A_203 : i32
    %convert_element_type3A_205 = arith.extui %eq3A_204 : i1 to i32
    %cond3A_206 = arith.constant 0 : i32
    %cond3A_207 = arith.cmpi ne, %convert_element_type3A_205, %cond3A_206 : i32
    scf.if %cond3A_207 {
      "tpu.region"() ({
        %run_scoped3A = tpu.sem_alloc : memref<!tpu.dma_semaphore, #tpu.memory_space<semaphore_mem>>
        %dma_start3A_208 = arith.constant 9984 : i32
        %dma_start3A_209 = arith.constant 0 : i32
        %dma_start3A_210 = tpu.memref_slice %arg5[%arg0, %dma_start3A_208, %dma_start3A_209] : memref<2x10000x128xf32, #tpu.memory_space<hbm>> -> memref<1x16x128xf32, #tpu.memory_space<hbm>>
        %dma_start3A_211 = tpu.memref_squeeze %dma_start3A_210 : memref<1x16x128xf32, #tpu.memory_space<hbm>> -> memref<16x128xf32, #tpu.memory_space<hbm>>
        %dma_start3A_212 = arith.constant 9984 : i32
        %dma_start3A_213 = arith.constant 0 : i32
        %dma_start3A_214 = tpu.memref_slice %arg13[%dma_start3A_212, %dma_start3A_213] : memref<10000x128xf32, #tpu.memory_space<vmem_shared>> -> memref<16x128xf32, #tpu.memory_space<vmem_shared>>
        tpu.enqueue_dma source(%dma_start3A_214 : memref<16x128xf32, #tpu.memory_space<vmem_shared>>) target(%dma_start3A_211 : memref<16x128xf32, #tpu.memory_space<hbm>>) target_semaphore(%run_scoped3A : memref<!tpu.dma_semaphore, #tpu.memory_space<semaphore_mem>>)
        %dma_wait3A = arith.constant 9984 : i32
        %dma_wait3A_215 = arith.constant 0 : i32
        %dma_wait3A_216 = tpu.memref_slice %arg5[%arg0, %dma_wait3A, %dma_wait3A_215] : memref<2x10000x128xf32, #tpu.memory_space<hbm>> -> memref<1x16x128xf32, #tpu.memory_space<hbm>>
        %dma_wait3A_217 = tpu.memref_squeeze %dma_wait3A_216 : memref<1x16x128xf32, #tpu.memory_space<hbm>> -> memref<16x128xf32, #tpu.memory_space<hbm>>
        %dma_wait3A_218 = arith.constant 9984 : i32
        %dma_wait3A_219 = arith.constant 0 : i32
        %dma_wait3A_220 = tpu.memref_slice %arg13[%dma_wait3A_218, %dma_wait3A_219] : memref<10000x128xf32, #tpu.memory_space<vmem_shared>> -> memref<16x128xf32, #tpu.memory_space<vmem_shared>>
        tpu.wait_dma2 semaphore(%run_scoped3A : memref<!tpu.dma_semaphore, #tpu.memory_space<semaphore_mem>>) src(%dma_wait3A_220 : memref<16x128xf32, #tpu.memory_space<vmem_shared>>) dst(%dma_wait3A_217 : memref<16x128xf32, #tpu.memory_space<hbm>>)
        tpu.yield
      }) : () -> ()
    } else {
    }
    return
  }
}

module attributes {stable_mosaic.version = 14 : i64} {
  func.func @body(%arg0: i32, %arg1: memref<2000x128xf32, #tpu.memory_space<vmem>>, %arg2: memref<2x2000x128xf32, #tpu.memory_space<vmem>>, %arg3: memref<1x1xf32, #tpu.memory_space<vmem>>, %arg4: memref<128x128xf32, #tpu.memory_space<vmem>>, %arg5: memref<1x128xf32, #tpu.memory_space<vmem>>, %arg6: memref<128x128xf32, #tpu.memory_space<vmem>>, %arg7: memref<1x128xf32, #tpu.memory_space<vmem>>, %arg8: memref<2000x128xf32, #tpu.memory_space<vmem>>) attributes {dimension_semantics = [#tpu.dimension_semantics<arbitrary>], iteration_bounds = array<i64: 5>, scalar_prefetch = 0 : i64, scratch_operands = 0 : i64, tpu.core_type = #tpu.core_type<tc>, window_params = [{transform_indices = @transform_0, window_bounds = array<i64: 2000, 128>}, {transform_indices = @transform_1, window_bounds = array<i64: 2, 2000, 128>}, {pipeline_mode = #tpu.pipeline_mode<synchronous>, transform_indices = @transform_2, window_bounds = array<i64: 1, 1>}, {pipeline_mode = #tpu.pipeline_mode<synchronous>, transform_indices = @transform_3, window_bounds = array<i64: 128, 128>}, {pipeline_mode = #tpu.pipeline_mode<synchronous>, transform_indices = @transform_4, window_bounds = array<i64: 1, 128>}, {pipeline_mode = #tpu.pipeline_mode<synchronous>, transform_indices = @transform_5, window_bounds = array<i64: 128, 128>}, {pipeline_mode = #tpu.pipeline_mode<synchronous>, transform_indices = @transform_6, window_bounds = array<i64: 1, 128>}, {transform_indices = @transform_7, window_bounds = array<i64: 2000, 128>}]} {
    %get3A = arith.constant 0 : index
    %get3A_0 = arith.constant 0 : index
    %get3A_1 = vector.load %arg3[%get3A, %get3A_0] : memref<1x1xf32, #tpu.memory_space<vmem>>, vector<1x1xf32>
    %get3A_2 = vector.extract %get3A_1[0, 0] : f32 from vector<1x1xf32>
    %add3A = arith.constant 1.000000e+00 : f32
    %add3A_3 = arith.addf %add3A, %get3A_2 : f32
    %get3A_4 = arith.constant 0 : index
    %get3A_5 = arith.constant 0 : index
    %get3A_6 = vector.load %arg1[%get3A_4, %get3A_5] : memref<2000x128xf32, #tpu.memory_space<vmem>>, vector<2000x128xf32>
    %mul3A = vector.broadcast %add3A_3 : f32 to vector<2000x128xf32>
    %mul3A_7 = arith.mulf %mul3A, %get3A_6 : vector<2000x128xf32>
    %get3A_8 = arith.constant 0 : index
    %get3A_9 = arith.constant 0 : index
    %get3A_10 = arith.constant 0 : index
    %get3A_11 = vector.load %arg2[%get3A_8, %get3A_9, %get3A_10] : memref<2x2000x128xf32, #tpu.memory_space<vmem>>, vector<1x2000x128xf32>
    %get3A_12 = vector.shape_cast %get3A_11 : vector<1x2000x128xf32> to vector<2000x128xf32>
    %add3A_13 = arith.addf %mul3A_7, %get3A_12 : vector<2000x128xf32>
    %get3A_14 = arith.constant 1 : index
    %get3A_15 = arith.constant 0 : index
    %get3A_16 = arith.constant 0 : index
    %get3A_17 = vector.load %arg2[%get3A_14, %get3A_15, %get3A_16] : memref<2x2000x128xf32, #tpu.memory_space<vmem>>, vector<1x2000x128xf32>
    %get3A_18 = vector.shape_cast %get3A_17 : vector<1x2000x128xf32> to vector<2000x128xf32>
    %add3A_19 = arith.addf %add3A_13, %get3A_18 : vector<2000x128xf32>
    %get3A_20 = arith.constant 0 : index
    %get3A_21 = arith.constant 0 : index
    %get3A_22 = vector.load %arg4[%get3A_20, %get3A_21] : memref<128x128xf32, #tpu.memory_space<vmem>>, vector<128x128xf32>
    %dot_general3A = arith.constant dense<0.000000e+00> : vector<2000x128xf32>
    %dot_general3A_23 = tpu.matmul %add3A_19, %get3A_22, %dot_general3A {dimension_numbers = #tpu.dot_dimension_numbers<[1], [0], [0], [1], [0, 0, 1, 1], [], []>, transpose_lhs_hint = false} : vector<2000x128xf32>, vector<128x128xf32>, vector<2000x128xf32> -> vector<2000x128xf32>
    %get3A_24 = arith.constant 0 : index
    %get3A_25 = arith.constant 0 : index
    %get3A_26 = vector.load %arg5[%get3A_24, %get3A_25] : memref<1x128xf32, #tpu.memory_space<vmem>>, vector<1x128xf32>
    %add3A_27 = vector.broadcast %get3A_26 : vector<1x128xf32> to vector<2000x128xf32>
    %add3A_28 = arith.addf %dot_general3A_23, %add3A_27 : vector<2000x128xf32>
    %max3A = arith.constant 0.000000e+00 : f32
    %max3A_29 = vector.broadcast %max3A : f32 to vector<2000x128xf32>
    %max3A_30 = arith.maximumf %add3A_28, %max3A_29 : vector<2000x128xf32>
    %get3A_31 = arith.constant 0 : index
    %get3A_32 = arith.constant 0 : index
    %get3A_33 = vector.load %arg6[%get3A_31, %get3A_32] : memref<128x128xf32, #tpu.memory_space<vmem>>, vector<128x128xf32>
    %dot_general3A_34 = arith.constant dense<0.000000e+00> : vector<2000x128xf32>
    %dot_general3A_35 = tpu.matmul %max3A_30, %get3A_33, %dot_general3A_34 {dimension_numbers = #tpu.dot_dimension_numbers<[1], [0], [0], [1], [0, 0, 1, 1], [], []>, transpose_lhs_hint = false} : vector<2000x128xf32>, vector<128x128xf32>, vector<2000x128xf32> -> vector<2000x128xf32>
    %get3A_36 = arith.constant 0 : index
    %get3A_37 = arith.constant 0 : index
    %get3A_38 = vector.load %arg7[%get3A_36, %get3A_37] : memref<1x128xf32, #tpu.memory_space<vmem>>, vector<1x128xf32>
    %add3A_39 = vector.broadcast %get3A_38 : vector<1x128xf32> to vector<2000x128xf32>
    %add3A_40 = arith.addf %dot_general3A_35, %add3A_39 : vector<2000x128xf32>
    %max3A_41 = arith.constant 0.000000e+00 : f32
    %max3A_42 = vector.broadcast %max3A_41 : f32 to vector<2000x128xf32>
    %max3A_43 = arith.maximumf %add3A_40, %max3A_42 : vector<2000x128xf32>
    %swap3A = arith.constant 0 : index
    %swap3A_44 = arith.constant 0 : index
    %swap3A_45 = vector.load %arg8[%swap3A, %swap3A_44] : memref<2000x128xf32, #tpu.memory_space<vmem>>, vector<2000x128xf32>
    tpu.vector_store %arg8[%swap3A, %swap3A_44], %max3A_43 {strides = array<i32>} : memref<2000x128xf32, #tpu.memory_space<vmem>>, vector<2000x128xf32>,
    return
  }
  func.func @transform_0(%arg0: i32) -> (i32, i32) {
    %c0_i32 = arith.constant 0 : i32
    %c0_i32_0 = arith.constant 0 : i32
    return %arg0, %c0_i32 : i32, i32
  }
  func.func @transform_1(%arg0: i32) -> (i32, i32, i32) {
    %c0_i32 = arith.constant 0 : i32
    %c0_i32_0 = arith.constant 0 : i32
    %c0_i32_1 = arith.constant 0 : i32
    return %c0_i32, %arg0, %c0_i32_0 : i32, i32, i32
  }
  func.func @transform_2(%arg0: i32) -> (i32, i32) {
    %c0_i32 = arith.constant 0 : i32
    %c0_i32_0 = arith.constant 0 : i32
    %c0_i32_1 = arith.constant 0 : i32
    return %c0_i32, %c0_i32_0 : i32, i32
  }
  func.func @transform_3(%arg0: i32) -> (i32, i32) {
    %c0_i32 = arith.constant 0 : i32
    %c0_i32_0 = arith.constant 0 : i32
    %c0_i32_1 = arith.constant 0 : i32
    return %c0_i32, %c0_i32_0 : i32, i32
  }
  func.func @transform_4(%arg0: i32) -> (i32, i32) {
    %c0_i32 = arith.constant 0 : i32
    %c0_i32_0 = arith.constant 0 : i32
    %c0_i32_1 = arith.constant 0 : i32
    return %c0_i32, %c0_i32_0 : i32, i32
  }
  func.func @transform_5(%arg0: i32) -> (i32, i32) {
    %c0_i32 = arith.constant 0 : i32
    %c0_i32_0 = arith.constant 0 : i32
    %c0_i32_1 = arith.constant 0 : i32
    return %c0_i32, %c0_i32_0 : i32, i32
  }
  func.func @transform_6(%arg0: i32) -> (i32, i32) {
    %c0_i32 = arith.constant 0 : i32
    %c0_i32_0 = arith.constant 0 : i32
    %c0_i32_1 = arith.constant 0 : i32
    return %c0_i32, %c0_i32_0 : i32, i32
  }
  func.func @transform_7(%arg0: i32) -> (i32, i32) {
    %c0_i32 = arith.constant 0 : i32
    %c0_i32_0 = arith.constant 0 : i32
    return %arg0, %c0_i32 : i32, i32
  }
}

module attributes {stable_mosaic.version = 14 : i64} {
  func.func @body(%arg0: i32, %arg1: memref<2000x128xf32, #tpu.memory_space<vmem>>, %arg2: memref<2x2000x128xf32, #tpu.memory_space<vmem>>, %arg3: memref<1x1xf32, #tpu.memory_space<vmem>>, %arg4: memref<128x128xf32, #tpu.memory_space<vmem>>, %arg5: memref<1x128xf32, #tpu.memory_space<vmem>>, %arg6: memref<128x128xf32, #tpu.memory_space<vmem>>, %arg7: memref<1x128xf32, #tpu.memory_space<vmem>>, %arg8: memref<2000x128xf32, #tpu.memory_space<vmem>>) attributes {dimension_semantics = [#tpu.dimension_semantics<arbitrary>], iteration_bounds = array<i64: 5>, scalar_prefetch = 0 : i64, scratch_operands = 0 : i64, tpu.core_type = #tpu.core_type<tc>, window_params = [{transform_indices = @transform_0, window_bounds = array<i64: 2000, 128>}, {transform_indices = @transform_1, window_bounds = array<i64: 2, 2000, 128>}, {pipeline_mode = #tpu.pipeline_mode<synchronous>, transform_indices = @transform_2, window_bounds = array<i64: 1, 1>}, {pipeline_mode = #tpu.pipeline_mode<synchronous>, transform_indices = @transform_3, window_bounds = array<i64: 128, 128>}, {pipeline_mode = #tpu.pipeline_mode<synchronous>, transform_indices = @transform_4, window_bounds = array<i64: 1, 128>}, {pipeline_mode = #tpu.pipeline_mode<synchronous>, transform_indices = @transform_5, window_bounds = array<i64: 128, 128>}, {pipeline_mode = #tpu.pipeline_mode<synchronous>, transform_indices = @transform_6, window_bounds = array<i64: 1, 128>}, {transform_indices = @transform_7, window_bounds = array<i64: 2000, 128>}]} {
    %get3A = arith.constant 0 : index
    %get3A_0 = arith.constant 0 : index
    %get3A_1 = vector.load %arg3[%get3A, %get3A_0] : memref<1x1xf32, #tpu.memory_space<vmem>>, vector<1x1xf32>
    %get3A_2 = vector.extract %get3A_1[0, 0] : f32 from vector<1x1xf32>
    %add3A = arith.constant 1.000000e+00 : f32
    %add3A_3 = arith.addf %add3A, %get3A_2 : f32
    %get3A_4 = arith.constant 0 : index
    %get3A_5 = arith.constant 0 : index
    %get3A_6 = vector.load %arg1[%get3A_4, %get3A_5] : memref<2000x128xf32, #tpu.memory_space<vmem>>, vector<2000x128xf32>
    %mul3A = vector.broadcast %add3A_3 : f32 to vector<2000x128xf32>
    %mul3A_7 = arith.mulf %mul3A, %get3A_6 : vector<2000x128xf32>
    %get3A_8 = arith.constant 0 : index
    %get3A_9 = arith.constant 0 : index
    %get3A_10 = arith.constant 0 : index
    %get3A_11 = vector.load %arg2[%get3A_8, %get3A_9, %get3A_10] : memref<2x2000x128xf32, #tpu.memory_space<vmem>>, vector<1x2000x128xf32>
    %get3A_12 = vector.shape_cast %get3A_11 : vector<1x2000x128xf32> to vector<2000x128xf32>
    %add3A_13 = arith.addf %mul3A_7, %get3A_12 : vector<2000x128xf32>
    %get3A_14 = arith.constant 1 : index
    %get3A_15 = arith.constant 0 : index
    %get3A_16 = arith.constant 0 : index
    %get3A_17 = vector.load %arg2[%get3A_14, %get3A_15, %get3A_16] : memref<2x2000x128xf32, #tpu.memory_space<vmem>>, vector<1x2000x128xf32>
    %get3A_18 = vector.shape_cast %get3A_17 : vector<1x2000x128xf32> to vector<2000x128xf32>
    %add3A_19 = arith.addf %add3A_13, %get3A_18 : vector<2000x128xf32>
    %get3A_20 = arith.constant 0 : index
    %get3A_21 = arith.constant 0 : index
    %get3A_22 = vector.load %arg4[%get3A_20, %get3A_21] : memref<128x128xf32, #tpu.memory_space<vmem>>, vector<128x128xf32>
    %dot_general3A = arith.constant dense<0.000000e+00> : vector<2000x128xf32>
    %dot_general3A_23 = tpu.matmul %add3A_19, %get3A_22, %dot_general3A {dimension_numbers = #tpu.dot_dimension_numbers<[1], [0], [0], [1], [0, 0, 1, 1], [], []>, transpose_lhs_hint = false} : vector<2000x128xf32>, vector<128x128xf32>, vector<2000x128xf32> -> vector<2000x128xf32>
    %get3A_24 = arith.constant 0 : index
    %get3A_25 = arith.constant 0 : index
    %get3A_26 = vector.load %arg5[%get3A_24, %get3A_25] : memref<1x128xf32, #tpu.memory_space<vmem>>, vector<1x128xf32>
    %add3A_27 = vector.broadcast %get3A_26 : vector<1x128xf32> to vector<2000x128xf32>
    %add3A_28 = arith.addf %dot_general3A_23, %add3A_27 : vector<2000x128xf32>
    %max3A = arith.constant 0.000000e+00 : f32
    %max3A_29 = vector.broadcast %max3A : f32 to vector<2000x128xf32>
    %max3A_30 = arith.maximumf %add3A_28, %max3A_29 : vector<2000x128xf32>
    %get3A_31 = arith.constant 0 : index
    %get3A_32 = arith.constant 0 : index
    %get3A_33 = vector.load %arg6[%get3A_31, %get3A_32] : memref<128x128xf32, #tpu.memory_space<vmem>>, vector<128x128xf32>
    %dot_general3A_34 = arith.constant dense<0.000000e+00> : vector<2000x128xf32>
    %dot_general3A_35 = tpu.matmul %max3A_30, %get3A_33, %dot_general3A_34 {dimension_numbers = #tpu.dot_dimension_numbers<[1], [0], [0], [1], [0, 0, 1, 1], [], []>, transpose_lhs_hint = false} : vector<2000x128xf32>, vector<128x128xf32>, vector<2000x128xf32> -> vector<2000x128xf32>
    %get3A_36 = arith.constant 0 : index
    %get3A_37 = arith.constant 0 : index
    %get3A_38 = vector.load %arg7[%get3A_36, %get3A_37] : memref<1x128xf32, #tpu.memory_space<vmem>>, vector<1x128xf32>
    %add3A_39 = vector.broadcast %get3A_38 : vector<1x128xf32> to vector<2000x128xf32>
    %add3A_40 = arith.addf %dot_general3A_35, %add3A_39 : vector<2000x128xf32>
    %max3A_41 = arith.constant 0.000000e+00 : f32
    %max3A_42 = vector.broadcast %max3A_41 : f32 to vector<2000x128xf32>
    %max3A_43 = arith.maximumf %add3A_40, %max3A_42 : vector<2000x128xf32>
    %swap3A = arith.constant 0 : index
    %swap3A_44 = arith.constant 0 : index
    %swap3A_45 = vector.load %arg8[%swap3A, %swap3A_44] : memref<2000x128xf32, #tpu.memory_space<vmem>>, vector<2000x128xf32>
    tpu.vector_store %arg8[%swap3A, %swap3A_44], %max3A_43 {strides = array<i32>} : memref<2000x128xf32, #tpu.memory_space<vmem>>, vector<2000x128xf32>,
    return
  }
  func.func @transform_0(%arg0: i32) -> (i32, i32) {
    %c0_i32 = arith.constant 0 : i32
    %c0_i32_0 = arith.constant 0 : i32
    return %arg0, %c0_i32 : i32, i32
  }
  func.func @transform_1(%arg0: i32) -> (i32, i32, i32) {
    %c0_i32 = arith.constant 0 : i32
    %c0_i32_0 = arith.constant 0 : i32
    %c0_i32_1 = arith.constant 0 : i32
    return %c0_i32, %arg0, %c0_i32_0 : i32, i32, i32
  }
  func.func @transform_2(%arg0: i32) -> (i32, i32) {
    %c0_i32 = arith.constant 0 : i32
    %c0_i32_0 = arith.constant 0 : i32
    %c0_i32_1 = arith.constant 0 : i32
    return %c0_i32, %c0_i32_0 : i32, i32
  }
  func.func @transform_3(%arg0: i32) -> (i32, i32) {
    %c0_i32 = arith.constant 0 : i32
    %c0_i32_0 = arith.constant 0 : i32
    %c0_i32_1 = arith.constant 0 : i32
    return %c0_i32, %c0_i32_0 : i32, i32
  }
  func.func @transform_4(%arg0: i32) -> (i32, i32) {
    %c0_i32 = arith.constant 0 : i32
    %c0_i32_0 = arith.constant 0 : i32
    %c0_i32_1 = arith.constant 0 : i32
    return %c0_i32, %c0_i32_0 : i32, i32
  }
  func.func @transform_5(%arg0: i32) -> (i32, i32) {
    %c0_i32 = arith.constant 0 : i32
    %c0_i32_0 = arith.constant 0 : i32
    %c0_i32_1 = arith.constant 0 : i32
    return %c0_i32, %c0_i32_0 : i32, i32
  }
  func.func @transform_6(%arg0: i32) -> (i32, i32) {
    %c0_i32 = arith.constant 0 : i32
    %c0_i32_0 = arith.constant 0 : i32
    %c0_i32_1 = arith.constant 0 : i32
    return %c0_i32, %c0_i32_0 : i32, i32
  }
  func.func @transform_7(%arg0: i32) -> (i32, i32) {
    %c0_i32 = arith.constant 0 : i32
    %c0_i32_0 = arith.constant 0 : i32
    return %arg0, %c0_i32 : i32, i32
  }
}

</mosaic_0001>

<sc_bundles>
// kernel: kernel.6.cloned.1.call-start
scs
__scs_entry_jumppad:
0x0: {  	(pc) =	sbr.rel $0x88, $3  }
0x1: {  	(tag) =	ssettag $0x0;
	lr =	simm.s32 $0x1  }
0x2: {  	[smem:$0x3F95] =	sst lr;
	_ =	strace $0xD0000000  }
0x3: {  	_ = 	snop  }
0x4: {  	_ = 	snop  }
0x5: {  	_ = 	snop  }
0x6: {  	_ = 	snop  }
0x7: {  	_ = 	snop  }
__scs_overlays_trampoline_lowered:
0x8: {  	[smem:$0x3FA4] =	sst s0  }
0x9: {  	[smem:$0x3FA5] =	sst s1  }
0xa: {  	[smem:$0x3FA6] =	sst s2  }
0xb: {  	[smem:$0x3FA7] =	sst s3  }
0xc: {  	[smem:$0x3FA8] =	sst s4  }
0xd: {  	[smem:$0x3FA9] =	sst s5  }
0xe: {  	[smem:$0x3FAA] =	sst s6  }
0xf: {  	[smem:$0x3FAB] =	sst s7  }
0x10: {  	[smem:$0x3FAC] =	sst s8  }
0x11: {  	[smem:$0x3FAD] =	sst s9;
	s0 =	simm.s32 @!p0 $0x0  }
0x12: {  	s1 =	sld [smem:$0x3F93];
	s0 =	simm.s32 @p0 $0x1  }
0x13: {  	[smem:$0x3FAE] =	sst s0;
	s0 =	simm.s32 @!p1 $0x0  }
0x14: {  	s2 =	sld [smem:$0x3F92];
	s0 =	simm.s32 @p1 $0x1  }
0x15: {  	[smem:$0x3FAF] =	sst s0;
	s0 =	simm.s32 @!p2 $0x0  }
0x16: {  	s3 =	sld [smem:$0x3FDB];
	s0 =	simm.s32 @p2 $0x1  }
0x17: {  	s4 =	simm.s32 $0x1BF5;
	[smem:$0x3FB1] =	sst s0  }
0x18: {  	s0 =	sld [smem:$0x3F94];
	_ =	swait.ge [sflag:s4], $0x0  }
0x19: {  	s7 =	sld [smem:$0x3F95]  }
0x1a: {  	s8 =	sadd.s32 $0xFFFFE003, lr  }
0x1b: {  	s9 =	sadd.s32 $0xFFFFFEF7, lr;
	s5 =	simm.s32 $0xFFFFFFFF;
	p2 =	slt.u32 s8, $0xFFFFF086  }
0x1c: {  	p1 =	slt.u32 s9, $0xF7A;
	s5 =	simm.s32 @!p2 $0x0  }
0x1d: {  	s5 =	simm.s32 @p1 $0x1;
	p0 =	seq.s32 s7, s2  }
0x1e: {  	s7 =	smul.u32 @!p0 $0xF7A, s2;
	p2 =	seq.s32 @!p0 s5, $0x0  }
0x1f: {  	s9 =	smul.u32 $0xF7A, s1;
	s8 =	simm.s32 @!p0 $0x1BF5;
	p2 =	por !p2, p0  }
0x20: {  	[sflag:s8] =	ssyncset.s32 @!p0 $0xFFFFF086;
	s6 =	sadd.s32 @!p0 s3, s7;
	s7 =	simm.s32 @!p0 $0x108  }
0x21: {  	s3 =	sadd.s32 s3, s9;
	s6 =	sadd.s32 @!p0 $0x88, s6;
	s7 =	simm.s32 @p2 $0x1082  }
0x22: {  	[simem:s7], [sflag:s8] =	dma.local @!p0 [hbm:s6], $0xF7A  }
0x23: {  	s9 =	sor.u32 $0xD0000000, s2;
	s6 =	simm.s32 $0x108;
	_ =	swait.ge @!p0 [sflag:s8], $0x0  }
0x24: {  	s3 =	sadd.s32 $0x88, s3;
	s6 =	simm.s32 @!p1 $0x1082;
	[sflag:s4] =	ssyncset.s32 $0xFFFFF086  }
0x25: {  	[simem:s6], [sflag:s4] =	dma.local [hbm:s3], $0xF7A  }
0x26: {  	[smem:$0x3F95] =	sst s1;
	(tag) =	ssettag s2;
	_ =	strace s9  }
0x27: {  	s1 =	sld [smem:$0x3FA5]  }
0x28: {  	s2 =	sld [smem:$0x3FA6]  }
0x29: {  	s4 =	sld [smem:$0x3FA8]  }
0x2a: {  	p0 =	seq.s32 s5, $0x0;
	s5 =	sld [smem:$0x3FA9]  }
0x2b: {  	s6 =	sld [smem:$0x3FAA]  }
0x2c: {  	s7 =	sld [smem:$0x3FAB]  }
0x2d: {  	s3 =	simm.s32 $0x108;
	s8 =	sld [smem:$0x3FAC]  }
0x2e: {  	s3 =	simm.s32 @!p0 $0x1082;
	s9 =	sld [smem:$0x3FAD]  }
0x2f: {  	lr =	sadd.s32 s0, s3;
	s0 =	sld [smem:$0x3FA4]  }
0x30: {  	s3 =	sld [smem:$0x3FA7]  }
0x31: {  	[smem:$0x3FB0] =	sst s10  }
0x32: {  	s10 =	sld [smem:$0x3FAE];
	_ =	sdelay $0x3  }
0x33: {  	p0 =	seq.s32 s10, $0x1;
	s10 =	sld [smem:$0x3FB0];
	_ =	sdelay $0x3  }
0x34: {  	[smem:$0x3FB0] =	sst s10  }
0x35: {  	s10 =	sld [smem:$0x3FAF];
	_ =	sdelay $0x3  }
0x36: {  	p1 =	seq.s32 s10, $0x1;
	s10 =	sld [smem:$0x3FB0];
	_ =	sdelay $0x3  }
0x37: {  	[smem:$0x3FB0] =	sst s10  }
0x38: {  	s10 =	sld [smem:$0x3FB1]  }
0x39: {  	_ = 	snop;
	(pc) =	sbr.ind lr, $3  }
0x3a: {  	_ = 	snop  }
0x3b: {  	_ = 	snop  }
0x3c: {  	p2 =	seq.s32 s10, $0x1;
	s10 =	sld [smem:$0x3FB0]  }
0x3d: {  	_ =	shalt  }
0x3e: {  	_ =	shalt  }
0x3f: {  	_ =	shalt  }
0x40: {  	_ =	shalt  }
0x41: {  	_ =	shalt  }
0x42: {  	_ =	shalt  }
0x43: {  	_ =	shalt  }
0x44: {  	_ =	shalt  }
0x45: {  	_ =	shalt  }
0x46: {  	_ =	shalt  }
0x47: {  	_ =	shalt  }
0x48: {  	_ =	shalt  }
0x49: {  	_ =	shalt  }
0x4a: {  	_ =	shalt  }
0x4b: {  	_ =	shalt  }
0x4c: {  	_ =	shalt  }
0x4d: {  	_ =	shalt  }
0x4e: {  	_ =	shalt  }
0x4f: {  	_ =	shalt  }
0x50: {  	_ =	shalt  }
0x51: {  	_ =	shalt  }
0x52: {  	_ =	shalt  }
0x53: {  	_ =	shalt  }
0x54: {  	_ =	shalt  }
0x55: {  	_ =	shalt  }
0x56: {  	_ =	shalt  }
0x57: {  	_ =	shalt  }
0x58: {  	_ =	shalt  }
0x59: {  	_ =	shalt  }
0x5a: {  	_ =	shalt  }
0x5b: {  	_ =	shalt  }
0x5c: {  	_ =	shalt  }
0x5d: {  	_ =	shalt  }
0x5e: {  	_ =	shalt  }
0x5f: {  	_ =	shalt  }
0x60: {  	_ =	shalt  }
0x61: {  	_ =	shalt  }
0x62: {  	_ =	shalt  }
0x63: {  	_ =	shalt  }
0x64: {  	_ =	shalt  }
0x65: {  	_ =	shalt  }
0x66: {  	_ =	shalt  }
0x67: {  	_ =	shalt  }
0x68: {  	_ =	shalt  }
0x69: {  	_ =	shalt  }
0x6a: {  	_ =	shalt  }
0x6b: {  	_ =	shalt  }
0x6c: {  	_ =	shalt  }
0x6d: {  	_ =	shalt  }
0x6e: {  	_ =	shalt  }
0x6f: {  	_ =	shalt  }
0x70: {  	_ =	shalt  }
0x71: {  	_ =	shalt  }
0x72: {  	_ =	shalt  }
0x73: {  	_ =	shalt  }
0x74: {  	_ =	shalt  }
0x75: {  	_ =	shalt  }
0x76: {  	_ =	shalt  }
0x77: {  	_ =	shalt  }
0x78: {  	_ =	shalt  }
0x79: {  	_ =	shalt  }
0x7a: {  	_ =	shalt  }
0x7b: {  	_ =	shalt  }
0x7c: {  	_ =	shalt  }
0x7d: {  	_ =	shalt  }
0x7e: {  	_ =	shalt  }
0x7f: {  	_ =	shalt  }
0x80: {  	_ =	shalt  }
0x81: {  	_ =	shalt  }
0x82: {  	_ =	shalt  }
0x83: {  	_ =	shalt  }
0x84: {  	_ =	shalt  }
0x85: {  	_ =	shalt  }
0x86: {  	_ =	shalt  }
0x87: {  	_ =	shalt  }
.Lfunc_end0:
.L_simem_size_0:
called_computation_lowered:
.L_overlay_start_0:
0x88: {  	s2 =	sld [smem:$0x3FD9]  }
0x89: {  	s3 =	sld [smem:$0x3FFE];
	_ =	sdelay $0x1  }
0x8a: {  	s1 =	srdreg.scid  }
0x8b: {  	s0 =	sand.u32 $0x1, s1  }
0x8c: {  	s17 =	sshll.u32 s0, $0xA;
	s2 =	sadd.s32 s3, s2  }
0x8d: {  	s2 =	sadd.s32 s2, s17  }
0x8e: {  	[smem:$0x3FBC] =	sst s2  }
0x8f: {  	_ = 	snop  }
0x90: {  	s2 =	sld [smem:$0x3FC9]  }
0x91: {  	s18 =	sld [smem:$0x3FD0];
	(tm) =	ssettm $0x1  }
0x92: {  	s4 =	sld [smem:$0x3FFB];
	_ =	sdelay $0x3  }
0x93: {  	_ =	strace s4  }
0x94: {  	s4 =	sld [smem:$0x3FFC];
	_ =	sdelay $0x3  }
0x95: {  	_ =	strace s4  }
0x96: {  	s4 =	sld [smem:$0x3FFD];
	_ =	sdelay $0x3  }
0x97: {  	_ =	strace s4  }
0x98: {  	_ =	strace $0x8FFFFFFF  }
0x99: {  	s19 =	sld [smem:$0x3FDB];
	_ =	sdelay $0x1  }
0x9a: {  	s5 =	simm.s32 $_scs_section_size  }
0x9b: {  	s6 =	simm.s32 $_size__tile_overlayer_lowered;
	s7 =	simm.s32 $_tile_overlayer_lowered  }
0x9c: {  	s22 =	simm.s32 $0x1BFF;
	s21 =	sshll.u32 s7, $0x1;
	s4 =	sadd.s32 s5, s19  }
0x9d: {  	s8 =	simm.s32 $0x0;
	s20 =	sshll.u32 s6, $0x1;
	s6 =	sadd.s32 s21, s4  }
0x9e: {  	[timem:s8], [sflag:s22] =	dma.local [hbm:s6], s20  }
0x9f: {  	_ =	swait.ge [sflag:s22], s20  }
0xa0: {  	s5 =	ssub.s32 $0x0, s20;
	[sflag:s22] =	ssyncset.done $0x0  }
0xa1: {  	[sflag:s22] =	ssyncadd.s32 s5;
	_ =	sdelay $0x1  }
0xa2: {  	s23 =	simm.s32 $0x1B8B  }
0xa3: {  	_ =	swait.ge [sflag:s23], $0x1  }
0xa4: {  	[sflag:s23] =	ssyncset.done $0x0  }
0xa5: {  	s25 =	simm.s32 $0x1B8E;
	s24 =	sld [smem:$0x3FFE];
	[sflag:s23] =	ssyncadd.s32 $0xFFFFFFFF  }
0xa6: {  	s26 =	simm.s32 $execute0_lowered;
	[smem:$0x3FD2] =	sst s25  }
0xa7: {  	s6 =	sshll.u32 s26, $0x1;
	_ =	strace $0x80000046;
	[dreg:$0x1] =	wrdreg $0xFFFFFFFF  }
0xa8: {  	s28 =	simm.s32 $_size_execute0_lowered;
	s4 =	sadd.s32 s4, s6;
	[dreg:$0x0] =	wrdreg $0x0  }
0xa9: {  	s6 =	sshll.u32 s28, $0x1;
	[dreg:$0x2] =	wrdreg s4  }
0xaa: {  	[dreg:$0x3] =	wrdreg s6  }
0xab: {  	[dreg:$0x4] =	wrdreg $0xC0  }
0xac: {  	_ =	task [dreg:s8], $0x5FFFF  }
0xad: {  	[dreg:$0x1] =	wrdreg $0xFFFFFFFF  }
0xae: {  	[dreg:$0x0] =	wrdreg $0x60  }
0xaf: {  	[dreg:$0x2] =	wrdreg s2  }
0xb0: {  	[dreg:$0x3] =	wrdreg s24  }
0xb1: {  	[dreg:$0x4] =	wrdreg s18  }
0xb2: {  	[dreg:$0x5] =	wrdreg $0xAA000  }
0xb3: {  	[dreg:$0x6] =	wrdreg $0x9  }
0xb4: {  	_ =	task.clear_ibuf [dreg:s8], $0x7FFFF;
	_ =	strace $0x90000046  }
0xb5: {  	s29 =	simm.s32 $0x9;
	_ =	strace $0x80000048  }
0xb6: {  	_ =	swait.ge [sflag:s29], $0x1  }
0xb7: {  	[sflag:s29] =	ssyncadd.s32 $0xFFFFFFFF  }
0xb8: {  	_ =	strace $0x90000048  }
0xb9: {  	_ =	sfence  }
0xba: {  	s30 =	sld [smem:$0x0];
	_ =	sdelay $0x2  }
0xbb: {  	s31 =	sshll.u32 s1, $0xD;
	s1 =	sshrl.u32 s1, $0x2  }
0xbc: {  	s3 =	sand.u32 $0x4000, s31;
	s1 =	sadd.s32 s1, s30  }
0xbd: {  	s0 =	sor.u32 s3, s0;
	s1 =	sshll.u32 s1, $0x11  }
0xbe: {  	s0 =	sor.u32 s1, s0  }
0xbf: {  	s0 =	sadd.s32 $0x8F2B, s0  }
0xc0: {  	[sflag:s0] =	ssyncadd.remote.s32 $0x1  }
0xc1: {  	_ =	sfence.sel $0xFFFF  }
0xc2: {  	[dreg:$0x0] =	wrdreg $0xFFFFFFFF;
	(pc) =	sbr.abs _section_cstart, $3  }
0xc3: {  	[dreg:$0x1] =	wrdreg $0xFFFFFFFF  }
0xc4: {  	_ =	task.clear_ibuf [dreg:s8], $0x2FFFF;
	_ =	strace $0x9FFFFFFF  }
0xc5: {  	(tm) =	ssettm $0x7FFFFFFF  }
tec
execute0_lowered:
.L_overlay_start_1:
0x0: {  	(tag) =	ssettag $0x1  }
0x1: {  	s1 =	rddreg [dreg:$0x0]  }
0x2: {  	s5 =	rddreg [dreg:$0x1]  }
0x3: {  	s7 =	rddreg [dreg:$0x2];
	s2 =	srdreg.scid  }
0x4: {  	s0 =	stileid.u32;
	s3 =	rddreg [dreg:$0x3];
	s4 =	simm.s32 $0x0  }
0x5: {  	s17 =	simm.s32 $0x2A00;
	s18 =	simm.s32 $0x2880;
	s19 =	simm.s32 $0x6A00  }
0x6: {  	s20 =	simm.s32 $0x1;
	s21 =	simm.s32 $0x2900;
	s22 =	simm.s32 $0x2  }
0x7: {  	s23 =	simm.s32 $0x2980;
	s24 =	simm.s32 $0x0;
	s6 =	sand.u32 $0x1, s2  }
0x8: {  	s8 =	sshll.u32 s0, $0x1;
	s2 =	rddreg [dreg:$0x4];
	s10 =	smul.u32 $0x4E000, s0  }
0x9: {  	[smem:$0x7FF] =	sst s4;
	s12 =	smul.u32 $0x13800, s0;
	s13 =	sadd.s32 $0xC400, s5  }
0xa: {  	s29 =	sshll.u32 s0, $0x6;
	s16 =	sadd.s32 $0x138000, s3;
	p0 =	sne.s32 s0, $0xF  }
0xb: {  	s8 =	sor.u32 s6, s8;
	_ =	strace $0x80000047;
	s14 =	smul.u32 $0x138800, s6  }
0xc: {  	s9 =	ssub.s32 $0x2, s6;
	s6 =	sor.u32 $0x1C03, s29;
	s8 =	smul.u32 $0x500, s8  }
0xd: {  	s11 =	sshrl.u32 s9, $0x1;
	s26 =	sshrl.u32 s10, $0x2;
	s28 =	sshrl.u32 s12, $0x3  }
0xe: {  	s11 =	ssub.s32 s9, s11;
	s15 =	sadd.s32 s26, s3;
	s30 =	sadd.s32 s12, s14  }
0xf: {  	s31 =	sshrl.u32 s14, $0x3;
	s14 =	sshrl.u32 @!p0 s16, $0x3;
	s16 =	simm.s32 $0x2800  }
0x10: {  	s8 =	sadd.s32 s8, s5;
	s5 =	sadd.s32 s7, s28;
	s7 =	sadd.s32 $0x27000, s7  }
0x11: {  	s9 =	sshrl.u32 s30, $0x3;
	s10 =	sadd.s32 s13, s31;
	s11 =	smax.u32 s11, $0x1  }
0x12: {  	s12 =	sshrl.u32 s15, $0x3;
	s15 =	simm.s32 $0x7D;
	s8 =	sadd.s32 $0x2400, s8  }
0x13: {  	s9 =	sadd.s32 s13, s9;
	s10 =	sadd.s32 $0x27000, s10;
	s13 =	simm.s32 $0x3  }
.LBB2_1:
0x14: {  	[spmem:s12], [sflag:s6] =	dma.local [hbm:s5], $0x2700  }
0x15: {  	_ =	swait.ge [sflag:s13], $0x2700  }
0x16: {  	[sflag:s13] =	ssyncset.done $0x0  }
0x17: {  	s25 =	simm.s32 @!p0 $0x3;
	[sflag:s13] =	ssyncadd.s32 $0xFFFFD900  }
0x18: {  	[spmem:s14], [sflag:s6] =	dma.local @!p0 [hbm:s7], $0x100  }
0x19: {  	_ =	swait.ge @!p0 [sflag:s25], $0x100  }
0x1a: {  	[sflag:s25] =	ssyncset.done @!p0 $0x0  }
0x1b: {  	[sflag:s25] =	ssyncadd.s32 @!p0 $0xFFFFFF00  }
0x1c: {  	[tilespmem:s4], [sflag:$0x3] =	stream.linear.gather [hbm4b:s8+s4], $0x2800, $0x38;
	[tilespmem:$0x1E280] =	vst v63  }
0x1d: {  	_ =	swait.ge [sflag:s13], $0x2800  }
0x1e: {  	[sflag:s13] =	ssyncset.done $0x0  }
0x1f: {  	[sflag:s13] =	ssyncadd.s32 $0xFFFFD800  }
0x20: {  	[bflag:$0x0] =	sbarrier.arrive $0xFFFF  }
0x21: {  	v0 =	vld [tilespmem:$0x0];
	_ =	sdelay $0x1  }
0x22: {  	v1 =	vld [tilespmem:$0x10];
	_ =	sdelay $0x1  }
0x23: {  	v2 =	vld [tilespmem:$0x20]  }
0x24: {  	v3 =	vshra.s32 v0, $0xE  }
0x25: {  	v0 =	vand.u32 $0x3FFF, v0;
	[tilespmem:$0x2800] =	vst v3;
	v3 =	vld [tilespmem:$0x30]  }
0x26: {  	[tilespmem:$0x2900] =	vst v0;
	v0 =	vshra.s32 v1, $0xE  }
0x27: {  	[tilespmem:$0x2810] =	vst v0;
	v0 =	vand.u32 $0x3FFF, v1;
	v1 =	vld [tilespmem:$0x40]  }
0x28: {  	[tilespmem:$0x2910] =	vst v0;
	v0 =	vshra.s32 v2, $0xE  }
0x29: {  	[tilespmem:$0x2820] =	vst v0;
	v0 =	vand.u32 $0x3FFF, v2;
	v2 =	vld [tilespmem:$0x50]  }
0x2a: {  	[tilespmem:$0x2920] =	vst v0;
	v0 =	vshra.s32 v3, $0xE  }
0x2b: {  	[tilespmem:$0x2830] =	vst v0;
	v0 =	vand.u32 $0x3FFF, v3;
	v3 =	vld [tilespmem:$0x60]  }
0x2c: {  	[tilespmem:$0x2930] =	vst v0;
	v0 =	vshra.s32 v1, $0xE  }
0x2d: {  	[tilespmem:$0x2840] =	vst v0;
	v0 =	vand.u32 $0x3FFF, v1;
	v1 =	vld [tilespmem:$0x6D]  }
0x2e: {  	[tilespmem:$0x2940] =	vst v0;
	v0 =	vshra.s32 v2, $0xE  }
0x2f: {  	[tilespmem:$0x2850] =	vst v0;
	v0 =	vand.u32 $0x3FFF, v2  }
0x30: {  	[tilespmem:$0x2950] =	vst v0;
	v0 =	vshra.s32 v3, $0xE  }
0x31: {  	[tilespmem:$0x2860] =	vst v0;
	v0 =	vand.u32 $0x3FFF, v3  }
0x32: {  	[tilespmem:$0x2960] =	vst v0;
	v0 =	vshra.s32 v1, $0xE  }
0x33: {  	[tilespmem:$0x286D] =	vst v0;
	v0 =	vand.u32 $0x3FFF, v1  }
0x34: {  	s28 =	simm.s32 $0x0;
	[tilespmem:$0x296D] =	vst v0  }
0x35: {  	[tilespmem:s17], [sflag:$0x1] =	stream.indirect.gather [hbm4b:s1+s15], $0x80, s16, s15, $0xb8;
	[tilespmem:$0x1E280] =	vst v63  }
0x36: {  	v0 =	vld [tilespmem:s28+$0x80];
	_ =	sdelay $0x4  }
0x37: {  	v1 =	vshra.s32 v0, $0xE  }
0x38: {  	v0 =	vand.u32 $0x3FFF, v0;
	[tilespmem:$0x2880] =	vst v1  }
0x39: {  	[tilespmem:$0x2980] =	vst v0  }
0x3a: {  	v0 =	vld [tilespmem:s28+$0x90];
	_ =	sdelay $0x4  }
0x3b: {  	v1 =	vshra.s32 v0, $0xE  }
0x3c: {  	v0 =	vand.u32 $0x3FFF, v0;
	[tilespmem:$0x2890] =	vst v1  }
0x3d: {  	[tilespmem:$0x2990] =	vst v0  }
0x3e: {  	v0 =	vld [tilespmem:s28+$0xA0];
	_ =	sdelay $0x4  }
0x3f: {  	v1 =	vshra.s32 v0, $0xE  }
0x40: {  	v0 =	vand.u32 $0x3FFF, v0;
	[tilespmem:$0x28A0] =	vst v1  }
0x41: {  	[tilespmem:$0x29A0] =	vst v0  }
0x42: {  	v0 =	vld [tilespmem:s28+$0xB0];
	_ =	sdelay $0x4  }
0x43: {  	v1 =	vshra.s32 v0, $0xE  }
0x44: {  	v0 =	vand.u32 $0x3FFF, v0;
	[tilespmem:$0x28B0] =	vst v1  }
0x45: {  	[tilespmem:$0x29B0] =	vst v0  }
0x46: {  	v0 =	vld [tilespmem:s28+$0xC0];
	_ =	sdelay $0x4  }
0x47: {  	v1 =	vshra.s32 v0, $0xE  }
0x48: {  	v0 =	vand.u32 $0x3FFF, v0;
	[tilespmem:$0x28C0] =	vst v1  }
0x49: {  	[tilespmem:$0x29C0] =	vst v0  }
0x4a: {  	v0 =	vld [tilespmem:s28+$0xD0];
	_ =	sdelay $0x4  }
0x4b: {  	v1 =	vshra.s32 v0, $0xE  }
0x4c: {  	v0 =	vand.u32 $0x3FFF, v0;
	[tilespmem:$0x28D0] =	vst v1  }
0x4d: {  	[tilespmem:$0x29D0] =	vst v0  }
0x4e: {  	v0 =	vld [tilespmem:s28+$0xE0];
	_ =	sdelay $0x4  }
0x4f: {  	v1 =	vshra.s32 v0, $0xE  }
0x50: {  	v0 =	vand.u32 $0x3FFF, v0;
	[tilespmem:$0x28E0] =	vst v1  }
0x51: {  	[tilespmem:$0x29E0] =	vst v0  }
0x52: {  	v0 =	vld [tilespmem:s28+$0xED];
	_ =	sdelay $0x4  }
0x53: {  	v1 =	vshra.s32 v0, $0xE  }
0x54: {  	v0 =	vand.u32 $0x3FFF, v0;
	[tilespmem:$0x28ED] =	vst v1  }
0x55: {  	[tilespmem:$0x29ED] =	vst v0  }
0x56: {  	[tilespmem:s19], [sflag:$0x2] =	stream.indirect.gather [hbm4b:s1+s15], $0x80, s18, s15, $0xb8;
	[tilespmem:$0x1E280] =	vst v63  }
0x57: {  	_ =	swait.ge [sflag:s20], $0x3E80  }
0x58: {  	[sflag:s20] =	ssyncset.done $0x0  }
0x59: {  	[sflag:s20] =	ssyncadd.s32 $0xFFFFC180  }
0x5a: {  	[spmem:s3] =	stream.indirect.scatter.add.f32 [tilespmem:s17], [sflag:$0x3], $0x80, s21, s15, $0xb8;
	[tilespmem:$0x1E280] =	vst v63  }
0x5b: {  	_ =	swait.ge [sflag:s13], $0x3E80  }
0x5c: {  	p2 =	por $0x0, $0x0;
	[sflag:s13] =	ssyncset.done $0x0  }
0x5d: {  	s26 =	simm.s32 @!p2 $0x0;
	[sflag:s13] =	ssyncadd.s32 $0xFFFFC180  }
0x5e: {  	v0 =	vld @!p2 [tilespmem:s26+$0x100];
	_ =	sdelay $0x4  }
0x5f: {  	v1 =	vshra.s32 @!p2 v0, $0xE  }
0x60: {  	v0 =	vand.u32 @!p2 $0x3FFF, v0;
	[tilespmem:$0x2800] =	vst @!p2 v1  }
0x61: {  	[tilespmem:$0x2900] =	vst @!p2 v0  }
0x62: {  	v0 =	vld @!p2 [tilespmem:s26+$0x110];
	_ =	sdelay $0x4  }
0x63: {  	v1 =	vshra.s32 @!p2 v0, $0xE  }
0x64: {  	v0 =	vand.u32 @!p2 $0x3FFF, v0;
	[tilespmem:$0x2810] =	vst @!p2 v1  }
0x65: {  	[tilespmem:$0x2910] =	vst @!p2 v0  }
0x66: {  	v0 =	vld @!p2 [tilespmem:s26+$0x120];
	_ =	sdelay $0x4  }
0x67: {  	v1 =	vshra.s32 @!p2 v0, $0xE  }
0x68: {  	v0 =	vand.u32 @!p2 $0x3FFF, v0;
	[tilespmem:$0x2820] =	vst @!p2 v1  }
0x69: {  	[tilespmem:$0x2920] =	vst @!p2 v0  }
0x6a: {  	v0 =	vld @!p2 [tilespmem:s26+$0x130];
	_ =	sdelay $0x4  }
0x6b: {  	v1 =	vshra.s32 @!p2 v0, $0xE  }
0x6c: {  	v0 =	vand.u32 @!p2 $0x3FFF, v0;
	[tilespmem:$0x2830] =	vst @!p2 v1  }
0x6d: {  	[tilespmem:$0x2930] =	vst @!p2 v0  }
0x6e: {  	v0 =	vld @!p2 [tilespmem:s26+$0x140];
	_ =	sdelay $0x4  }
0x6f: {  	v1 =	vshra.s32 @!p2 v0, $0xE  }
0x70: {  	v0 =	vand.u32 @!p2 $0x3FFF, v0;
	[tilespmem:$0x2840] =	vst @!p2 v1  }
0x71: {  	[tilespmem:$0x2940] =	vst @!p2 v0  }
0x72: {  	v0 =	vld @!p2 [tilespmem:s26+$0x150];
	_ =	sdelay $0x4  }
0x73: {  	v1 =	vshra.s32 @!p2 v0, $0xE  }
0x74: {  	v0 =	vand.u32 @!p2 $0x3FFF, v0;
	[tilespmem:$0x2850] =	vst @!p2 v1  }
0x75: {  	[tilespmem:$0x2950] =	vst @!p2 v0  }
0x76: {  	v0 =	vld @!p2 [tilespmem:s26+$0x160];
	_ =	sdelay $0x4  }
0x77: {  	s29 =	simm.s32 @!p2 $0x7D;
	v1 =	vshra.s32 @!p2 v0, $0xE  }
0x78: {  	s30 =	simm.s32 @!p2 $0x2800;
	s31 =	simm.s32 @!p2 $0x2A00;
	s25 =	simm.s32 $0x400;
	v0 =	vand.u32 @!p2 $0x3FFF, v0;
	[tilespmem:$0x2860] =	vst @!p2 v1  }
.LBB2_2:
0x79: {  	[tilespmem:$0x2960] =	vst @!p2 v0;
	s28 =	smov.u32 s25;
	s25 =	sadd.s32 $0x400, s25  }
0x7a: {  	p1 =	sne.s32 s25, $0xA000;
	v0 =	vld @!p2 [tilespmem:s26+$0x16D];
	_ =	sdelay $0x4  }
0x7b: {  	v1 =	vshra.s32 @!p2 v0, $0xE;
	v0 =	vand.u32 @!p2 $0x3FFF, v0  }
0x7c: {  	[tilespmem:$0x286D] =	vst @!p2 v1  }
0x7d: {  	[tilespmem:$0x296D] =	vst @!p2 v0  }
0x7e: {  	[tilespmem:s31], [sflag:$0x1] =	stream.indirect.gather @!p2 [hbm4b:s1+s29], $0x80, s30, s29, $0xb8;
	[tilespmem:$0x1E280] =	vst v63  }
0x7f: {  	_ =	swait.ge [sflag:s22], $0x3E80  }
0x80: {  	[sflag:s22] =	ssyncset.done $0x0  }
0x81: {  	[sflag:s22] =	ssyncadd.s32 $0xFFFFC180  }
0x82: {  	[spmem:s3] =	stream.indirect.scatter.add.f32 [tilespmem:s19], [sflag:$0x3], $0x80, s23, s15, $0xb8;
	[tilespmem:$0x1E280] =	vst v63  }
0x83: {  	_ =	swait.ge [sflag:s13], $0x3E80  }
0x84: {  	[sflag:s13] =	ssyncset.done $0x0  }
0x85: {  	s26 =	sshra.s32 s28, $0x2;
	[sflag:s13] =	ssyncadd.s32 $0xFFFFC180  }
0x86: {  	v0 =	vld [tilespmem:s26+$0x80];
	_ =	sdelay $0x4  }
0x87: {  	v1 =	vshra.s32 v0, $0xE;
	v0 =	vand.u32 $0x3FFF, v0  }
0x88: {  	[tilespmem:$0x2880] =	vst v1  }
0x89: {  	[tilespmem:$0x2980] =	vst v0  }
0x8a: {  	v0 =	vld [tilespmem:s26+$0x90];
	_ =	sdelay $0x4  }
0x8b: {  	v1 =	vshra.s32 v0, $0xE;
	v0 =	vand.u32 $0x3FFF, v0  }
0x8c: {  	[tilespmem:$0x2890] =	vst v1  }
0x8d: {  	[tilespmem:$0x2990] =	vst v0  }
0x8e: {  	v0 =	vld [tilespmem:s26+$0xA0];
	_ =	sdelay $0x4  }
0x8f: {  	v1 =	vshra.s32 v0, $0xE;
	v0 =	vand.u32 $0x3FFF, v0  }
0x90: {  	[tilespmem:$0x28A0] =	vst v1  }
0x91: {  	[tilespmem:$0x29A0] =	vst v0  }
0x92: {  	v0 =	vld [tilespmem:s26+$0xB0];
	_ =	sdelay $0x4  }
0x93: {  	v1 =	vshra.s32 v0, $0xE;
	v0 =	vand.u32 $0x3FFF, v0  }
0x94: {  	[tilespmem:$0x28B0] =	vst v1  }
0x95: {  	[tilespmem:$0x29B0] =	vst v0  }
0x96: {  	v0 =	vld [tilespmem:s26+$0xC0];
	_ =	sdelay $0x4  }
0x97: {  	v1 =	vshra.s32 v0, $0xE;
	v0 =	vand.u32 $0x3FFF, v0  }
0x98: {  	[tilespmem:$0x28C0] =	vst v1  }
0x99: {  	[tilespmem:$0x29C0] =	vst v0  }
0x9a: {  	v0 =	vld [tilespmem:s26+$0xD0];
	_ =	sdelay $0x4  }
0x9b: {  	v1 =	vshra.s32 v0, $0xE;
	v0 =	vand.u32 $0x3FFF, v0  }
0x9c: {  	[tilespmem:$0x28D0] =	vst v1  }
0x9d: {  	[tilespmem:$0x29D0] =	vst v0  }
0x9e: {  	v0 =	vld [tilespmem:s26+$0xE0];
	_ =	sdelay $0x4  }
0x9f: {  	v1 =	vshra.s32 v0, $0xE;
	v0 =	vand.u32 $0x3FFF, v0  }
0xa0: {  	[tilespmem:$0x28E0] =	vst v1  }
0xa1: {  	[tilespmem:$0x29E0] =	vst v0  }
0xa2: {  	v0 =	vld [tilespmem:s26+$0xED];
	_ =	sdelay $0x4  }
0xa3: {  	v1 =	vshra.s32 v0, $0xE;
	v0 =	vand.u32 $0x3FFF, v0  }
0xa4: {  	p2 =	seq.s32 s28, $0x9C00;
	[tilespmem:$0x28ED] =	vst v1  }
0xa5: {  	s26 =	sshra.s32 @!p2 s28, $0x2;
	[tilespmem:$0x29ED] =	vst v0  }
0xa6: {  	[tilespmem:s19], [sflag:$0x2] =	stream.indirect.gather [hbm4b:s1+s15], $0x80, s18, s15, $0xb8;
	[tilespmem:$0x1E280] =	vst v63  }
0xa7: {  	_ =	swait.ge [sflag:s20], $0x3E80  }
0xa8: {  	[sflag:s20] =	ssyncset.done $0x0  }
0xa9: {  	[sflag:s20] =	ssyncadd.s32 $0xFFFFC180  }
0xaa: {  	[spmem:s3] =	stream.indirect.scatter.add.f32 [tilespmem:s17], [sflag:$0x3], $0x80, s21, s15, $0xb8;
	[tilespmem:$0x1E280] =	vst v63  }
0xab: {  	_ =	swait.ge [sflag:s13], $0x3E80  }
0xac: {  	[sflag:s13] =	ssyncset.done $0x0  }
0xad: {  	[sflag:s13] =	ssyncadd.s32 $0xFFFFC180  }
0xae: {  	v0 =	vld @!p2 [tilespmem:s26+$0x100];
	_ =	sdelay $0x4  }
0xaf: {  	v1 =	vshra.s32 @!p2 v0, $0xE;
	v0 =	vand.u32 @!p2 $0x3FFF, v0  }
0xb0: {  	[tilespmem:$0x2800] =	vst @!p2 v1  }
0xb1: {  	[tilespmem:$0x2900] =	vst @!p2 v0  }
0xb2: {  	v0 =	vld @!p2 [tilespmem:s26+$0x110];
	_ =	sdelay $0x4  }
0xb3: {  	v1 =	vshra.s32 @!p2 v0, $0xE;
	v0 =	vand.u32 @!p2 $0x3FFF, v0  }
0xb4: {  	[tilespmem:$0x2810] =	vst @!p2 v1  }
0xb5: {  	[tilespmem:$0x2910] =	vst @!p2 v0  }
0xb6: {  	v0 =	vld @!p2 [tilespmem:s26+$0x120];
	_ =	sdelay $0x4  }
0xb7: {  	v1 =	vshra.s32 @!p2 v0, $0xE;
	v0 =	vand.u32 @!p2 $0x3FFF, v0  }
0xb8: {  	[tilespmem:$0x2820] =	vst @!p2 v1  }
0xb9: {  	[tilespmem:$0x2920] =	vst @!p2 v0  }
0xba: {  	v0 =	vld @!p2 [tilespmem:s26+$0x130];
	_ =	sdelay $0x4  }
0xbb: {  	v1 =	vshra.s32 @!p2 v0, $0xE;
	v0 =	vand.u32 @!p2 $0x3FFF, v0  }
0xbc: {  	[tilespmem:$0x2830] =	vst @!p2 v1  }
0xbd: {  	[tilespmem:$0x2930] =	vst @!p2 v0  }
0xbe: {  	v0 =	vld @!p2 [tilespmem:s26+$0x140];
	_ =	sdelay $0x4  }
0xbf: {  	v1 =	vshra.s32 @!p2 v0, $0xE;
	v0 =	vand.u32 @!p2 $0x3FFF, v0  }
0xc0: {  	[tilespmem:$0x2840] =	vst @!p2 v1  }
0xc1: {  	[tilespmem:$0x2940] =	vst @!p2 v0  }
0xc2: {  	v0 =	vld @!p2 [tilespmem:s26+$0x150];
	_ =	sdelay $0x4  }
0xc3: {  	v1 =	vshra.s32 @!p2 v0, $0xE;
	v0 =	vand.u32 @!p2 $0x3FFF, v0  }
0xc4: {  	[tilespmem:$0x2850] =	vst @!p2 v1  }
0xc5: {  	s29 =	simm.s32 @!p2 $0x7D;
	s30 =	simm.s32 @!p2 $0x2800;
	s31 =	simm.s32 @!p2 $0x2A00;
	[tilespmem:$0x2950] =	vst @!p2 v0  }
0xc6: {  	v0 =	vld @!p2 [tilespmem:s26+$0x160];
	_ =	sdelay $0x1  }
.Ltmp0:
0xc7: {  	(pc) =	sbr.rel @p1 .LBB2_2-.Ltmp0, $3  }
0xc8: {  	_ =	sdelay $0x1  }
0xc9: {  	v1 =	vshra.s32 @!p2 v0, $0xE;
	v0 =	vand.u32 @!p2 $0x3FFF, v0  }
0xca: {  	[tilespmem:$0x2860] =	vst @!p2 v1  }
0xcb: {  	[tilespmem:$0x2960] =	vst @!p2 v0  }
0xcc: {  	v0 =	vld @!p2 [tilespmem:s26+$0x16D];
	_ =	sdelay $0x4  }
0xcd: {  	v1 =	vshra.s32 @!p2 v0, $0xE  }
0xce: {  	v0 =	vand.u32 @!p2 $0x3FFF, v0;
	[tilespmem:$0x286D] =	vst @!p2 v1  }
0xcf: {  	[tilespmem:$0x296D] =	vst @!p2 v0  }
0xd0: {  	[tilespmem:s31], [sflag:$0x1] =	stream.indirect.gather @!p2 [hbm4b:s1+s29], $0x80, s30, s29, $0xb8;
	[tilespmem:$0x1E280] =	vst v63  }
0xd1: {  	_ =	swait.ge [sflag:s22], $0x3E80  }
0xd2: {  	[sflag:s22] =	ssyncset.done $0x0  }
0xd3: {  	[sflag:s22] =	ssyncadd.s32 $0xFFFFC180  }
0xd4: {  	[spmem:s3] =	stream.indirect.scatter.add.f32 [tilespmem:s19], [sflag:$0x3], $0x80, s23, s15, $0xb8;
	[tilespmem:$0x1E280] =	vst v63  }
0xd5: {  	_ =	swait.ge [sflag:s13], $0x3E80  }
0xd6: {  	[sflag:s13] =	ssyncset.done $0x0  }
0xd7: {  	[sflag:s13] =	ssyncadd.s32 $0xFFFFC180  }
0xd8: {  	[bflag:$0x0] =	sbarrier.arrive $0xFFFF  }
0xd9: {  	[hbm:s9], [sflag:s6] =	dma.local [spmem:s12], $0x2700  }
0xda: {  	s24 =	sadd.s32 $0x1, s24;
	_ =	swait.ge [sflag:s13], $0x2700  }
0xdb: {  	p1 =	sne.s32 s24, s11;
	[sflag:s13] =	ssyncset.done $0x0  }
.Ltmp1:
0xdc: {  	s25 =	simm.s32 @!p0 $0x3;
	[sflag:s13] =	ssyncadd.s32 $0xFFFFD900;
	(pc) =	sbr.rel @p1 .LBB2_1-.Ltmp1, $4  }
0xdd: {  	[hbm:s10], [sflag:s6] =	dma.local @!p0 [spmem:s14], $0x100  }
0xde: {  	_ =	swait.ge @!p0 [sflag:s25], $0x100  }
0xdf: {  	[sflag:s25] =	ssyncset.done @!p0 $0x0  }
0xe0: {  	[sflag:s25] =	ssyncadd.s32 @!p0 $0xFFFFFF00  }
0xe1: {  	_ =	sfence.sel $0x180000  }
0xe2: {  	[bflag:$0x0] =	sbarrier.arrive $0xFFFF  }
0xe3: {  	p0 =	sne.s32 s0, $0x0;
	_ =	strace $0x90000047  }
0xe4: {  	s0 =	sadd.s32 @!p0 $0x100000, s2;
	[bflag:$0x2] =	sbarrier.arrive $0xFFFF  }
0xe5: {  	[sflag:s0] =	ssyncadd.tile.s32 @!p0 $0x1;
	_ =	shalt  }
.Lfunc_end2:
_tile_overlayer_lowered:
.L_overlay_start_2:
0xe6: {  	(tag) =	ssettag $0x2  }
0xe7: {  	s0 =	rddreg [dreg:$0x0];
	s2 =	stileid.u32  }
0xe8: {  	s1 =	rddreg [dreg:$0x1];
	p0 =	sne.s32 s2, $0x0  }
0xe9: {  	s3 =	rddreg [dreg:$0x2];
	[bflag:$0x3] =	sbarrier.arrive $0xFFFF;
	s2 =	simm.s32 @!p0 $0x1C03  }
0xea: {  	[timem:s3], [sflag:s2] =	dma.local @!p0 [hbm:s0], s1  }
0xeb: {  	s0 =	simm.s32 @!p0 $0x3  }
0xec: {  	_ =	swait.ge @!p0 [sflag:s0], s1  }
0xed: {  	s1 =	ssub.s32 @!p0 $0x0, s1;
	[sflag:s0] =	ssyncset.done @!p0 $0x0  }
0xee: {  	[sflag:s0] =	ssyncadd.s32 @!p0 s1  }
0xef: {  	[bflag:$0x3] =	sbarrier.arrive $0xFFFF  }
0xf0: {  	_ =	shalt  }

// kernel: kernel.9.cloned.1.call-start
scs
__scs_entry_jumppad:
0x0: {  	(pc) =	sbr.rel $0x88, $3  }
0x1: {  	(tag) =	ssettag $0x0;
	lr =	simm.s32 $0x1  }
0x2: {  	[smem:$0x3F95] =	sst lr;
	_ =	strace $0xD0000000  }
0x3: {  	_ = 	snop  }
0x4: {  	_ = 	snop  }
0x5: {  	_ = 	snop  }
0x6: {  	_ = 	snop  }
0x7: {  	_ = 	snop  }
__scs_overlays_trampoline_lowered:
0x8: {  	[smem:$0x3FA4] =	sst s0  }
0x9: {  	[smem:$0x3FA5] =	sst s1  }
0xa: {  	[smem:$0x3FA6] =	sst s2  }
0xb: {  	[smem:$0x3FA7] =	sst s3  }
0xc: {  	[smem:$0x3FA8] =	sst s4  }
0xd: {  	[smem:$0x3FA9] =	sst s5  }
0xe: {  	[smem:$0x3FAA] =	sst s6  }
0xf: {  	[smem:$0x3FAB] =	sst s7  }
0x10: {  	[smem:$0x3FAC] =	sst s8  }
0x11: {  	[smem:$0x3FAD] =	sst s9;
	s0 =	simm.s32 @!p0 $0x0  }
0x12: {  	s1 =	sld [smem:$0x3F93];
	s0 =	simm.s32 @p0 $0x1  }
0x13: {  	[smem:$0x3FAE] =	sst s0;
	s0 =	simm.s32 @!p1 $0x0  }
0x14: {  	s2 =	sld [smem:$0x3F92];
	s0 =	simm.s32 @p1 $0x1  }
0x15: {  	[smem:$0x3FAF] =	sst s0;
	s0 =	simm.s32 @!p2 $0x0  }
0x16: {  	s3 =	sld [smem:$0x3FDB];
	s0 =	simm.s32 @p2 $0x1  }
0x17: {  	s4 =	simm.s32 $0x1BF5;
	[smem:$0x3FB1] =	sst s0  }
0x18: {  	s0 =	sld [smem:$0x3F94];
	_ =	swait.ge [sflag:s4], $0x0  }
0x19: {  	s7 =	sld [smem:$0x3F95]  }
0x1a: {  	s8 =	sadd.s32 $0xFFFFE003, lr  }
0x1b: {  	s9 =	sadd.s32 $0xFFFFFEF7, lr;
	s5 =	simm.s32 $0xFFFFFFFF;
	p2 =	slt.u32 s8, $0xFFFFF086  }
0x1c: {  	p1 =	slt.u32 s9, $0xF7A;
	s5 =	simm.s32 @!p2 $0x0  }
0x1d: {  	s5 =	simm.s32 @p1 $0x1;
	p0 =	seq.s32 s7, s2  }
0x1e: {  	s7 =	smul.u32 @!p0 $0xF7A, s2;
	p2 =	seq.s32 @!p0 s5, $0x0  }
0x1f: {  	s9 =	smul.u32 $0xF7A, s1;
	s8 =	simm.s32 @!p0 $0x1BF5;
	p2 =	por !p2, p0  }
0x20: {  	[sflag:s8] =	ssyncset.s32 @!p0 $0xFFFFF086;
	s6 =	sadd.s32 @!p0 s3, s7;
	s7 =	simm.s32 @!p0 $0x108  }
0x21: {  	s3 =	sadd.s32 s3, s9;
	s6 =	sadd.s32 @!p0 $0x88, s6;
	s7 =	simm.s32 @p2 $0x1082  }
0x22: {  	[simem:s7], [sflag:s8] =	dma.local @!p0 [hbm:s6], $0xF7A  }
0x23: {  	s9 =	sor.u32 $0xD0000000, s2;
	s6 =	simm.s32 $0x108;
	_ =	swait.ge @!p0 [sflag:s8], $0x0  }
0x24: {  	s3 =	sadd.s32 $0x88, s3;
	s6 =	simm.s32 @!p1 $0x1082;
	[sflag:s4] =	ssyncset.s32 $0xFFFFF086  }
0x25: {  	[simem:s6], [sflag:s4] =	dma.local [hbm:s3], $0xF7A  }
0x26: {  	[smem:$0x3F95] =	sst s1;
	(tag) =	ssettag s2;
	_ =	strace s9  }
0x27: {  	s1 =	sld [smem:$0x3FA5]  }
0x28: {  	s2 =	sld [smem:$0x3FA6]  }
0x29: {  	s4 =	sld [smem:$0x3FA8]  }
0x2a: {  	p0 =	seq.s32 s5, $0x0;
	s5 =	sld [smem:$0x3FA9]  }
0x2b: {  	s6 =	sld [smem:$0x3FAA]  }
0x2c: {  	s7 =	sld [smem:$0x3FAB]  }
0x2d: {  	s3 =	simm.s32 $0x108;
	s8 =	sld [smem:$0x3FAC]  }
0x2e: {  	s3 =	simm.s32 @!p0 $0x1082;
	s9 =	sld [smem:$0x3FAD]  }
0x2f: {  	lr =	sadd.s32 s0, s3;
	s0 =	sld [smem:$0x3FA4]  }
0x30: {  	s3 =	sld [smem:$0x3FA7]  }
0x31: {  	[smem:$0x3FB0] =	sst s10  }
0x32: {  	s10 =	sld [smem:$0x3FAE];
	_ =	sdelay $0x3  }
0x33: {  	p0 =	seq.s32 s10, $0x1;
	s10 =	sld [smem:$0x3FB0];
	_ =	sdelay $0x3  }
0x34: {  	[smem:$0x3FB0] =	sst s10  }
0x35: {  	s10 =	sld [smem:$0x3FAF];
	_ =	sdelay $0x3  }
0x36: {  	p1 =	seq.s32 s10, $0x1;
	s10 =	sld [smem:$0x3FB0];
	_ =	sdelay $0x3  }
0x37: {  	[smem:$0x3FB0] =	sst s10  }
0x38: {  	s10 =	sld [smem:$0x3FB1]  }
0x39: {  	_ = 	snop;
	(pc) =	sbr.ind lr, $3  }
0x3a: {  	_ = 	snop  }
0x3b: {  	_ = 	snop  }
0x3c: {  	p2 =	seq.s32 s10, $0x1;
	s10 =	sld [smem:$0x3FB0]  }
0x3d: {  	_ =	shalt  }
0x3e: {  	_ =	shalt  }
0x3f: {  	_ =	shalt  }
0x40: {  	_ =	shalt  }
0x41: {  	_ =	shalt  }
0x42: {  	_ =	shalt  }
0x43: {  	_ =	shalt  }
0x44: {  	_ =	shalt  }
0x45: {  	_ =	shalt  }
0x46: {  	_ =	shalt  }
0x47: {  	_ =	shalt  }
0x48: {  	_ =	shalt  }
0x49: {  	_ =	shalt  }
0x4a: {  	_ =	shalt  }
0x4b: {  	_ =	shalt  }
0x4c: {  	_ =	shalt  }
0x4d: {  	_ =	shalt  }
0x4e: {  	_ =	shalt  }
0x4f: {  	_ =	shalt  }
0x50: {  	_ =	shalt  }
0x51: {  	_ =	shalt  }
0x52: {  	_ =	shalt  }
0x53: {  	_ =	shalt  }
0x54: {  	_ =	shalt  }
0x55: {  	_ =	shalt  }
0x56: {  	_ =	shalt  }
0x57: {  	_ =	shalt  }
0x58: {  	_ =	shalt  }
0x59: {  	_ =	shalt  }
0x5a: {  	_ =	shalt  }
0x5b: {  	_ =	shalt  }
0x5c: {  	_ =	shalt  }
0x5d: {  	_ =	shalt  }
0x5e: {  	_ =	shalt  }
0x5f: {  	_ =	shalt  }
0x60: {  	_ =	shalt  }
0x61: {  	_ =	shalt  }
0x62: {  	_ =	shalt  }
0x63: {  	_ =	shalt  }
0x64: {  	_ =	shalt  }
0x65: {  	_ =	shalt  }
0x66: {  	_ =	shalt  }
0x67: {  	_ =	shalt  }
0x68: {  	_ =	shalt  }
0x69: {  	_ =	shalt  }
0x6a: {  	_ =	shalt  }
0x6b: {  	_ =	shalt  }
0x6c: {  	_ =	shalt  }
0x6d: {  	_ =	shalt  }
0x6e: {  	_ =	shalt  }
0x6f: {  	_ =	shalt  }
0x70: {  	_ =	shalt  }
0x71: {  	_ =	shalt  }
0x72: {  	_ =	shalt  }
0x73: {  	_ =	shalt  }
0x74: {  	_ =	shalt  }
0x75: {  	_ =	shalt  }
0x76: {  	_ =	shalt  }
0x77: {  	_ =	shalt  }
0x78: {  	_ =	shalt  }
0x79: {  	_ =	shalt  }
0x7a: {  	_ =	shalt  }
0x7b: {  	_ =	shalt  }
0x7c: {  	_ =	shalt  }
0x7d: {  	_ =	shalt  }
0x7e: {  	_ =	shalt  }
0x7f: {  	_ =	shalt  }
0x80: {  	_ =	shalt  }
0x81: {  	_ =	shalt  }
0x82: {  	_ =	shalt  }
0x83: {  	_ =	shalt  }
0x84: {  	_ =	shalt  }
0x85: {  	_ =	shalt  }
0x86: {  	_ =	shalt  }
0x87: {  	_ =	shalt  }
.Lfunc_end0:
.L_simem_size_0:
called_computation.1_lowered:
.L_overlay_start_0:
0x88: {  	s2 =	sld [smem:$0x3FD9]  }
0x89: {  	s3 =	sld [smem:$0x3FFE];
	_ =	sdelay $0x1  }
0x8a: {  	s1 =	srdreg.scid  }
0x8b: {  	s0 =	sand.u32 $0x1, s1  }
0x8c: {  	s17 =	sshll.u32 s0, $0xA;
	s2 =	sadd.s32 s3, s2  }
0x8d: {  	s2 =	sadd.s32 s2, s17  }
0x8e: {  	[smem:$0x3FBC] =	sst s2  }
0x8f: {  	_ = 	snop  }
0x90: {  	s2 =	sld [smem:$0x3FD0];
	(tm) =	ssettm $0x1  }
0x91: {  	s18 =	sld [smem:$0x3FFB];
	_ =	sdelay $0x3  }
0x92: {  	_ =	strace s18  }
0x93: {  	s3 =	sld [smem:$0x3FFC];
	_ =	sdelay $0x3  }
0x94: {  	_ =	strace s3  }
0x95: {  	s3 =	sld [smem:$0x3FFD];
	_ =	sdelay $0x3  }
0x96: {  	_ =	strace s3  }
0x97: {  	_ =	strace $0x8FFFFFFF  }
0x98: {  	s19 =	sld [smem:$0x3FDB];
	_ =	sdelay $0x1  }
0x99: {  	s4 =	simm.s32 $_scs_section_size  }
0x9a: {  	s5 =	simm.s32 $_size__tile_overlayer_lowered;
	s6 =	simm.s32 $_tile_overlayer_lowered  }
0x9b: {  	s22 =	simm.s32 $0x1BFF;
	s21 =	sshll.u32 s6, $0x1;
	s3 =	sadd.s32 s4, s19  }
0x9c: {  	s7 =	simm.s32 $0x0;
	s20 =	sshll.u32 s5, $0x1;
	s5 =	sadd.s32 s21, s3  }
0x9d: {  	[timem:s7], [sflag:s22] =	dma.local [hbm:s5], s20  }
0x9e: {  	_ =	swait.ge [sflag:s22], s20  }
0x9f: {  	s4 =	ssub.s32 $0x0, s20;
	[sflag:s22] =	ssyncset.done $0x0  }
0xa0: {  	[sflag:s22] =	ssyncadd.s32 s4;
	_ =	sdelay $0x1  }
0xa1: {  	s23 =	simm.s32 $0x1B8B  }
0xa2: {  	_ =	swait.ge [sflag:s23], $0x1  }
0xa3: {  	[sflag:s23] =	ssyncset.done $0x0  }
0xa4: {  	s25 =	simm.s32 $0x1B8E;
	s24 =	sld [smem:$0x3FFE];
	[sflag:s23] =	ssyncadd.s32 $0xFFFFFFFF  }
0xa5: {  	s26 =	simm.s32 $execute0_lowered;
	[smem:$0x3FD2] =	sst s25  }
0xa6: {  	s5 =	sshll.u32 s26, $0x1;
	_ =	strace $0x80000049;
	[dreg:$0x1] =	wrdreg $0xFFFFFFFF  }
0xa7: {  	s28 =	simm.s32 $_size_execute0_lowered;
	s3 =	sadd.s32 s3, s5;
	[dreg:$0x0] =	wrdreg $0x0  }
0xa8: {  	s5 =	sshll.u32 s28, $0x1;
	[dreg:$0x2] =	wrdreg s3  }
0xa9: {  	[dreg:$0x3] =	wrdreg s5  }
0xaa: {  	[dreg:$0x4] =	wrdreg $0xC0  }
0xab: {  	_ =	task [dreg:s7], $0x5FFFF  }
0xac: {  	[dreg:$0x1] =	wrdreg $0xFFFFFFFF  }
0xad: {  	[dreg:$0x0] =	wrdreg $0x60  }
0xae: {  	[dreg:$0x2] =	wrdreg s24  }
0xaf: {  	[dreg:$0x3] =	wrdreg s2  }
0xb0: {  	[dreg:$0x4] =	wrdreg $0xAA000  }
0xb1: {  	[dreg:$0x5] =	wrdreg $0x9  }
0xb2: {  	_ =	task.clear_ibuf [dreg:s7], $0x6FFFF;
	_ =	strace $0x90000049  }
0xb3: {  	s29 =	simm.s32 $0x9;
	_ =	strace $0x8000004B  }
0xb4: {  	_ =	swait.ge [sflag:s29], $0x1  }
0xb5: {  	[sflag:s29] =	ssyncadd.s32 $0xFFFFFFFF  }
0xb6: {  	_ =	strace $0x9000004B  }
0xb7: {  	_ =	sfence  }
0xb8: {  	s30 =	sld [smem:$0x0];
	_ =	sdelay $0x2  }
0xb9: {  	s31 =	sshll.u32 s1, $0xD;
	s1 =	sshrl.u32 s1, $0x2  }
0xba: {  	s3 =	sand.u32 $0x4000, s31;
	s1 =	sadd.s32 s1, s30  }
0xbb: {  	s0 =	sor.u32 s3, s0;
	s1 =	sshll.u32 s1, $0x11  }
0xbc: {  	s0 =	sor.u32 s1, s0  }
0xbd: {  	s0 =	sadd.s32 $0x8F2B, s0  }
0xbe: {  	[sflag:s0] =	ssyncadd.remote.s32 $0x1  }
0xbf: {  	_ =	sfence.sel $0xFFFF  }
0xc0: {  	[dreg:$0x0] =	wrdreg $0xFFFFFFFF;
	(pc) =	sbr.abs _section_cstart, $3  }
0xc1: {  	[dreg:$0x1] =	wrdreg $0xFFFFFFFF  }
0xc2: {  	_ =	task.clear_ibuf [dreg:s7], $0x2FFFF;
	_ =	strace $0x9FFFFFFF  }
0xc3: {  	(tm) =	ssettm $0x7FFFFFFF  }
tec
execute0_lowered:
.L_overlay_start_1:
0x0: {  	(tag) =	ssettag $0x1  }
0x1: {  	s5 =	rddreg [dreg:$0x0]  }
0x2: {  	s7 =	rddreg [dreg:$0x1]  }
0x3: {  	s2 =	rddreg [dreg:$0x2]  }
0x4: {  	s0 =	rddreg [dreg:$0x3]  }
0x5: {  	s4 =	srdreg.scid;
	s1 =	stileid.u32;
	s3 =	simm.s32 $0x0  }
0x6: {  	s17 =	simm.s32 $0x2A00;
	s18 =	simm.s32 $0x2880;
	s19 =	simm.s32 $0x6A00  }
0x7: {  	s20 =	simm.s32 $0x1;
	s21 =	simm.s32 $0x2900;
	s22 =	simm.s32 $0x2  }
0x8: {  	s23 =	simm.s32 $0x2980;
	s24 =	simm.s32 $0x0;
	s6 =	sand.u32 $0x1, s4  }
0x9: {  	s25 =	sshll.u32 s1, $0x1;
	[smem:$0x7FF] =	sst s3;
	s10 =	smul.u32 $0x4E000, s1  }
0xa: {  	s12 =	smul.u32 $0x13800, s1;
	s13 =	sadd.s32 $0x33600, s5;
	s29 =	sshll.u32 s1, $0x6  }
0xb: {  	s16 =	sadd.s32 $0x138000, s2;
	p0 =	sne.s32 s1, $0xF;
	s4 =	sor.u32 s6, s25  }
0xc: {  	_ =	strace $0x8000004A;
	s9 =	ssub.s32 $0x2, s6;
	s14 =	smul.u32 $0x138800, s6  }
0xd: {  	s6 =	sor.u32 $0x1C03, s29;
	s8 =	smul.u32 $0x500, s4;
	s4 =	sadd.s32 $0xC400, s5  }
0xe: {  	s11 =	sshrl.u32 s9, $0x1;
	s26 =	sshrl.u32 s10, $0x2;
	s28 =	sshrl.u32 s12, $0x3  }
0xf: {  	s11 =	ssub.s32 s9, s11;
	s15 =	sadd.s32 s26, s2;
	s30 =	sadd.s32 s12, s14  }
0x10: {  	s31 =	sshrl.u32 s14, $0x3;
	s14 =	sshrl.u32 @!p0 s16, $0x3;
	s16 =	simm.s32 $0x2800  }
0x11: {  	s8 =	sadd.s32 s8, s5;
	s5 =	sadd.s32 s7, s28;
	s7 =	sadd.s32 $0x27000, s7  }
0x12: {  	s9 =	sshrl.u32 s30, $0x3;
	s10 =	sadd.s32 s13, s31;
	s11 =	smax.u32 s11, $0x1  }
0x13: {  	s12 =	sshrl.u32 s15, $0x3;
	s15 =	simm.s32 $0x7D;
	s8 =	sadd.s32 $0x2400, s8  }
0x14: {  	s9 =	sadd.s32 s13, s9;
	s10 =	sadd.s32 $0x27000, s10;
	s13 =	simm.s32 $0x3  }
.LBB2_1:
0x15: {  	[spmem:s12], [sflag:s6] =	dma.local [hbm:s5], $0x2700  }
0x16: {  	_ =	swait.ge [sflag:s13], $0x2700  }
0x17: {  	[sflag:s13] =	ssyncset.done $0x0  }
0x18: {  	s25 =	simm.s32 @!p0 $0x3;
	[sflag:s13] =	ssyncadd.s32 $0xFFFFD900  }
0x19: {  	[spmem:s14], [sflag:s6] =	dma.local @!p0 [hbm:s7], $0x100  }
0x1a: {  	_ =	swait.ge @!p0 [sflag:s25], $0x100  }
0x1b: {  	[sflag:s25] =	ssyncset.done @!p0 $0x0  }
0x1c: {  	[sflag:s25] =	ssyncadd.s32 @!p0 $0xFFFFFF00  }
0x1d: {  	[tilespmem:s3], [sflag:$0x3] =	stream.linear.gather [hbm4b:s8+s3], $0x2800, $0x38;
	[tilespmem:$0x1E280] =	vst v63  }
0x1e: {  	_ =	swait.ge [sflag:s13], $0x2800  }
0x1f: {  	[sflag:s13] =	ssyncset.done $0x0  }
0x20: {  	[sflag:s13] =	ssyncadd.s32 $0xFFFFD800  }
0x21: {  	[bflag:$0x0] =	sbarrier.arrive $0xFFFF  }
0x22: {  	v0 =	vld [tilespmem:$0x0];
	_ =	sdelay $0x1  }
0x23: {  	v1 =	vld [tilespmem:$0x10];
	_ =	sdelay $0x1  }
0x24: {  	v2 =	vld [tilespmem:$0x20]  }
0x25: {  	v3 =	vshra.s32 v0, $0xE  }
0x26: {  	v0 =	vand.u32 $0x3FFF, v0;
	[tilespmem:$0x2800] =	vst v3;
	v3 =	vld [tilespmem:$0x30]  }
0x27: {  	[tilespmem:$0x2900] =	vst v0;
	v0 =	vshra.s32 v1, $0xE  }
0x28: {  	[tilespmem:$0x2810] =	vst v0;
	v0 =	vand.u32 $0x3FFF, v1;
	v1 =	vld [tilespmem:$0x40]  }
0x29: {  	[tilespmem:$0x2910] =	vst v0;
	v0 =	vshra.s32 v2, $0xE  }
0x2a: {  	[tilespmem:$0x2820] =	vst v0;
	v0 =	vand.u32 $0x3FFF, v2;
	v2 =	vld [tilespmem:$0x50]  }
0x2b: {  	[tilespmem:$0x2920] =	vst v0;
	v0 =	vshra.s32 v3, $0xE  }
0x2c: {  	[tilespmem:$0x2830] =	vst v0;
	v0 =	vand.u32 $0x3FFF, v3;
	v3 =	vld [tilespmem:$0x60]  }
0x2d: {  	[tilespmem:$0x2930] =	vst v0;
	v0 =	vshra.s32 v1, $0xE  }
0x2e: {  	[tilespmem:$0x2840] =	vst v0;
	v0 =	vand.u32 $0x3FFF, v1;
	v1 =	vld [tilespmem:$0x6D]  }
0x2f: {  	[tilespmem:$0x2940] =	vst v0;
	v0 =	vshra.s32 v2, $0xE  }
0x30: {  	[tilespmem:$0x2850] =	vst v0;
	v0 =	vand.u32 $0x3FFF, v2  }
0x31: {  	[tilespmem:$0x2950] =	vst v0;
	v0 =	vshra.s32 v3, $0xE  }
0x32: {  	[tilespmem:$0x2860] =	vst v0;
	v0 =	vand.u32 $0x3FFF, v3  }
0x33: {  	[tilespmem:$0x2960] =	vst v0;
	v0 =	vshra.s32 v1, $0xE  }
0x34: {  	[tilespmem:$0x286D] =	vst v0;
	v0 =	vand.u32 $0x3FFF, v1  }
0x35: {  	s28 =	simm.s32 $0x0;
	[tilespmem:$0x296D] =	vst v0  }
0x36: {  	[tilespmem:s17], [sflag:$0x1] =	stream.indirect.gather [hbm4b:s4+s15], $0x80, s16, s15, $0xb8;
	[tilespmem:$0x1E280] =	vst v63  }
0x37: {  	v0 =	vld [tilespmem:s28+$0x80];
	_ =	sdelay $0x4  }
0x38: {  	v1 =	vshra.s32 v0, $0xE  }
0x39: {  	v0 =	vand.u32 $0x3FFF, v0;
	[tilespmem:$0x2880] =	vst v1  }
0x3a: {  	[tilespmem:$0x2980] =	vst v0  }
0x3b: {  	v0 =	vld [tilespmem:s28+$0x90];
	_ =	sdelay $0x4  }
0x3c: {  	v1 =	vshra.s32 v0, $0xE  }
0x3d: {  	v0 =	vand.u32 $0x3FFF, v0;
	[tilespmem:$0x2890] =	vst v1  }
0x3e: {  	[tilespmem:$0x2990] =	vst v0  }
0x3f: {  	v0 =	vld [tilespmem:s28+$0xA0];
	_ =	sdelay $0x4  }
0x40: {  	v1 =	vshra.s32 v0, $0xE  }
0x41: {  	v0 =	vand.u32 $0x3FFF, v0;
	[tilespmem:$0x28A0] =	vst v1  }
0x42: {  	[tilespmem:$0x29A0] =	vst v0  }
0x43: {  	v0 =	vld [tilespmem:s28+$0xB0];
	_ =	sdelay $0x4  }
0x44: {  	v1 =	vshra.s32 v0, $0xE  }
0x45: {  	v0 =	vand.u32 $0x3FFF, v0;
	[tilespmem:$0x28B0] =	vst v1  }
0x46: {  	[tilespmem:$0x29B0] =	vst v0  }
0x47: {  	v0 =	vld [tilespmem:s28+$0xC0];
	_ =	sdelay $0x4  }
0x48: {  	v1 =	vshra.s32 v0, $0xE  }
0x49: {  	v0 =	vand.u32 $0x3FFF, v0;
	[tilespmem:$0x28C0] =	vst v1  }
0x4a: {  	[tilespmem:$0x29C0] =	vst v0  }
0x4b: {  	v0 =	vld [tilespmem:s28+$0xD0];
	_ =	sdelay $0x4  }
0x4c: {  	v1 =	vshra.s32 v0, $0xE  }
0x4d: {  	v0 =	vand.u32 $0x3FFF, v0;
	[tilespmem:$0x28D0] =	vst v1  }
0x4e: {  	[tilespmem:$0x29D0] =	vst v0  }
0x4f: {  	v0 =	vld [tilespmem:s28+$0xE0];
	_ =	sdelay $0x4  }
0x50: {  	v1 =	vshra.s32 v0, $0xE  }
0x51: {  	v0 =	vand.u32 $0x3FFF, v0;
	[tilespmem:$0x28E0] =	vst v1  }
0x52: {  	[tilespmem:$0x29E0] =	vst v0  }
0x53: {  	v0 =	vld [tilespmem:s28+$0xED];
	_ =	sdelay $0x4  }
0x54: {  	v1 =	vshra.s32 v0, $0xE  }
0x55: {  	v0 =	vand.u32 $0x3FFF, v0;
	[tilespmem:$0x28ED] =	vst v1  }
0x56: {  	[tilespmem:$0x29ED] =	vst v0  }
0x57: {  	[tilespmem:s19], [sflag:$0x2] =	stream.indirect.gather [hbm4b:s4+s15], $0x80, s18, s15, $0xb8;
	[tilespmem:$0x1E280] =	vst v63  }
0x58: {  	_ =	swait.ge [sflag:s20], $0x3E80  }
0x59: {  	[sflag:s20] =	ssyncset.done $0x0  }
0x5a: {  	[sflag:s20] =	ssyncadd.s32 $0xFFFFC180  }
0x5b: {  	[spmem:s2] =	stream.indirect.scatter.add.f32 [tilespmem:s17], [sflag:$0x3], $0x80, s21, s15, $0xb8;
	[tilespmem:$0x1E280] =	vst v63  }
0x5c: {  	_ =	swait.ge [sflag:s13], $0x3E80  }
0x5d: {  	p2 =	por $0x0, $0x0;
	[sflag:s13] =	ssyncset.done $0x0  }
0x5e: {  	s26 =	simm.s32 @!p2 $0x0;
	[sflag:s13] =	ssyncadd.s32 $0xFFFFC180  }
0x5f: {  	v0 =	vld @!p2 [tilespmem:s26+$0x100];
	_ =	sdelay $0x4  }
0x60: {  	v1 =	vshra.s32 @!p2 v0, $0xE  }
0x61: {  	v0 =	vand.u32 @!p2 $0x3FFF, v0;
	[tilespmem:$0x2800] =	vst @!p2 v1  }
0x62: {  	[tilespmem:$0x2900] =	vst @!p2 v0  }
0x63: {  	v0 =	vld @!p2 [tilespmem:s26+$0x110];
	_ =	sdelay $0x4  }
0x64: {  	v1 =	vshra.s32 @!p2 v0, $0xE  }
0x65: {  	v0 =	vand.u32 @!p2 $0x3FFF, v0;
	[tilespmem:$0x2810] =	vst @!p2 v1  }
0x66: {  	[tilespmem:$0x2910] =	vst @!p2 v0  }
0x67: {  	v0 =	vld @!p2 [tilespmem:s26+$0x120];
	_ =	sdelay $0x4  }
0x68: {  	v1 =	vshra.s32 @!p2 v0, $0xE  }
0x69: {  	v0 =	vand.u32 @!p2 $0x3FFF, v0;
	[tilespmem:$0x2820] =	vst @!p2 v1  }
0x6a: {  	[tilespmem:$0x2920] =	vst @!p2 v0  }
0x6b: {  	v0 =	vld @!p2 [tilespmem:s26+$0x130];
	_ =	sdelay $0x4  }
0x6c: {  	v1 =	vshra.s32 @!p2 v0, $0xE  }
0x6d: {  	v0 =	vand.u32 @!p2 $0x3FFF, v0;
	[tilespmem:$0x2830] =	vst @!p2 v1  }
0x6e: {  	[tilespmem:$0x2930] =	vst @!p2 v0  }
0x6f: {  	v0 =	vld @!p2 [tilespmem:s26+$0x140];
	_ =	sdelay $0x4  }
0x70: {  	v1 =	vshra.s32 @!p2 v0, $0xE  }
0x71: {  	v0 =	vand.u32 @!p2 $0x3FFF, v0;
	[tilespmem:$0x2840] =	vst @!p2 v1  }
0x72: {  	[tilespmem:$0x2940] =	vst @!p2 v0  }
0x73: {  	v0 =	vld @!p2 [tilespmem:s26+$0x150];
	_ =	sdelay $0x4  }
0x74: {  	v1 =	vshra.s32 @!p2 v0, $0xE  }
0x75: {  	v0 =	vand.u32 @!p2 $0x3FFF, v0;
	[tilespmem:$0x2850] =	vst @!p2 v1  }
0x76: {  	[tilespmem:$0x2950] =	vst @!p2 v0  }
0x77: {  	v0 =	vld @!p2 [tilespmem:s26+$0x160];
	_ =	sdelay $0x4  }
0x78: {  	s29 =	simm.s32 @!p2 $0x7D;
	v1 =	vshra.s32 @!p2 v0, $0xE  }
0x79: {  	s30 =	simm.s32 @!p2 $0x2800;
	s31 =	simm.s32 @!p2 $0x2A00;
	s25 =	simm.s32 $0x400;
	v0 =	vand.u32 @!p2 $0x3FFF, v0;
	[tilespmem:$0x2860] =	vst @!p2 v1  }
.LBB2_2:
0x7a: {  	[tilespmem:$0x2960] =	vst @!p2 v0;
	s28 =	smov.u32 s25;
	s25 =	sadd.s32 $0x400, s25  }
0x7b: {  	p1 =	sne.s32 s25, $0xA000;
	v0 =	vld @!p2 [tilespmem:s26+$0x16D];
	_ =	sdelay $0x4  }
0x7c: {  	v1 =	vshra.s32 @!p2 v0, $0xE;
	v0 =	vand.u32 @!p2 $0x3FFF, v0  }
0x7d: {  	[tilespmem:$0x286D] =	vst @!p2 v1  }
0x7e: {  	[tilespmem:$0x296D] =	vst @!p2 v0  }
0x7f: {  	[tilespmem:s31], [sflag:$0x1] =	stream.indirect.gather @!p2 [hbm4b:s4+s29], $0x80, s30, s29, $0xb8;
	[tilespmem:$0x1E280] =	vst v63  }
0x80: {  	_ =	swait.ge [sflag:s22], $0x3E80  }
0x81: {  	[sflag:s22] =	ssyncset.done $0x0  }
0x82: {  	[sflag:s22] =	ssyncadd.s32 $0xFFFFC180  }
0x83: {  	[spmem:s2] =	stream.indirect.scatter.add.f32 [tilespmem:s19], [sflag:$0x3], $0x80, s23, s15, $0xb8;
	[tilespmem:$0x1E280] =	vst v63  }
0x84: {  	_ =	swait.ge [sflag:s13], $0x3E80  }
0x85: {  	[sflag:s13] =	ssyncset.done $0x0  }
0x86: {  	s26 =	sshra.s32 s28, $0x2;
	[sflag:s13] =	ssyncadd.s32 $0xFFFFC180  }
0x87: {  	v0 =	vld [tilespmem:s26+$0x80];
	_ =	sdelay $0x4  }
0x88: {  	v1 =	vshra.s32 v0, $0xE;
	v0 =	vand.u32 $0x3FFF, v0  }
0x89: {  	[tilespmem:$0x2880] =	vst v1  }
0x8a: {  	[tilespmem:$0x2980] =	vst v0  }
0x8b: {  	v0 =	vld [tilespmem:s26+$0x90];
	_ =	sdelay $0x4  }
0x8c: {  	v1 =	vshra.s32 v0, $0xE;
	v0 =	vand.u32 $0x3FFF, v0  }
0x8d: {  	[tilespmem:$0x2890] =	vst v1  }
0x8e: {  	[tilespmem:$0x2990] =	vst v0  }
0x8f: {  	v0 =	vld [tilespmem:s26+$0xA0];
	_ =	sdelay $0x4  }
0x90: {  	v1 =	vshra.s32 v0, $0xE;
	v0 =	vand.u32 $0x3FFF, v0  }
0x91: {  	[tilespmem:$0x28A0] =	vst v1  }
0x92: {  	[tilespmem:$0x29A0] =	vst v0  }
0x93: {  	v0 =	vld [tilespmem:s26+$0xB0];
	_ =	sdelay $0x4  }
0x94: {  	v1 =	vshra.s32 v0, $0xE;
	v0 =	vand.u32 $0x3FFF, v0  }
0x95: {  	[tilespmem:$0x28B0] =	vst v1  }
0x96: {  	[tilespmem:$0x29B0] =	vst v0  }
0x97: {  	v0 =	vld [tilespmem:s26+$0xC0];
	_ =	sdelay $0x4  }
0x98: {  	v1 =	vshra.s32 v0, $0xE;
	v0 =	vand.u32 $0x3FFF, v0  }
0x99: {  	[tilespmem:$0x28C0] =	vst v1  }
0x9a: {  	[tilespmem:$0x29C0] =	vst v0  }
0x9b: {  	v0 =	vld [tilespmem:s26+$0xD0];
	_ =	sdelay $0x4  }
0x9c: {  	v1 =	vshra.s32 v0, $0xE;
	v0 =	vand.u32 $0x3FFF, v0  }
0x9d: {  	[tilespmem:$0x28D0] =	vst v1  }
0x9e: {  	[tilespmem:$0x29D0] =	vst v0  }
0x9f: {  	v0 =	vld [tilespmem:s26+$0xE0];
	_ =	sdelay $0x4  }
0xa0: {  	v1 =	vshra.s32 v0, $0xE;
	v0 =	vand.u32 $0x3FFF, v0  }
0xa1: {  	[tilespmem:$0x28E0] =	vst v1  }
0xa2: {  	[tilespmem:$0x29E0] =	vst v0  }
0xa3: {  	v0 =	vld [tilespmem:s26+$0xED];
	_ =	sdelay $0x4  }
0xa4: {  	v1 =	vshra.s32 v0, $0xE;
	v0 =	vand.u32 $0x3FFF, v0  }
0xa5: {  	p2 =	seq.s32 s28, $0x9C00;
	[tilespmem:$0x28ED] =	vst v1  }
0xa6: {  	s26 =	sshra.s32 @!p2 s28, $0x2;
	[tilespmem:$0x29ED] =	vst v0  }
0xa7: {  	[tilespmem:s19], [sflag:$0x2] =	stream.indirect.gather [hbm4b:s4+s15], $0x80, s18, s15, $0xb8;
	[tilespmem:$0x1E280] =	vst v63  }
0xa8: {  	_ =	swait.ge [sflag:s20], $0x3E80  }
0xa9: {  	[sflag:s20] =	ssyncset.done $0x0  }
0xaa: {  	[sflag:s20] =	ssyncadd.s32 $0xFFFFC180  }
0xab: {  	[spmem:s2] =	stream.indirect.scatter.add.f32 [tilespmem:s17], [sflag:$0x3], $0x80, s21, s15, $0xb8;
	[tilespmem:$0x1E280] =	vst v63  }
0xac: {  	_ =	swait.ge [sflag:s13], $0x3E80  }
0xad: {  	[sflag:s13] =	ssyncset.done $0x0  }
0xae: {  	[sflag:s13] =	ssyncadd.s32 $0xFFFFC180  }
0xaf: {  	v0 =	vld @!p2 [tilespmem:s26+$0x100];
	_ =	sdelay $0x4  }
0xb0: {  	v1 =	vshra.s32 @!p2 v0, $0xE;
	v0 =	vand.u32 @!p2 $0x3FFF, v0  }
0xb1: {  	[tilespmem:$0x2800] =	vst @!p2 v1  }
0xb2: {  	[tilespmem:$0x2900] =	vst @!p2 v0  }
0xb3: {  	v0 =	vld @!p2 [tilespmem:s26+$0x110];
	_ =	sdelay $0x4  }
0xb4: {  	v1 =	vshra.s32 @!p2 v0, $0xE;
	v0 =	vand.u32 @!p2 $0x3FFF, v0  }
0xb5: {  	[tilespmem:$0x2810] =	vst @!p2 v1  }
0xb6: {  	[tilespmem:$0x2910] =	vst @!p2 v0  }
0xb7: {  	v0 =	vld @!p2 [tilespmem:s26+$0x120];
	_ =	sdelay $0x4  }
0xb8: {  	v1 =	vshra.s32 @!p2 v0, $0xE;
	v0 =	vand.u32 @!p2 $0x3FFF, v0  }
0xb9: {  	[tilespmem:$0x2820] =	vst @!p2 v1  }
0xba: {  	[tilespmem:$0x2920] =	vst @!p2 v0  }
0xbb: {  	v0 =	vld @!p2 [tilespmem:s26+$0x130];
	_ =	sdelay $0x4  }
0xbc: {  	v1 =	vshra.s32 @!p2 v0, $0xE;
	v0 =	vand.u32 @!p2 $0x3FFF, v0  }
0xbd: {  	[tilespmem:$0x2830] =	vst @!p2 v1  }
0xbe: {  	[tilespmem:$0x2930] =	vst @!p2 v0  }
0xbf: {  	v0 =	vld @!p2 [tilespmem:s26+$0x140];
	_ =	sdelay $0x4  }
0xc0: {  	v1 =	vshra.s32 @!p2 v0, $0xE;
	v0 =	vand.u32 @!p2 $0x3FFF, v0  }
0xc1: {  	[tilespmem:$0x2840] =	vst @!p2 v1  }
0xc2: {  	[tilespmem:$0x2940] =	vst @!p2 v0  }
0xc3: {  	v0 =	vld @!p2 [tilespmem:s26+$0x150];
	_ =	sdelay $0x4  }
0xc4: {  	v1 =	vshra.s32 @!p2 v0, $0xE;
	v0 =	vand.u32 @!p2 $0x3FFF, v0  }
0xc5: {  	[tilespmem:$0x2850] =	vst @!p2 v1  }
0xc6: {  	s29 =	simm.s32 @!p2 $0x7D;
	s30 =	simm.s32 @!p2 $0x2800;
	s31 =	simm.s32 @!p2 $0x2A00;
	[tilespmem:$0x2950] =	vst @!p2 v0  }
0xc7: {  	v0 =	vld @!p2 [tilespmem:s26+$0x160];
	_ =	sdelay $0x1  }
.Ltmp0:
0xc8: {  	(pc) =	sbr.rel @p1 .LBB2_2-.Ltmp0, $3  }
0xc9: {  	_ =	sdelay $0x1  }
0xca: {  	v1 =	vshra.s32 @!p2 v0, $0xE;
	v0 =	vand.u32 @!p2 $0x3FFF, v0  }
0xcb: {  	[tilespmem:$0x2860] =	vst @!p2 v1  }
0xcc: {  	[tilespmem:$0x2960] =	vst @!p2 v0  }
0xcd: {  	v0 =	vld @!p2 [tilespmem:s26+$0x16D];
	_ =	sdelay $0x4  }
0xce: {  	v1 =	vshra.s32 @!p2 v0, $0xE  }
0xcf: {  	v0 =	vand.u32 @!p2 $0x3FFF, v0;
	[tilespmem:$0x286D] =	vst @!p2 v1  }
0xd0: {  	[tilespmem:$0x296D] =	vst @!p2 v0  }
0xd1: {  	[tilespmem:s31], [sflag:$0x1] =	stream.indirect.gather @!p2 [hbm4b:s4+s29], $0x80, s30, s29, $0xb8;
	[tilespmem:$0x1E280] =	vst v63  }
0xd2: {  	_ =	swait.ge [sflag:s22], $0x3E80  }
0xd3: {  	[sflag:s22] =	ssyncset.done $0x0  }
0xd4: {  	[sflag:s22] =	ssyncadd.s32 $0xFFFFC180  }
0xd5: {  	[spmem:s2] =	stream.indirect.scatter.add.f32 [tilespmem:s19], [sflag:$0x3], $0x80, s23, s15, $0xb8;
	[tilespmem:$0x1E280] =	vst v63  }
0xd6: {  	_ =	swait.ge [sflag:s13], $0x3E80  }
0xd7: {  	[sflag:s13] =	ssyncset.done $0x0  }
0xd8: {  	[sflag:s13] =	ssyncadd.s32 $0xFFFFC180  }
0xd9: {  	[bflag:$0x0] =	sbarrier.arrive $0xFFFF  }
0xda: {  	[hbm:s9], [sflag:s6] =	dma.local [spmem:s12], $0x2700  }
0xdb: {  	s24 =	sadd.s32 $0x1, s24;
	_ =	swait.ge [sflag:s13], $0x2700  }
0xdc: {  	p1 =	sne.s32 s24, s11;
	[sflag:s13] =	ssyncset.done $0x0  }
.Ltmp1:
0xdd: {  	s25 =	simm.s32 @!p0 $0x3;
	[sflag:s13] =	ssyncadd.s32 $0xFFFFD900;
	(pc) =	sbr.rel @p1 .LBB2_1-.Ltmp1, $4  }
0xde: {  	[hbm:s10], [sflag:s6] =	dma.local @!p0 [spmem:s14], $0x100  }
0xdf: {  	_ =	swait.ge @!p0 [sflag:s25], $0x100  }
0xe0: {  	[sflag:s25] =	ssyncset.done @!p0 $0x0  }
0xe1: {  	[sflag:s25] =	ssyncadd.s32 @!p0 $0xFFFFFF00  }
0xe2: {  	_ =	sfence.sel $0x180000  }
0xe3: {  	[bflag:$0x0] =	sbarrier.arrive $0xFFFF  }
0xe4: {  	p0 =	sne.s32 s1, $0x0;
	_ =	strace $0x9000004A  }
0xe5: {  	s0 =	sadd.s32 @!p0 $0x100000, s0;
	[bflag:$0x2] =	sbarrier.arrive $0xFFFF  }
0xe6: {  	[sflag:s0] =	ssyncadd.tile.s32 @!p0 $0x1;
	_ =	shalt  }
.Lfunc_end2:
_tile_overlayer_lowered:
.L_overlay_start_2:
0xe7: {  	(tag) =	ssettag $0x2  }
0xe8: {  	s0 =	rddreg [dreg:$0x0];
	s2 =	stileid.u32  }
0xe9: {  	s1 =	rddreg [dreg:$0x1];
	p0 =	sne.s32 s2, $0x0  }
0xea: {  	s3 =	rddreg [dreg:$0x2];
	[bflag:$0x3] =	sbarrier.arrive $0xFFFF;
	s2 =	simm.s32 @!p0 $0x1C03  }
0xeb: {  	[timem:s3], [sflag:s2] =	dma.local @!p0 [hbm:s0], s1  }
0xec: {  	s0 =	simm.s32 @!p0 $0x3  }
0xed: {  	_ =	swait.ge @!p0 [sflag:s0], s1  }
0xee: {  	s1 =	ssub.s32 @!p0 $0x0, s1;
	[sflag:s0] =	ssyncset.done @!p0 $0x0  }
0xef: {  	[sflag:s0] =	ssyncadd.s32 @!p0 s1  }
0xf0: {  	[bflag:$0x3] =	sbarrier.arrive $0xFFFF  }
0xf1: {  	_ =	shalt  }

</sc_bundles>
